<compile_context>
chip_gen: v7x
topology: tpu7x:2x2x1
jax: 0.10.2.dev20260603
libtpu: 0.0.44.dev20260713+nightly
codegen_flags: <defaults>
</compile_context>

<pallas_src>
import functools

import jax
import jax.numpy as jnp
from jax import lax
from jax.experimental import pallas as pl
from jax.experimental.pallas import tpu as pltpu
from jax.experimental.pallas import tpu_sc as plsc

N = 16384
C = 5000
NUM_CORES = 2
SUBCORES = 16
NUM_WORKERS = NUM_CORES * SUBCORES
PER_WORKER = N // NUM_WORKERS
WIN = 128
NUM_WIN = PER_WORKER // WIN
LANES = 16


def _loss_kernel(probT_hbm, tgt_hbm, rew_hbm, part_hbm,
                 tgt_v, rew_v, dst0_v, dst1_v, dst2_v, dst3_v,
                 acc_v, sem0, sem1, sem2, sem3, semr):
    cid = lax.axis_index("c")
    sid = lax.axis_index("s")
    wid = cid * SUBCORES + sid
    base = wid * PER_WORKER

    cpts = [
        pltpu.async_copy(
            tgt_hbm.at[pl.ds(base + s * WIN, WIN)],
            tgt_v.at[pl.ds(s * WIN, WIN)], (sem0, sem1, sem2, sem3)[s])
        for s in range(NUM_WIN)
    ]
    cpr = pltpu.async_copy(rew_hbm.at[pl.ds(base, PER_WORKER)], rew_v, semr)

    dsts = (dst0_v, dst1_v, dst2_v, dst3_v)
    sems = (sem0, sem1, sem2, sem3)

    copies = []
    for s in range(NUM_WIN):
        cpts[s].wait()
        copies.append(pltpu.async_copy(
            probT_hbm.at[tgt_v.at[pl.ds(s * WIN, WIN)],
                         pl.ds(base + s * WIN, WIN)],
            dsts[s], sems[s]))
    cpr.wait()

    lane = lax.iota(jnp.int32, LANES)
    acc = jnp.zeros((LANES,), jnp.float32)
    for s in range(NUM_WIN):
        copies[s].wait()
        for g in range(WIN // LANES):
            kk = g * LANES + lane
            picked = plsc.load_gather(dsts[s], [kk, kk])
            acc = acc + picked * rew_v[pl.ds(s * WIN + g * LANES, LANES)]
    acc_v[...] = -acc

    pltpu.sync_copy(acc_v, part_hbm.at[wid])


@jax.jit
def _loss(probT, target, reward):
    mesh = plsc.VectorSubcoreMesh(core_axis_name="c", subcore_axis_name="s",
                                  num_cores=NUM_CORES)
    k = functools.partial(
        pl.kernel,
        mesh=mesh,
        out_type=jax.ShapeDtypeStruct((NUM_WORKERS, LANES), jnp.float32),
        scratch_types=[
            pltpu.VMEM((PER_WORKER,), jnp.int32),
            pltpu.VMEM((PER_WORKER,), jnp.float32),
            pltpu.VMEM((WIN, WIN), jnp.float32),
            pltpu.VMEM((WIN, WIN), jnp.float32),
            pltpu.VMEM((WIN, WIN), jnp.float32),
            pltpu.VMEM((WIN, WIN), jnp.float32),
            pltpu.VMEM((LANES,), jnp.float32),
            pltpu.SemaphoreType.DMA,
            pltpu.SemaphoreType.DMA,
            pltpu.SemaphoreType.DMA,
            pltpu.SemaphoreType.DMA,
            pltpu.SemaphoreType.DMA,
        ],
        compiler_params=pltpu.CompilerParams(
            needs_layout_passes=False,
            skip_device_barrier=True,
        ),
    )(_loss_kernel)
    return k(probT, target, reward)


def kernel(prob, target, reward):
    part = _loss(prob.T, target.astype(jnp.int32), reward)
    return jnp.sum(part)

# --- scband reference (transcript-rebuilt; emitter-appended) ---
"""Pipeline reference for scband-ganloss-63969242907240 (READ-ONLY COPY).

The authoritative reference and input builder live on the scoring server;
editing this copy changes nothing except your own understanding.
"""

import jax, jax.numpy as jnp
import numpy as np

N = 16384
C = 5000

def setup_inputs(seed: int = 0) -> dict:
    key = jax.random.key(seed)
    k1, k2, k3 = jax.random.split(key, 3)
    prob = jax.random.uniform(k1, (N, C), dtype=jnp.float32)
    target = jax.random.randint(k2, (N,), 0, C, dtype=jnp.int64 if jax.config.jax_enable_x64 else jnp.int32).astype(jnp.int32)
    reward = jax.random.uniform(k3, (N,), dtype=jnp.float32)
    return {"prob": prob, "target": target, "reward": reward}

def reference(prob, target, reward):
    # GANLoss.forward_reinforce:
    # one_hot scatter + masked_select == gather prob[i, target[i]]
    picked = jnp.take_along_axis(prob, target[:, None].astype(jnp.int32), axis=1)[:, 0]
    loss = picked * reward
    loss = -jnp.sum(loss)
    return loss

if __name__ == "__main__":
    import jax
    _d = setup_inputs()
    print(jax.jit(kernel)(*tuple(_d.values())))

</pallas_src>

<mosaic_0001>
#map = affine_map<(d0, d1) -> (0, 0)>
#map1 = affine_map<(d0, d1) -> (0)>
module attributes {stable_mosaic.version = 14 : i64} {
  func.func @_loss_kernel(%arg0: i32, %arg1: i32, %arg2: memref<5000x16384xf32, #tpu.memory_space<hbm>>, %arg3: memref<16384xi32, #tpu.memory_space<hbm>>, %arg4: memref<16384xf32, #tpu.memory_space<hbm>>, %arg5: memref<32x16xf32, #tpu.memory_space<hbm>>, %arg6: memref<512xi32, #tpu.memory_space<vmem>>, %arg7: memref<512xf32, #tpu.memory_space<vmem>>, %arg8: memref<128x128xf32, #tpu.memory_space<vmem>>, %arg9: memref<128x128xf32, #tpu.memory_space<vmem>>, %arg10: memref<128x128xf32, #tpu.memory_space<vmem>>, %arg11: memref<128x128xf32, #tpu.memory_space<vmem>>, %arg12: memref<16xf32, #tpu.memory_space<vmem>>, %arg13: memref<!tpu.dma_semaphore, #tpu.memory_space<semaphore_mem>>, %arg14: memref<!tpu.dma_semaphore, #tpu.memory_space<semaphore_mem>>, %arg15: memref<!tpu.dma_semaphore, #tpu.memory_space<semaphore_mem>>, %arg16: memref<!tpu.dma_semaphore, #tpu.memory_space<semaphore_mem>>, %arg17: memref<!tpu.dma_semaphore, #tpu.memory_space<semaphore_mem>>) attributes {dimension_semantics = [#tpu.dimension_semantics<core_parallel>, #tpu.dimension_semantics<subcore_parallel>], iteration_bounds = array<i64: 2, 16>, scalar_prefetch = 0 : i64, scratch_operands = 12 : i64, tpu.core_type = #tpu.core_type<sc_vector_subcore>, window_params = [{transform_indices = #map}, {transform_indices = #map1}, {transform_indices = #map1}, {transform_indices = #map}]} {
    %mul3A = arith.constant 16 : i32
    %mul3A_0 = arith.muli %arg0, %mul3A : i32
    %add3A = arith.addi %mul3A_0, %arg1 : i32
    %mul3A_1 = arith.constant 512 : i32
    %mul3A_2 = arith.muli %add3A, %mul3A_1 : i32
    %add3A_3 = arith.constant 0 : i32
    %add3A_4 = arith.addi %mul3A_2, %add3A_3 : i32
    %dma_start3A = arith.constant 0 : i32
    %dma_start3A_5 = tpu.memref_slice %arg6[%dma_start3A] : memref<512xi32, #tpu.memory_space<vmem>> -> memref<128xi32, #tpu.memory_space<vmem>>
    %dma_start3A_6 = tpu.memref_slice %arg3[%add3A_4] : memref<16384xi32, #tpu.memory_space<hbm>> -> memref<128xi32, #tpu.memory_space<hbm>>
    %dma_start3A_7 = arith.constant 0 : i32
    %dma_start3A_8 = tpu.memref_slice %arg6[%dma_start3A_7] : memref<512xi32, #tpu.memory_space<vmem>> -> memref<128xi32, #tpu.memory_space<vmem>>
    %dma_start3A_9 = tpu.memref_slice %arg3[%add3A_4] : memref<16384xi32, #tpu.memory_space<hbm>> -> memref<128xi32, #tpu.memory_space<hbm>>
    tpu.enqueue_dma source(%dma_start3A_9 : memref<128xi32, #tpu.memory_space<hbm>>) target(%dma_start3A_8 : memref<128xi32, #tpu.memory_space<vmem>>) target_semaphore(%arg13 : memref<!tpu.dma_semaphore, #tpu.memory_space<semaphore_mem>>)
    %add3A_10 = arith.constant 128 : i32
    %add3A_11 = arith.addi %mul3A_2, %add3A_10 : i32
    %dma_start3A_12 = arith.constant 128 : i32
    %dma_start3A_13 = tpu.memref_slice %arg6[%dma_start3A_12] : memref<512xi32, #tpu.memory_space<vmem>> -> memref<128xi32, #tpu.memory_space<vmem>>
    %dma_start3A_14 = tpu.memref_slice %arg3[%add3A_11] : memref<16384xi32, #tpu.memory_space<hbm>> -> memref<128xi32, #tpu.memory_space<hbm>>
    %dma_start3A_15 = arith.constant 128 : i32
    %dma_start3A_16 = tpu.memref_slice %arg6[%dma_start3A_15] : memref<512xi32, #tpu.memory_space<vmem>> -> memref<128xi32, #tpu.memory_space<vmem>>
    %dma_start3A_17 = tpu.memref_slice %arg3[%add3A_11] : memref<16384xi32, #tpu.memory_space<hbm>> -> memref<128xi32, #tpu.memory_space<hbm>>
    tpu.enqueue_dma source(%dma_start3A_17 : memref<128xi32, #tpu.memory_space<hbm>>) target(%dma_start3A_16 : memref<128xi32, #tpu.memory_space<vmem>>) target_semaphore(%arg14 : memref<!tpu.dma_semaphore, #tpu.memory_space<semaphore_mem>>)
    %add3A_18 = arith.constant 256 : i32
    %add3A_19 = arith.addi %mul3A_2, %add3A_18 : i32
    %dma_start3A_20 = arith.constant 256 : i32
    %dma_start3A_21 = tpu.memref_slice %arg6[%dma_start3A_20] : memref<512xi32, #tpu.memory_space<vmem>> -> memref<128xi32, #tpu.memory_space<vmem>>
    %dma_start3A_22 = tpu.memref_slice %arg3[%add3A_19] : memref<16384xi32, #tpu.memory_space<hbm>> -> memref<128xi32, #tpu.memory_space<hbm>>
    %dma_start3A_23 = arith.constant 256 : i32
    %dma_start3A_24 = tpu.memref_slice %arg6[%dma_start3A_23] : memref<512xi32, #tpu.memory_space<vmem>> -> memref<128xi32, #tpu.memory_space<vmem>>
    %dma_start3A_25 = tpu.memref_slice %arg3[%add3A_19] : memref<16384xi32, #tpu.memory_space<hbm>> -> memref<128xi32, #tpu.memory_space<hbm>>
    tpu.enqueue_dma source(%dma_start3A_25 : memref<128xi32, #tpu.memory_space<hbm>>) target(%dma_start3A_24 : memref<128xi32, #tpu.memory_space<vmem>>) target_semaphore(%arg15 : memref<!tpu.dma_semaphore, #tpu.memory_space<semaphore_mem>>)
    %add3A_26 = arith.constant 384 : i32
    %add3A_27 = arith.addi %mul3A_2, %add3A_26 : i32
    %dma_start3A_28 = arith.constant 384 : i32
    %dma_start3A_29 = tpu.memref_slice %arg6[%dma_start3A_28] : memref<512xi32, #tpu.memory_space<vmem>> -> memref<128xi32, #tpu.memory_space<vmem>>
    %dma_start3A_30 = tpu.memref_slice %arg3[%add3A_27] : memref<16384xi32, #tpu.memory_space<hbm>> -> memref<128xi32, #tpu.memory_space<hbm>>
    %dma_start3A_31 = arith.constant 384 : i32
    %dma_start3A_32 = tpu.memref_slice %arg6[%dma_start3A_31] : memref<512xi32, #tpu.memory_space<vmem>> -> memref<128xi32, #tpu.memory_space<vmem>>
    %dma_start3A_33 = tpu.memref_slice %arg3[%add3A_27] : memref<16384xi32, #tpu.memory_space<hbm>> -> memref<128xi32, #tpu.memory_space<hbm>>
    tpu.enqueue_dma source(%dma_start3A_33 : memref<128xi32, #tpu.memory_space<hbm>>) target(%dma_start3A_32 : memref<128xi32, #tpu.memory_space<vmem>>) target_semaphore(%arg16 : memref<!tpu.dma_semaphore, #tpu.memory_space<semaphore_mem>>)
    %dma_start3A_34 = tpu.memref_slice %arg4[%mul3A_2] : memref<16384xf32, #tpu.memory_space<hbm>> -> memref<512xf32, #tpu.memory_space<hbm>>
    %dma_start3A_35 = tpu.memref_slice %arg4[%mul3A_2] : memref<16384xf32, #tpu.memory_space<hbm>> -> memref<512xf32, #tpu.memory_space<hbm>>
    tpu.enqueue_dma source(%dma_start3A_35 : memref<512xf32, #tpu.memory_space<hbm>>) target(%arg7 : memref<512xf32, #tpu.memory_space<vmem>>) target_semaphore(%arg17 : memref<!tpu.dma_semaphore, #tpu.memory_space<semaphore_mem>>)
    %dma_wait3A = arith.constant 0 : i32
    %dma_wait3A_36 = tpu.memref_slice %arg6[%dma_wait3A] : memref<512xi32, #tpu.memory_space<vmem>> -> memref<128xi32, #tpu.memory_space<vmem>>
    %dma_wait3A_37 = tpu.memref_slice %arg3[%add3A_4] : memref<16384xi32, #tpu.memory_space<hbm>> -> memref<128xi32, #tpu.memory_space<hbm>>
    %dma_wait3A_38 = arith.constant 0 : i32
    %dma_wait3A_39 = tpu.memref_slice %arg6[%dma_wait3A_38] : memref<512xi32, #tpu.memory_space<vmem>> -> memref<128xi32, #tpu.memory_space<vmem>>
    %dma_wait3A_40 = tpu.memref_slice %arg3[%add3A_4] : memref<16384xi32, #tpu.memory_space<hbm>> -> memref<128xi32, #tpu.memory_space<hbm>>
    tpu.wait_dma2 semaphore(%arg13 : memref<!tpu.dma_semaphore, #tpu.memory_space<semaphore_mem>>) src(%dma_wait3A_40 : memref<128xi32, #tpu.memory_space<hbm>>) dst(%dma_wait3A_39 : memref<128xi32, #tpu.memory_space<vmem>>)
    %add3A_41 = arith.constant 0 : i32
    %add3A_42 = arith.addi %mul3A_2, %add3A_41 : i32
    %dma_start3A_43 = arith.constant 0 : i32
    %dma_start3A_44 = tpu.memref_slice %arg6[%dma_start3A_43] : memref<512xi32, #tpu.memory_space<vmem>> -> memref<128xi32, #tpu.memory_space<vmem>>
    %dma_start3A_45 = arith.constant 0 : i32
    %dma_start3A_46 = tpu.memref_slice %arg2[%dma_start3A_45, %add3A_42] : memref<5000x16384xf32, #tpu.memory_space<hbm>> -> memref<5000x128xf32, #tpu.memory_space<hbm>>
    tpu.enqueue_indirect_dma source(%dma_start3A_46 : memref<5000x128xf32, #tpu.memory_space<hbm>>) target(%arg8 : memref<128x128xf32, #tpu.memory_space<vmem>>) offsets(%dma_start3A_44 : memref<128xi32, #tpu.memory_space<vmem>>) semaphore(%arg13 : memref<!tpu.dma_semaphore, #tpu.memory_space<semaphore_mem>>)
    %dma_wait3A_47 = arith.constant 128 : i32
    %dma_wait3A_48 = tpu.memref_slice %arg6[%dma_wait3A_47] : memref<512xi32, #tpu.memory_space<vmem>> -> memref<128xi32, #tpu.memory_space<vmem>>
    %dma_wait3A_49 = tpu.memref_slice %arg3[%add3A_11] : memref<16384xi32, #tpu.memory_space<hbm>> -> memref<128xi32, #tpu.memory_space<hbm>>
    %dma_wait3A_50 = arith.constant 128 : i32
    %dma_wait3A_51 = tpu.memref_slice %arg6[%dma_wait3A_50] : memref<512xi32, #tpu.memory_space<vmem>> -> memref<128xi32, #tpu.memory_space<vmem>>
    %dma_wait3A_52 = tpu.memref_slice %arg3[%add3A_11] : memref<16384xi32, #tpu.memory_space<hbm>> -> memref<128xi32, #tpu.memory_space<hbm>>
    tpu.wait_dma2 semaphore(%arg14 : memref<!tpu.dma_semaphore, #tpu.memory_space<semaphore_mem>>) src(%dma_wait3A_52 : memref<128xi32, #tpu.memory_space<hbm>>) dst(%dma_wait3A_51 : memref<128xi32, #tpu.memory_space<vmem>>)
    %add3A_53 = arith.constant 128 : i32
    %add3A_54 = arith.addi %mul3A_2, %add3A_53 : i32
    %dma_start3A_55 = arith.constant 128 : i32
    %dma_start3A_56 = tpu.memref_slice %arg6[%dma_start3A_55] : memref<512xi32, #tpu.memory_space<vmem>> -> memref<128xi32, #tpu.memory_space<vmem>>
    %dma_start3A_57 = arith.constant 0 : i32
    %dma_start3A_58 = tpu.memref_slice %arg2[%dma_start3A_57, %add3A_54] : memref<5000x16384xf32, #tpu.memory_space<hbm>> -> memref<5000x128xf32, #tpu.memory_space<hbm>>
    tpu.enqueue_indirect_dma source(%dma_start3A_58 : memref<5000x128xf32, #tpu.memory_space<hbm>>) target(%arg9 : memref<128x128xf32, #tpu.memory_space<vmem>>) offsets(%dma_start3A_56 : memref<128xi32, #tpu.memory_space<vmem>>) semaphore(%arg14 : memref<!tpu.dma_semaphore, #tpu.memory_space<semaphore_mem>>)
    %dma_wait3A_59 = arith.constant 256 : i32
    %dma_wait3A_60 = tpu.memref_slice %arg6[%dma_wait3A_59] : memref<512xi32, #tpu.memory_space<vmem>> -> memref<128xi32, #tpu.memory_space<vmem>>
    %dma_wait3A_61 = tpu.memref_slice %arg3[%add3A_19] : memref<16384xi32, #tpu.memory_space<hbm>> -> memref<128xi32, #tpu.memory_space<hbm>>
    %dma_wait3A_62 = arith.constant 256 : i32
    %dma_wait3A_63 = tpu.memref_slice %arg6[%dma_wait3A_62] : memref<512xi32, #tpu.memory_space<vmem>> -> memref<128xi32, #tpu.memory_space<vmem>>
    %dma_wait3A_64 = tpu.memref_slice %arg3[%add3A_19] : memref<16384xi32, #tpu.memory_space<hbm>> -> memref<128xi32, #tpu.memory_space<hbm>>
    tpu.wait_dma2 semaphore(%arg15 : memref<!tpu.dma_semaphore, #tpu.memory_space<semaphore_mem>>) src(%dma_wait3A_64 : memref<128xi32, #tpu.memory_space<hbm>>) dst(%dma_wait3A_63 : memref<128xi32, #tpu.memory_space<vmem>>)
    %add3A_65 = arith.constant 256 : i32
    %add3A_66 = arith.addi %mul3A_2, %add3A_65 : i32
    %dma_start3A_67 = arith.constant 256 : i32
    %dma_start3A_68 = tpu.memref_slice %arg6[%dma_start3A_67] : memref<512xi32, #tpu.memory_space<vmem>> -> memref<128xi32, #tpu.memory_space<vmem>>
    %dma_start3A_69 = arith.constant 0 : i32
    %dma_start3A_70 = tpu.memref_slice %arg2[%dma_start3A_69, %add3A_66] : memref<5000x16384xf32, #tpu.memory_space<hbm>> -> memref<5000x128xf32, #tpu.memory_space<hbm>>
    tpu.enqueue_indirect_dma source(%dma_start3A_70 : memref<5000x128xf32, #tpu.memory_space<hbm>>) target(%arg10 : memref<128x128xf32, #tpu.memory_space<vmem>>) offsets(%dma_start3A_68 : memref<128xi32, #tpu.memory_space<vmem>>) semaphore(%arg15 : memref<!tpu.dma_semaphore, #tpu.memory_space<semaphore_mem>>)
    %dma_wait3A_71 = arith.constant 384 : i32
    %dma_wait3A_72 = tpu.memref_slice %arg6[%dma_wait3A_71] : memref<512xi32, #tpu.memory_space<vmem>> -> memref<128xi32, #tpu.memory_space<vmem>>
    %dma_wait3A_73 = tpu.memref_slice %arg3[%add3A_27] : memref<16384xi32, #tpu.memory_space<hbm>> -> memref<128xi32, #tpu.memory_space<hbm>>
    %dma_wait3A_74 = arith.constant 384 : i32
    %dma_wait3A_75 = tpu.memref_slice %arg6[%dma_wait3A_74] : memref<512xi32, #tpu.memory_space<vmem>> -> memref<128xi32, #tpu.memory_space<vmem>>
    %dma_wait3A_76 = tpu.memref_slice %arg3[%add3A_27] : memref<16384xi32, #tpu.memory_space<hbm>> -> memref<128xi32, #tpu.memory_space<hbm>>
    tpu.wait_dma2 semaphore(%arg16 : memref<!tpu.dma_semaphore, #tpu.memory_space<semaphore_mem>>) src(%dma_wait3A_76 : memref<128xi32, #tpu.memory_space<hbm>>) dst(%dma_wait3A_75 : memref<128xi32, #tpu.memory_space<vmem>>)
    %add3A_77 = arith.constant 384 : i32
    %add3A_78 = arith.addi %mul3A_2, %add3A_77 : i32
    %dma_start3A_79 = arith.constant 384 : i32
    %dma_start3A_80 = tpu.memref_slice %arg6[%dma_start3A_79] : memref<512xi32, #tpu.memory_space<vmem>> -> memref<128xi32, #tpu.memory_space<vmem>>
    %dma_start3A_81 = arith.constant 0 : i32
    %dma_start3A_82 = tpu.memref_slice %arg2[%dma_start3A_81, %add3A_78] : memref<5000x16384xf32, #tpu.memory_space<hbm>> -> memref<5000x128xf32, #tpu.memory_space<hbm>>
    tpu.enqueue_indirect_dma source(%dma_start3A_82 : memref<5000x128xf32, #tpu.memory_space<hbm>>) target(%arg11 : memref<128x128xf32, #tpu.memory_space<vmem>>) offsets(%dma_start3A_80 : memref<128xi32, #tpu.memory_space<vmem>>) semaphore(%arg16 : memref<!tpu.dma_semaphore, #tpu.memory_space<semaphore_mem>>)
    %dma_wait3A_83 = tpu.memref_slice %arg4[%mul3A_2] : memref<16384xf32, #tpu.memory_space<hbm>> -> memref<512xf32, #tpu.memory_space<hbm>>
    %dma_wait3A_84 = tpu.memref_slice %arg4[%mul3A_2] : memref<16384xf32, #tpu.memory_space<hbm>> -> memref<512xf32, #tpu.memory_space<hbm>>
    tpu.wait_dma2 semaphore(%arg17 : memref<!tpu.dma_semaphore, #tpu.memory_space<semaphore_mem>>) src(%dma_wait3A_84 : memref<512xf32, #tpu.memory_space<hbm>>) dst(%arg7 : memref<512xf32, #tpu.memory_space<vmem>>)
    %iota3A = tpu.iota {dimensions = array<i32: 0>} : vector<16xi32>
    %broadcast_in_dim3A = arith.constant 0.000000e+00 : f32
    %broadcast_in_dim3A_85 = vector.broadcast %broadcast_in_dim3A : f32 to vector<16xf32>
    %dma_wait3A_86 = arith.constant 0 : i32
    %dma_wait3A_87 = tpu.memref_slice %arg6[%dma_wait3A_86] : memref<512xi32, #tpu.memory_space<vmem>> -> memref<128xi32, #tpu.memory_space<vmem>>
    %dma_wait3A_88 = arith.constant 0 : i32
    %dma_wait3A_89 = tpu.memref_slice %arg2[%dma_wait3A_88, %add3A_42] : memref<5000x16384xf32, #tpu.memory_space<hbm>> -> memref<5000x128xf32, #tpu.memory_space<hbm>>
    tpu.wait_indirect_dma semaphore(%arg13 : memref<!tpu.dma_semaphore, #tpu.memory_space<semaphore_mem>>) src(%dma_wait3A_89 : memref<5000x128xf32, #tpu.memory_space<hbm>>) dst(%arg8 : memref<128x128xf32, #tpu.memory_space<vmem>>)
    %add3A_90 = arith.constant 0 : i32
    %add3A_91 = vector.broadcast %add3A_90 : i32 to vector<16xi32>
    %add3A_92 = arith.addi %add3A_91, %iota3A : vector<16xi32>
    %gather3A = tpu.vector_load_idx %arg8[%add3A_92, %add3A_92] : memref<128x128xf32, #tpu.memory_space<vmem>>[vector<16xi32>, vector<16xi32>], vector<16xf32>,
    %get3A = arith.constant 0 : index
    %get3A_93 = tpu.vector_load %arg7[%get3A] {strides = array<i32>} : memref<512xf32, #tpu.memory_space<vmem>>, vector<16xf32>,
    %mul3A_94 = arith.mulf %gather3A, %get3A_93 : vector<16xf32>
    %add3A_95 = arith.addf %broadcast_in_dim3A_85, %mul3A_94 : vector<16xf32>
    %add3A_96 = arith.constant 16 : i32
    %add3A_97 = vector.broadcast %add3A_96 : i32 to vector<16xi32>
    %add3A_98 = arith.addi %add3A_97, %iota3A : vector<16xi32>
    %gather3A_99 = tpu.vector_load_idx %arg8[%add3A_98, %add3A_98] : memref<128x128xf32, #tpu.memory_space<vmem>>[vector<16xi32>, vector<16xi32>], vector<16xf32>,
    %get3A_100 = arith.constant 16 : index
    %get3A_101 = tpu.vector_load %arg7[%get3A_100] {strides = array<i32>} : memref<512xf32, #tpu.memory_space<vmem>>, vector<16xf32>,
    %mul3A_102 = arith.mulf %gather3A_99, %get3A_101 : vector<16xf32>
    %add3A_103 = arith.addf %add3A_95, %mul3A_102 : vector<16xf32>
    %add3A_104 = arith.constant 32 : i32
    %add3A_105 = vector.broadcast %add3A_104 : i32 to vector<16xi32>
    %add3A_106 = arith.addi %add3A_105, %iota3A : vector<16xi32>
    %gather3A_107 = tpu.vector_load_idx %arg8[%add3A_106, %add3A_106] : memref<128x128xf32, #tpu.memory_space<vmem>>[vector<16xi32>, vector<16xi32>], vector<16xf32>,
    %get3A_108 = arith.constant 32 : index
    %get3A_109 = tpu.vector_load %arg7[%get3A_108] {strides = array<i32>} : memref<512xf32, #tpu.memory_space<vmem>>, vector<16xf32>,
    %mul3A_110 = arith.mulf %gather3A_107, %get3A_109 : vector<16xf32>
    %add3A_111 = arith.addf %add3A_103, %mul3A_110 : vector<16xf32>
    %add3A_112 = arith.constant 48 : i32
    %add3A_113 = vector.broadcast %add3A_112 : i32 to vector<16xi32>
    %add3A_114 = arith.addi %add3A_113, %iota3A : vector<16xi32>
    %gather3A_115 = tpu.vector_load_idx %arg8[%add3A_114, %add3A_114] : memref<128x128xf32, #tpu.memory_space<vmem>>[vector<16xi32>, vector<16xi32>], vector<16xf32>,
    %get3A_116 = arith.constant 48 : index
    %get3A_117 = tpu.vector_load %arg7[%get3A_116] {strides = array<i32>} : memref<512xf32, #tpu.memory_space<vmem>>, vector<16xf32>,
    %mul3A_118 = arith.mulf %gather3A_115, %get3A_117 : vector<16xf32>
    %add3A_119 = arith.addf %add3A_111, %mul3A_118 : vector<16xf32>
    %add3A_120 = arith.constant 64 : i32
    %add3A_121 = vector.broadcast %add3A_120 : i32 to vector<16xi32>
    %add3A_122 = arith.addi %add3A_121, %iota3A : vector<16xi32>
    %gather3A_123 = tpu.vector_load_idx %arg8[%add3A_122, %add3A_122] : memref<128x128xf32, #tpu.memory_space<vmem>>[vector<16xi32>, vector<16xi32>], vector<16xf32>,
    %get3A_124 = arith.constant 64 : index
    %get3A_125 = tpu.vector_load %arg7[%get3A_124] {strides = array<i32>} : memref<512xf32, #tpu.memory_space<vmem>>, vector<16xf32>,
    %mul3A_126 = arith.mulf %gather3A_123, %get3A_125 : vector<16xf32>
    %add3A_127 = arith.addf %add3A_119, %mul3A_126 : vector<16xf32>
    %add3A_128 = arith.constant 80 : i32
    %add3A_129 = vector.broadcast %add3A_128 : i32 to vector<16xi32>
    %add3A_130 = arith.addi %add3A_129, %iota3A : vector<16xi32>
    %gather3A_131 = tpu.vector_load_idx %arg8[%add3A_130, %add3A_130] : memref<128x128xf32, #tpu.memory_space<vmem>>[vector<16xi32>, vector<16xi32>], vector<16xf32>,
    %get3A_132 = arith.constant 80 : index
    %get3A_133 = tpu.vector_load %arg7[%get3A_132] {strides = array<i32>} : memref<512xf32, #tpu.memory_space<vmem>>, vector<16xf32>,
    %mul3A_134 = arith.mulf %gather3A_131, %get3A_133 : vector<16xf32>
    %add3A_135 = arith.addf %add3A_127, %mul3A_134 : vector<16xf32>
    %add3A_136 = arith.constant 96 : i32
    %add3A_137 = vector.broadcast %add3A_136 : i32 to vector<16xi32>
    %add3A_138 = arith.addi %add3A_137, %iota3A : vector<16xi32>
    %gather3A_139 = tpu.vector_load_idx %arg8[%add3A_138, %add3A_138] : memref<128x128xf32, #tpu.memory_space<vmem>>[vector<16xi32>, vector<16xi32>], vector<16xf32>,
    %get3A_140 = arith.constant 96 : index
    %get3A_141 = tpu.vector_load %arg7[%get3A_140] {strides = array<i32>} : memref<512xf32, #tpu.memory_space<vmem>>, vector<16xf32>,
    %mul3A_142 = arith.mulf %gather3A_139, %get3A_141 : vector<16xf32>
    %add3A_143 = arith.addf %add3A_135, %mul3A_142 : vector<16xf32>
    %add3A_144 = arith.constant 112 : i32
    %add3A_145 = vector.broadcast %add3A_144 : i32 to vector<16xi32>
    %add3A_146 = arith.addi %add3A_145, %iota3A : vector<16xi32>
    %gather3A_147 = tpu.vector_load_idx %arg8[%add3A_146, %add3A_146] : memref<128x128xf32, #tpu.memory_space<vmem>>[vector<16xi32>, vector<16xi32>], vector<16xf32>,
    %get3A_148 = arith.constant 112 : index
    %get3A_149 = tpu.vector_load %arg7[%get3A_148] {strides = array<i32>} : memref<512xf32, #tpu.memory_space<vmem>>, vector<16xf32>,
    %mul3A_150 = arith.mulf %gather3A_147, %get3A_149 : vector<16xf32>
    %add3A_151 = arith.addf %add3A_143, %mul3A_150 : vector<16xf32>
    %dma_wait3A_152 = arith.constant 128 : i32
    %dma_wait3A_153 = tpu.memref_slice %arg6[%dma_wait3A_152] : memref<512xi32, #tpu.memory_space<vmem>> -> memref<128xi32, #tpu.memory_space<vmem>>
    %dma_wait3A_154 = arith.constant 0 : i32
    %dma_wait3A_155 = tpu.memref_slice %arg2[%dma_wait3A_154, %add3A_54] : memref<5000x16384xf32, #tpu.memory_space<hbm>> -> memref<5000x128xf32, #tpu.memory_space<hbm>>
    tpu.wait_indirect_dma semaphore(%arg14 : memref<!tpu.dma_semaphore, #tpu.memory_space<semaphore_mem>>) src(%dma_wait3A_155 : memref<5000x128xf32, #tpu.memory_space<hbm>>) dst(%arg9 : memref<128x128xf32, #tpu.memory_space<vmem>>)
    %add3A_156 = arith.constant 0 : i32
    %add3A_157 = vector.broadcast %add3A_156 : i32 to vector<16xi32>
    %add3A_158 = arith.addi %add3A_157, %iota3A : vector<16xi32>
    %gather3A_159 = tpu.vector_load_idx %arg9[%add3A_158, %add3A_158] : memref<128x128xf32, #tpu.memory_space<vmem>>[vector<16xi32>, vector<16xi32>], vector<16xf32>,
    %get3A_160 = arith.constant 128 : index
    %get3A_161 = tpu.vector_load %arg7[%get3A_160] {strides = array<i32>} : memref<512xf32, #tpu.memory_space<vmem>>, vector<16xf32>,
    %mul3A_162 = arith.mulf %gather3A_159, %get3A_161 : vector<16xf32>
    %add3A_163 = arith.addf %add3A_151, %mul3A_162 : vector<16xf32>
    %add3A_164 = arith.constant 16 : i32
    %add3A_165 = vector.broadcast %add3A_164 : i32 to vector<16xi32>
    %add3A_166 = arith.addi %add3A_165, %iota3A : vector<16xi32>
    %gather3A_167 = tpu.vector_load_idx %arg9[%add3A_166, %add3A_166] : memref<128x128xf32, #tpu.memory_space<vmem>>[vector<16xi32>, vector<16xi32>], vector<16xf32>,
    %get3A_168 = arith.constant 144 : index
    %get3A_169 = tpu.vector_load %arg7[%get3A_168] {strides = array<i32>} : memref<512xf32, #tpu.memory_space<vmem>>, vector<16xf32>,
    %mul3A_170 = arith.mulf %gather3A_167, %get3A_169 : vector<16xf32>
    %add3A_171 = arith.addf %add3A_163, %mul3A_170 : vector<16xf32>
    %add3A_172 = arith.constant 32 : i32
    %add3A_173 = vector.broadcast %add3A_172 : i32 to vector<16xi32>
    %add3A_174 = arith.addi %add3A_173, %iota3A : vector<16xi32>
    %gather3A_175 = tpu.vector_load_idx %arg9[%add3A_174, %add3A_174] : memref<128x128xf32, #tpu.memory_space<vmem>>[vector<16xi32>, vector<16xi32>], vector<16xf32>,
    %get3A_176 = arith.constant 160 : index
    %get3A_177 = tpu.vector_load %arg7[%get3A_176] {strides = array<i32>} : memref<512xf32, #tpu.memory_space<vmem>>, vector<16xf32>,
    %mul3A_178 = arith.mulf %gather3A_175, %get3A_177 : vector<16xf32>
    %add3A_179 = arith.addf %add3A_171, %mul3A_178 : vector<16xf32>
    %add3A_180 = arith.constant 48 : i32
    %add3A_181 = vector.broadcast %add3A_180 : i32 to vector<16xi32>
    %add3A_182 = arith.addi %add3A_181, %iota3A : vector<16xi32>
    %gather3A_183 = tpu.vector_load_idx %arg9[%add3A_182, %add3A_182] : memref<128x128xf32, #tpu.memory_space<vmem>>[vector<16xi32>, vector<16xi32>], vector<16xf32>,
    %get3A_184 = arith.constant 176 : index
    %get3A_185 = tpu.vector_load %arg7[%get3A_184] {strides = array<i32>} : memref<512xf32, #tpu.memory_space<vmem>>, vector<16xf32>,
    %mul3A_186 = arith.mulf %gather3A_183, %get3A_185 : vector<16xf32>
    %add3A_187 = arith.addf %add3A_179, %mul3A_186 : vector<16xf32>
    %add3A_188 = arith.constant 64 : i32
    %add3A_189 = vector.broadcast %add3A_188 : i32 to vector<16xi32>
    %add3A_190 = arith.addi %add3A_189, %iota3A : vector<16xi32>
    %gather3A_191 = tpu.vector_load_idx %arg9[%add3A_190, %add3A_190] : memref<128x128xf32, #tpu.memory_space<vmem>>[vector<16xi32>, vector<16xi32>], vector<16xf32>,
    %get3A_192 = arith.constant 192 : index
    %get3A_193 = tpu.vector_load %arg7[%get3A_192] {strides = array<i32>} : memref<512xf32, #tpu.memory_space<vmem>>, vector<16xf32>,
    %mul3A_194 = arith.mulf %gather3A_191, %get3A_193 : vector<16xf32>
    %add3A_195 = arith.addf %add3A_187, %mul3A_194 : vector<16xf32>
    %add3A_196 = arith.constant 80 : i32
    %add3A_197 = vector.broadcast %add3A_196 : i32 to vector<16xi32>
    %add3A_198 = arith.addi %add3A_197, %iota3A : vector<16xi32>
    %gather3A_199 = tpu.vector_load_idx %arg9[%add3A_198, %add3A_198] : memref<128x128xf32, #tpu.memory_space<vmem>>[vector<16xi32>, vector<16xi32>], vector<16xf32>,
    %get3A_200 = arith.constant 208 : index
    %get3A_201 = tpu.vector_load %arg7[%get3A_200] {strides = array<i32>} : memref<512xf32, #tpu.memory_space<vmem>>, vector<16xf32>,
    %mul3A_202 = arith.mulf %gather3A_199, %get3A_201 : vector<16xf32>
    %add3A_203 = arith.addf %add3A_195, %mul3A_202 : vector<16xf32>
    %add3A_204 = arith.constant 96 : i32
    %add3A_205 = vector.broadcast %add3A_204 : i32 to vector<16xi32>
    %add3A_206 = arith.addi %add3A_205, %iota3A : vector<16xi32>
    %gather3A_207 = tpu.vector_load_idx %arg9[%add3A_206, %add3A_206] : memref<128x128xf32, #tpu.memory_space<vmem>>[vector<16xi32>, vector<16xi32>], vector<16xf32>,
    %get3A_208 = arith.constant 224 : index
    %get3A_209 = tpu.vector_load %arg7[%get3A_208] {strides = array<i32>} : memref<512xf32, #tpu.memory_space<vmem>>, vector<16xf32>,
    %mul3A_210 = arith.mulf %gather3A_207, %get3A_209 : vector<16xf32>
    %add3A_211 = arith.addf %add3A_203, %mul3A_210 : vector<16xf32>
    %add3A_212 = arith.constant 112 : i32
    %add3A_213 = vector.broadcast %add3A_212 : i32 to vector<16xi32>
    %add3A_214 = arith.addi %add3A_213, %iota3A : vector<16xi32>
    %gather3A_215 = tpu.vector_load_idx %arg9[%add3A_214, %add3A_214] : memref<128x128xf32, #tpu.memory_space<vmem>>[vector<16xi32>, vector<16xi32>], vector<16xf32>,
    %get3A_216 = arith.constant 240 : index
    %get3A_217 = tpu.vector_load %arg7[%get3A_216] {strides = array<i32>} : memref<512xf32, #tpu.memory_space<vmem>>, vector<16xf32>,
    %mul3A_218 = arith.mulf %gather3A_215, %get3A_217 : vector<16xf32>
    %add3A_219 = arith.addf %add3A_211, %mul3A_218 : vector<16xf32>
    %dma_wait3A_220 = arith.constant 256 : i32
    %dma_wait3A_221 = tpu.memref_slice %arg6[%dma_wait3A_220] : memref<512xi32, #tpu.memory_space<vmem>> -> memref<128xi32, #tpu.memory_space<vmem>>
    %dma_wait3A_222 = arith.constant 0 : i32
    %dma_wait3A_223 = tpu.memref_slice %arg2[%dma_wait3A_222, %add3A_66] : memref<5000x16384xf32, #tpu.memory_space<hbm>> -> memref<5000x128xf32, #tpu.memory_space<hbm>>
    tpu.wait_indirect_dma semaphore(%arg15 : memref<!tpu.dma_semaphore, #tpu.memory_space<semaphore_mem>>) src(%dma_wait3A_223 : memref<5000x128xf32, #tpu.memory_space<hbm>>) dst(%arg10 : memref<128x128xf32, #tpu.memory_space<vmem>>)
    %add3A_224 = arith.constant 0 : i32
    %add3A_225 = vector.broadcast %add3A_224 : i32 to vector<16xi32>
    %add3A_226 = arith.addi %add3A_225, %iota3A : vector<16xi32>
    %gather3A_227 = tpu.vector_load_idx %arg10[%add3A_226, %add3A_226] : memref<128x128xf32, #tpu.memory_space<vmem>>[vector<16xi32>, vector<16xi32>], vector<16xf32>,
    %get3A_228 = arith.constant 256 : index
    %get3A_229 = tpu.vector_load %arg7[%get3A_228] {strides = array<i32>} : memref<512xf32, #tpu.memory_space<vmem>>, vector<16xf32>,
    %mul3A_230 = arith.mulf %gather3A_227, %get3A_229 : vector<16xf32>
    %add3A_231 = arith.addf %add3A_219, %mul3A_230 : vector<16xf32>
    %add3A_232 = arith.constant 16 : i32
    %add3A_233 = vector.broadcast %add3A_232 : i32 to vector<16xi32>
    %add3A_234 = arith.addi %add3A_233, %iota3A : vector<16xi32>
    %gather3A_235 = tpu.vector_load_idx %arg10[%add3A_234, %add3A_234] : memref<128x128xf32, #tpu.memory_space<vmem>>[vector<16xi32>, vector<16xi32>], vector<16xf32>,
    %get3A_236 = arith.constant 272 : index
    %get3A_237 = tpu.vector_load %arg7[%get3A_236] {strides = array<i32>} : memref<512xf32, #tpu.memory_space<vmem>>, vector<16xf32>,
    %mul3A_238 = arith.mulf %gather3A_235, %get3A_237 : vector<16xf32>
    %add3A_239 = arith.addf %add3A_231, %mul3A_238 : vector<16xf32>
    %add3A_240 = arith.constant 32 : i32
    %add3A_241 = vector.broadcast %add3A_240 : i32 to vector<16xi32>
    %add3A_242 = arith.addi %add3A_241, %iota3A : vector<16xi32>
    %gather3A_243 = tpu.vector_load_idx %arg10[%add3A_242, %add3A_242] : memref<128x128xf32, #tpu.memory_space<vmem>>[vector<16xi32>, vector<16xi32>], vector<16xf32>,
    %get3A_244 = arith.constant 288 : index
    %get3A_245 = tpu.vector_load %arg7[%get3A_244] {strides = array<i32>} : memref<512xf32, #tpu.memory_space<vmem>>, vector<16xf32>,
    %mul3A_246 = arith.mulf %gather3A_243, %get3A_245 : vector<16xf32>
    %add3A_247 = arith.addf %add3A_239, %mul3A_246 : vector<16xf32>
    %add3A_248 = arith.constant 48 : i32
    %add3A_249 = vector.broadcast %add3A_248 : i32 to vector<16xi32>
    %add3A_250 = arith.addi %add3A_249, %iota3A : vector<16xi32>
    %gather3A_251 = tpu.vector_load_idx %arg10[%add3A_250, %add3A_250] : memref<128x128xf32, #tpu.memory_space<vmem>>[vector<16xi32>, vector<16xi32>], vector<16xf32>,
    %get3A_252 = arith.constant 304 : index
    %get3A_253 = tpu.vector_load %arg7[%get3A_252] {strides = array<i32>} : memref<512xf32, #tpu.memory_space<vmem>>, vector<16xf32>,
    %mul3A_254 = arith.mulf %gather3A_251, %get3A_253 : vector<16xf32>
    %add3A_255 = arith.addf %add3A_247, %mul3A_254 : vector<16xf32>
    %add3A_256 = arith.constant 64 : i32
    %add3A_257 = vector.broadcast %add3A_256 : i32 to vector<16xi32>
    %add3A_258 = arith.addi %add3A_257, %iota3A : vector<16xi32>
    %gather3A_259 = tpu.vector_load_idx %arg10[%add3A_258, %add3A_258] : memref<128x128xf32, #tpu.memory_space<vmem>>[vector<16xi32>, vector<16xi32>], vector<16xf32>,
    %get3A_260 = arith.constant 320 : index
    %get3A_261 = tpu.vector_load %arg7[%get3A_260] {strides = array<i32>} : memref<512xf32, #tpu.memory_space<vmem>>, vector<16xf32>,
    %mul3A_262 = arith.mulf %gather3A_259, %get3A_261 : vector<16xf32>
    %add3A_263 = arith.addf %add3A_255, %mul3A_262 : vector<16xf32>
    %add3A_264 = arith.constant 80 : i32
    %add3A_265 = vector.broadcast %add3A_264 : i32 to vector<16xi32>
    %add3A_266 = arith.addi %add3A_265, %iota3A : vector<16xi32>
    %gather3A_267 = tpu.vector_load_idx %arg10[%add3A_266, %add3A_266] : memref<128x128xf32, #tpu.memory_space<vmem>>[vector<16xi32>, vector<16xi32>], vector<16xf32>,
    %get3A_268 = arith.constant 336 : index
    %get3A_269 = tpu.vector_load %arg7[%get3A_268] {strides = array<i32>} : memref<512xf32, #tpu.memory_space<vmem>>, vector<16xf32>,
    %mul3A_270 = arith.mulf %gather3A_267, %get3A_269 : vector<16xf32>
    %add3A_271 = arith.addf %add3A_263, %mul3A_270 : vector<16xf32>
    %add3A_272 = arith.constant 96 : i32
    %add3A_273 = vector.broadcast %add3A_272 : i32 to vector<16xi32>
    %add3A_274 = arith.addi %add3A_273, %iota3A : vector<16xi32>
    %gather3A_275 = tpu.vector_load_idx %arg10[%add3A_274, %add3A_274] : memref<128x128xf32, #tpu.memory_space<vmem>>[vector<16xi32>, vector<16xi32>], vector<16xf32>,
    %get3A_276 = arith.constant 352 : index
    %get3A_277 = tpu.vector_load %arg7[%get3A_276] {strides = array<i32>} : memref<512xf32, #tpu.memory_space<vmem>>, vector<16xf32>,
    %mul3A_278 = arith.mulf %gather3A_275, %get3A_277 : vector<16xf32>
    %add3A_279 = arith.addf %add3A_271, %mul3A_278 : vector<16xf32>
    %add3A_280 = arith.constant 112 : i32
    %add3A_281 = vector.broadcast %add3A_280 : i32 to vector<16xi32>
    %add3A_282 = arith.addi %add3A_281, %iota3A : vector<16xi32>
    %gather3A_283 = tpu.vector_load_idx %arg10[%add3A_282, %add3A_282] : memref<128x128xf32, #tpu.memory_space<vmem>>[vector<16xi32>, vector<16xi32>], vector<16xf32>,
    %get3A_284 = arith.constant 368 : index
    %get3A_285 = tpu.vector_load %arg7[%get3A_284] {strides = array<i32>} : memref<512xf32, #tpu.memory_space<vmem>>, vector<16xf32>,
    %mul3A_286 = arith.mulf %gather3A_283, %get3A_285 : vector<16xf32>
    %add3A_287 = arith.addf %add3A_279, %mul3A_286 : vector<16xf32>
    %dma_wait3A_288 = arith.constant 384 : i32
    %dma_wait3A_289 = tpu.memref_slice %arg6[%dma_wait3A_288] : memref<512xi32, #tpu.memory_space<vmem>> -> memref<128xi32, #tpu.memory_space<vmem>>
    %dma_wait3A_290 = arith.constant 0 : i32
    %dma_wait3A_291 = tpu.memref_slice %arg2[%dma_wait3A_290, %add3A_78] : memref<5000x16384xf32, #tpu.memory_space<hbm>> -> memref<5000x128xf32, #tpu.memory_space<hbm>>
    tpu.wait_indirect_dma semaphore(%arg16 : memref<!tpu.dma_semaphore, #tpu.memory_space<semaphore_mem>>) src(%dma_wait3A_291 : memref<5000x128xf32, #tpu.memory_space<hbm>>) dst(%arg11 : memref<128x128xf32, #tpu.memory_space<vmem>>)
    %add3A_292 = arith.constant 0 : i32
    %add3A_293 = vector.broadcast %add3A_292 : i32 to vector<16xi32>
    %add3A_294 = arith.addi %add3A_293, %iota3A : vector<16xi32>
    %gather3A_295 = tpu.vector_load_idx %arg11[%add3A_294, %add3A_294] : memref<128x128xf32, #tpu.memory_space<vmem>>[vector<16xi32>, vector<16xi32>], vector<16xf32>,
    %get3A_296 = arith.constant 384 : index
    %get3A_297 = tpu.vector_load %arg7[%get3A_296] {strides = array<i32>} : memref<512xf32, #tpu.memory_space<vmem>>, vector<16xf32>,
    %mul3A_298 = arith.mulf %gather3A_295, %get3A_297 : vector<16xf32>
    %add3A_299 = arith.addf %add3A_287, %mul3A_298 : vector<16xf32>
    %add3A_300 = arith.constant 16 : i32
    %add3A_301 = vector.broadcast %add3A_300 : i32 to vector<16xi32>
    %add3A_302 = arith.addi %add3A_301, %iota3A : vector<16xi32>
    %gather3A_303 = tpu.vector_load_idx %arg11[%add3A_302, %add3A_302] : memref<128x128xf32, #tpu.memory_space<vmem>>[vector<16xi32>, vector<16xi32>], vector<16xf32>,
    %get3A_304 = arith.constant 400 : index
    %get3A_305 = tpu.vector_load %arg7[%get3A_304] {strides = array<i32>} : memref<512xf32, #tpu.memory_space<vmem>>, vector<16xf32>,
    %mul3A_306 = arith.mulf %gather3A_303, %get3A_305 : vector<16xf32>
    %add3A_307 = arith.addf %add3A_299, %mul3A_306 : vector<16xf32>
    %add3A_308 = arith.constant 32 : i32
    %add3A_309 = vector.broadcast %add3A_308 : i32 to vector<16xi32>
    %add3A_310 = arith.addi %add3A_309, %iota3A : vector<16xi32>
    %gather3A_311 = tpu.vector_load_idx %arg11[%add3A_310, %add3A_310] : memref<128x128xf32, #tpu.memory_space<vmem>>[vector<16xi32>, vector<16xi32>], vector<16xf32>,
    %get3A_312 = arith.constant 416 : index
    %get3A_313 = tpu.vector_load %arg7[%get3A_312] {strides = array<i32>} : memref<512xf32, #tpu.memory_space<vmem>>, vector<16xf32>,
    %mul3A_314 = arith.mulf %gather3A_311, %get3A_313 : vector<16xf32>
    %add3A_315 = arith.addf %add3A_307, %mul3A_314 : vector<16xf32>
    %add3A_316 = arith.constant 48 : i32
    %add3A_317 = vector.broadcast %add3A_316 : i32 to vector<16xi32>
    %add3A_318 = arith.addi %add3A_317, %iota3A : vector<16xi32>
    %gather3A_319 = tpu.vector_load_idx %arg11[%add3A_318, %add3A_318] : memref<128x128xf32, #tpu.memory_space<vmem>>[vector<16xi32>, vector<16xi32>], vector<16xf32>,
    %get3A_320 = arith.constant 432 : index
    %get3A_321 = tpu.vector_load %arg7[%get3A_320] {strides = array<i32>} : memref<512xf32, #tpu.memory_space<vmem>>, vector<16xf32>,
    %mul3A_322 = arith.mulf %gather3A_319, %get3A_321 : vector<16xf32>
    %add3A_323 = arith.addf %add3A_315, %mul3A_322 : vector<16xf32>
    %add3A_324 = arith.constant 64 : i32
    %add3A_325 = vector.broadcast %add3A_324 : i32 to vector<16xi32>
    %add3A_326 = arith.addi %add3A_325, %iota3A : vector<16xi32>
    %gather3A_327 = tpu.vector_load_idx %arg11[%add3A_326, %add3A_326] : memref<128x128xf32, #tpu.memory_space<vmem>>[vector<16xi32>, vector<16xi32>], vector<16xf32>,
    %get3A_328 = arith.constant 448 : index
    %get3A_329 = tpu.vector_load %arg7[%get3A_328] {strides = array<i32>} : memref<512xf32, #tpu.memory_space<vmem>>, vector<16xf32>,
    %mul3A_330 = arith.mulf %gather3A_327, %get3A_329 : vector<16xf32>
    %add3A_331 = arith.addf %add3A_323, %mul3A_330 : vector<16xf32>
    %add3A_332 = arith.constant 80 : i32
    %add3A_333 = vector.broadcast %add3A_332 : i32 to vector<16xi32>
    %add3A_334 = arith.addi %add3A_333, %iota3A : vector<16xi32>
    %gather3A_335 = tpu.vector_load_idx %arg11[%add3A_334, %add3A_334] : memref<128x128xf32, #tpu.memory_space<vmem>>[vector<16xi32>, vector<16xi32>], vector<16xf32>,
    %get3A_336 = arith.constant 464 : index
    %get3A_337 = tpu.vector_load %arg7[%get3A_336] {strides = array<i32>} : memref<512xf32, #tpu.memory_space<vmem>>, vector<16xf32>,
    %mul3A_338 = arith.mulf %gather3A_335, %get3A_337 : vector<16xf32>
    %add3A_339 = arith.addf %add3A_331, %mul3A_338 : vector<16xf32>
    %add3A_340 = arith.constant 96 : i32
    %add3A_341 = vector.broadcast %add3A_340 : i32 to vector<16xi32>
    %add3A_342 = arith.addi %add3A_341, %iota3A : vector<16xi32>
    %gather3A_343 = tpu.vector_load_idx %arg11[%add3A_342, %add3A_342] : memref<128x128xf32, #tpu.memory_space<vmem>>[vector<16xi32>, vector<16xi32>], vector<16xf32>,
    %get3A_344 = arith.constant 480 : index
    %get3A_345 = tpu.vector_load %arg7[%get3A_344] {strides = array<i32>} : memref<512xf32, #tpu.memory_space<vmem>>, vector<16xf32>,
    %mul3A_346 = arith.mulf %gather3A_343, %get3A_345 : vector<16xf32>
    %add3A_347 = arith.addf %add3A_339, %mul3A_346 : vector<16xf32>
    %add3A_348 = arith.constant 112 : i32
    %add3A_349 = vector.broadcast %add3A_348 : i32 to vector<16xi32>
    %add3A_350 = arith.addi %add3A_349, %iota3A : vector<16xi32>
    %gather3A_351 = tpu.vector_load_idx %arg11[%add3A_350, %add3A_350] : memref<128x128xf32, #tpu.memory_space<vmem>>[vector<16xi32>, vector<16xi32>], vector<16xf32>,
    %get3A_352 = arith.constant 496 : index
    %get3A_353 = tpu.vector_load %arg7[%get3A_352] {strides = array<i32>} : memref<512xf32, #tpu.memory_space<vmem>>, vector<16xf32>,
    %mul3A_354 = arith.mulf %gather3A_351, %get3A_353 : vector<16xf32>
    %add3A_355 = arith.addf %add3A_347, %mul3A_354 : vector<16xf32>
    %neg3A = arith.constant 0.000000e+00 : f32
    %neg3A_356 = vector.broadcast %neg3A : f32 to vector<16xf32>
    %neg3A_357 = arith.subf %neg3A_356, %add3A_355 : vector<16xf32>
    %swap3A = arith.constant 0 : index
    %swap3A_358 = tpu.vector_load %arg12[%swap3A] {strides = array<i32>} : memref<16xf32, #tpu.memory_space<vmem>>, vector<16xf32>,
    tpu.vector_store %arg12[%swap3A], %neg3A_357 {strides = array<i32>} : memref<16xf32, #tpu.memory_space<vmem>>, vector<16xf32>,
    "tpu.region"() ({
      %run_scoped3A = tpu.sem_alloc : memref<!tpu.dma_semaphore, #tpu.memory_space<semaphore_mem>>
      %dma_start3A_359 = arith.constant 0 : i32
      %dma_start3A_360 = tpu.memref_slice %arg5[%add3A, %dma_start3A_359] : memref<32x16xf32, #tpu.memory_space<hbm>> -> memref<1x16xf32, #tpu.memory_space<hbm>>
      %dma_start3A_361 = tpu.memref_squeeze %dma_start3A_360 : memref<1x16xf32, #tpu.memory_space<hbm>> -> memref<16xf32, #tpu.memory_space<hbm>>
      %dma_start3A_362 = arith.constant 0 : i32
      %dma_start3A_363 = tpu.memref_slice %arg5[%add3A, %dma_start3A_362] : memref<32x16xf32, #tpu.memory_space<hbm>> -> memref<1x16xf32, #tpu.memory_space<hbm>>
      %dma_start3A_364 = tpu.memref_squeeze %dma_start3A_363 : memref<1x16xf32, #tpu.memory_space<hbm>> -> memref<16xf32, #tpu.memory_space<hbm>>
      tpu.enqueue_dma source(%arg12 : memref<16xf32, #tpu.memory_space<vmem>>) target(%dma_start3A_364 : memref<16xf32, #tpu.memory_space<hbm>>) target_semaphore(%run_scoped3A : memref<!tpu.dma_semaphore, #tpu.memory_space<semaphore_mem>>)
      %dma_wait3A_365 = arith.constant 0 : i32
      %dma_wait3A_366 = tpu.memref_slice %arg5[%add3A, %dma_wait3A_365] : memref<32x16xf32, #tpu.memory_space<hbm>> -> memref<1x16xf32, #tpu.memory_space<hbm>>
      %dma_wait3A_367 = tpu.memref_squeeze %dma_wait3A_366 : memref<1x16xf32, #tpu.memory_space<hbm>> -> memref<16xf32, #tpu.memory_space<hbm>>
      %dma_wait3A_368 = arith.constant 0 : i32
      %dma_wait3A_369 = tpu.memref_slice %arg5[%add3A, %dma_wait3A_368] : memref<32x16xf32, #tpu.memory_space<hbm>> -> memref<1x16xf32, #tpu.memory_space<hbm>>
      %dma_wait3A_370 = tpu.memref_squeeze %dma_wait3A_369 : memref<1x16xf32, #tpu.memory_space<hbm>> -> memref<16xf32, #tpu.memory_space<hbm>>
      tpu.wait_dma2 semaphore(%run_scoped3A : memref<!tpu.dma_semaphore, #tpu.memory_space<semaphore_mem>>) src(%arg12 : memref<16xf32, #tpu.memory_space<vmem>>) dst(%dma_wait3A_370 : memref<16xf32, #tpu.memory_space<hbm>>)
      tpu.yield
    }) : () -> ()
    return
  }
}

</mosaic_0001>

<sc_bundles>
// kernel: _loss.3.cloned.1.call-start
scs
__scs_entry_jumppad:
0x0: {  	(pc) =	sbr.rel $0x88, $3  }
0x1: {  	(tag) =	ssettag $0x0;
	lr =	simm.s32 $0x1  }
0x2: {  	[smem:$0x3F9E] =	sst lr;
	_ =	strace $0xD0000000  }
0x3: {  	_ = 	snop  }
0x4: {  	_ = 	snop  }
0x5: {  	_ = 	snop  }
0x6: {  	_ = 	snop  }
0x7: {  	_ = 	snop  }
__scs_overlays_trampoline_lowered:
0x8: {  	[smem:$0x3FAD] =	sst s0  }
0x9: {  	[smem:$0x3FAE] =	sst s1  }
0xa: {  	[smem:$0x3FAF] =	sst s2  }
0xb: {  	[smem:$0x3FB0] =	sst s3  }
0xc: {  	[smem:$0x3FB1] =	sst s4  }
0xd: {  	[smem:$0x3FB2] =	sst s5  }
0xe: {  	[smem:$0x3FB3] =	sst s6  }
0xf: {  	[smem:$0x3FB4] =	sst s7  }
0x10: {  	[smem:$0x3FB5] =	sst s8  }
0x11: {  	[smem:$0x3FB6] =	sst s9;
	s0 =	simm.s32 @!p0 $0x0  }
0x12: {  	s1 =	sld [smem:$0x3F9C];
	s0 =	simm.s32 @p0 $0x1  }
0x13: {  	[smem:$0x3FB7] =	sst s0;
	s0 =	simm.s32 @!p1 $0x0  }
0x14: {  	s2 =	sld [smem:$0x3F9B];
	s0 =	simm.s32 @p1 $0x1  }
0x15: {  	[smem:$0x3FB8] =	sst s0;
	s0 =	simm.s32 @!p2 $0x0  }
0x16: {  	s3 =	sld [smem:$0x3FDB];
	s0 =	simm.s32 @p2 $0x1  }
0x17: {  	s4 =	simm.s32 $0x1BF5;
	[smem:$0x3FBA] =	sst s0  }
0x18: {  	s0 =	sld [smem:$0x3F9D];
	_ =	swait.ge [sflag:s4], $0x0  }
0x19: {  	s7 =	sld [smem:$0x3F9E]  }
0x1a: {  	s8 =	sadd.s32 $0xFFFFE003, lr  }
0x1b: {  	s9 =	sadd.s32 $0xFFFFFEF7, lr;
	s5 =	simm.s32 $0xFFFFFFFF;
	p2 =	slt.u32 s8, $0xFFFFF086  }
0x1c: {  	p1 =	slt.u32 s9, $0xF7A;
	s5 =	simm.s32 @!p2 $0x0  }
0x1d: {  	s5 =	simm.s32 @p1 $0x1;
	p0 =	seq.s32 s7, s2  }
0x1e: {  	s7 =	smul.u32 @!p0 $0xF7A, s2;
	p2 =	seq.s32 @!p0 s5, $0x0  }
0x1f: {  	s9 =	smul.u32 $0xF7A, s1;
	s8 =	simm.s32 @!p0 $0x1BF5;
	p2 =	por !p2, p0  }
0x20: {  	[sflag:s8] =	ssyncset.s32 @!p0 $0xFFFFF086;
	s6 =	sadd.s32 @!p0 s3, s7;
	s7 =	simm.s32 @!p0 $0x108  }
0x21: {  	s3 =	sadd.s32 s3, s9;
	s6 =	sadd.s32 @!p0 $0x88, s6;
	s7 =	simm.s32 @p2 $0x1082  }
0x22: {  	[simem:s7], [sflag:s8] =	dma.local @!p0 [hbm:s6], $0xF7A  }
0x23: {  	s9 =	sor.u32 $0xD0000000, s2;
	s6 =	simm.s32 $0x108;
	_ =	swait.ge @!p0 [sflag:s8], $0x0  }
0x24: {  	s3 =	sadd.s32 $0x88, s3;
	s6 =	simm.s32 @!p1 $0x1082;
	[sflag:s4] =	ssyncset.s32 $0xFFFFF086  }
0x25: {  	[simem:s6], [sflag:s4] =	dma.local [hbm:s3], $0xF7A  }
0x26: {  	[smem:$0x3F9E] =	sst s1;
	(tag) =	ssettag s2;
	_ =	strace s9  }
0x27: {  	s1 =	sld [smem:$0x3FAE]  }
0x28: {  	s2 =	sld [smem:$0x3FAF]  }
0x29: {  	s4 =	sld [smem:$0x3FB1]  }
0x2a: {  	p0 =	seq.s32 s5, $0x0;
	s5 =	sld [smem:$0x3FB2]  }
0x2b: {  	s6 =	sld [smem:$0x3FB3]  }
0x2c: {  	s7 =	sld [smem:$0x3FB4]  }
0x2d: {  	s3 =	simm.s32 $0x108;
	s8 =	sld [smem:$0x3FB5]  }
0x2e: {  	s3 =	simm.s32 @!p0 $0x1082;
	s9 =	sld [smem:$0x3FB6]  }
0x2f: {  	lr =	sadd.s32 s0, s3;
	s0 =	sld [smem:$0x3FAD]  }
0x30: {  	s3 =	sld [smem:$0x3FB0]  }
0x31: {  	[smem:$0x3FB9] =	sst s10  }
0x32: {  	s10 =	sld [smem:$0x3FB7];
	_ =	sdelay $0x3  }
0x33: {  	p0 =	seq.s32 s10, $0x1;
	s10 =	sld [smem:$0x3FB9];
	_ =	sdelay $0x3  }
0x34: {  	[smem:$0x3FB9] =	sst s10  }
0x35: {  	s10 =	sld [smem:$0x3FB8];
	_ =	sdelay $0x3  }
0x36: {  	p1 =	seq.s32 s10, $0x1;
	s10 =	sld [smem:$0x3FB9];
	_ =	sdelay $0x3  }
0x37: {  	[smem:$0x3FB9] =	sst s10  }
0x38: {  	s10 =	sld [smem:$0x3FBA]  }
0x39: {  	_ = 	snop;
	(pc) =	sbr.ind lr, $3  }
0x3a: {  	_ = 	snop  }
0x3b: {  	_ = 	snop  }
0x3c: {  	p2 =	seq.s32 s10, $0x1;
	s10 =	sld [smem:$0x3FB9]  }
0x3d: {  	_ =	shalt  }
0x3e: {  	_ =	shalt  }
0x3f: {  	_ =	shalt  }
0x40: {  	_ =	shalt  }
0x41: {  	_ =	shalt  }
0x42: {  	_ =	shalt  }
0x43: {  	_ =	shalt  }
0x44: {  	_ =	shalt  }
0x45: {  	_ =	shalt  }
0x46: {  	_ =	shalt  }
0x47: {  	_ =	shalt  }
0x48: {  	_ =	shalt  }
0x49: {  	_ =	shalt  }
0x4a: {  	_ =	shalt  }
0x4b: {  	_ =	shalt  }
0x4c: {  	_ =	shalt  }
0x4d: {  	_ =	shalt  }
0x4e: {  	_ =	shalt  }
0x4f: {  	_ =	shalt  }
0x50: {  	_ =	shalt  }
0x51: {  	_ =	shalt  }
0x52: {  	_ =	shalt  }
0x53: {  	_ =	shalt  }
0x54: {  	_ =	shalt  }
0x55: {  	_ =	shalt  }
0x56: {  	_ =	shalt  }
0x57: {  	_ =	shalt  }
0x58: {  	_ =	shalt  }
0x59: {  	_ =	shalt  }
0x5a: {  	_ =	shalt  }
0x5b: {  	_ =	shalt  }
0x5c: {  	_ =	shalt  }
0x5d: {  	_ =	shalt  }
0x5e: {  	_ =	shalt  }
0x5f: {  	_ =	shalt  }
0x60: {  	_ =	shalt  }
0x61: {  	_ =	shalt  }
0x62: {  	_ =	shalt  }
0x63: {  	_ =	shalt  }
0x64: {  	_ =	shalt  }
0x65: {  	_ =	shalt  }
0x66: {  	_ =	shalt  }
0x67: {  	_ =	shalt  }
0x68: {  	_ =	shalt  }
0x69: {  	_ =	shalt  }
0x6a: {  	_ =	shalt  }
0x6b: {  	_ =	shalt  }
0x6c: {  	_ =	shalt  }
0x6d: {  	_ =	shalt  }
0x6e: {  	_ =	shalt  }
0x6f: {  	_ =	shalt  }
0x70: {  	_ =	shalt  }
0x71: {  	_ =	shalt  }
0x72: {  	_ =	shalt  }
0x73: {  	_ =	shalt  }
0x74: {  	_ =	shalt  }
0x75: {  	_ =	shalt  }
0x76: {  	_ =	shalt  }
0x77: {  	_ =	shalt  }
0x78: {  	_ =	shalt  }
0x79: {  	_ =	shalt  }
0x7a: {  	_ =	shalt  }
0x7b: {  	_ =	shalt  }
0x7c: {  	_ =	shalt  }
0x7d: {  	_ =	shalt  }
0x7e: {  	_ =	shalt  }
0x7f: {  	_ =	shalt  }
0x80: {  	_ =	shalt  }
0x81: {  	_ =	shalt  }
0x82: {  	_ =	shalt  }
0x83: {  	_ =	shalt  }
0x84: {  	_ =	shalt  }
0x85: {  	_ =	shalt  }
0x86: {  	_ =	shalt  }
0x87: {  	_ =	shalt  }
.Lfunc_end0:
.L_simem_size_0:
called_computation_lowered:
.L_overlay_start_0:
0x88: {  	s2 =	sld [smem:$0x3FD9]  }
0x89: {  	s3 =	sld [smem:$0x3FFE];
	_ =	sdelay $0x1  }
0x8a: {  	s1 =	srdreg.scid  }
0x8b: {  	s0 =	sand.u32 $0x1, s1  }
0x8c: {  	s17 =	sshll.u32 s0, $0xA;
	s2 =	sadd.s32 s3, s2  }
0x8d: {  	s2 =	sadd.s32 s2, s17  }
0x8e: {  	[smem:$0x3FC5] =	sst s2  }
0x8f: {  	_ = 	snop  }
0x90: {  	s2 =	sld [smem:$0x3FC9]  }
0x91: {  	s18 =	sld [smem:$0x3FC8]  }
0x92: {  	s4 =	sld [smem:$0x3FC7];
	(tm) =	ssettm $0x1  }
0x93: {  	s5 =	sld [smem:$0x3FFB];
	_ =	sdelay $0x3  }
0x94: {  	_ =	strace s5  }
0x95: {  	s5 =	sld [smem:$0x3FFC];
	_ =	sdelay $0x3  }
0x96: {  	_ =	strace s5  }
0x97: {  	s5 =	sld [smem:$0x3FFD];
	_ =	sdelay $0x3  }
0x98: {  	_ =	strace s5  }
0x99: {  	_ =	strace $0x8FFFFFFF  }
0x9a: {  	s19 =	sld [smem:$0x3FDB];
	_ =	sdelay $0x1  }
0x9b: {  	s6 =	simm.s32 $_scs_section_size  }
0x9c: {  	s7 =	simm.s32 $_size__tile_overlayer_lowered;
	s8 =	simm.s32 $_tile_overlayer_lowered  }
0x9d: {  	s22 =	simm.s32 $0x1BFF;
	s21 =	sshll.u32 s8, $0x1;
	s5 =	sadd.s32 s6, s19  }
0x9e: {  	s9 =	simm.s32 $0x0;
	s20 =	sshll.u32 s7, $0x1;
	s7 =	sadd.s32 s21, s5  }
0x9f: {  	[timem:s9], [sflag:s22] =	dma.local [hbm:s7], s20  }
0xa0: {  	_ =	swait.ge [sflag:s22], s20  }
0xa1: {  	s6 =	ssub.s32 $0x0, s20;
	[sflag:s22] =	ssyncset.done $0x0  }
0xa2: {  	[sflag:s22] =	ssyncadd.s32 s6;
	_ =	sdelay $0x1  }
0xa3: {  	s23 =	simm.s32 $0x1B8B  }
0xa4: {  	_ =	swait.ge [sflag:s23], $0x1  }
0xa5: {  	[sflag:s23] =	ssyncset.done $0x0  }
0xa6: {  	s25 =	simm.s32 $0x1B8E;
	s24 =	sld [smem:$0x3FFE];
	[sflag:s23] =	ssyncadd.s32 $0xFFFFFFFF  }
0xa7: {  	s26 =	simm.s32 $execute0_lowered;
	[smem:$0x3FD2] =	sst s25  }
0xa8: {  	s7 =	sshll.u32 s26, $0x1;
	_ =	strace $0x80000046;
	[dreg:$0x1] =	wrdreg $0xFFFFFFFF  }
0xa9: {  	s28 =	simm.s32 $_size_execute0_lowered;
	s5 =	sadd.s32 s5, s7;
	[dreg:$0x0] =	wrdreg $0x0  }
0xaa: {  	s7 =	sshll.u32 s28, $0x1;
	[dreg:$0x2] =	wrdreg s5  }
0xab: {  	[dreg:$0x3] =	wrdreg s7  }
0xac: {  	[dreg:$0x4] =	wrdreg $0xC0  }
0xad: {  	_ =	task [dreg:s9], $0x5FFFF  }
0xae: {  	[dreg:$0x1] =	wrdreg $0xFFFFFFFF  }
0xaf: {  	[dreg:$0x0] =	wrdreg $0x60  }
0xb0: {  	[dreg:$0x2] =	wrdreg s2  }
0xb1: {  	[dreg:$0x3] =	wrdreg s18  }
0xb2: {  	[dreg:$0x4] =	wrdreg s4  }
0xb3: {  	[dreg:$0x5] =	wrdreg s24  }
0xb4: {  	[dreg:$0x6] =	wrdreg $0x9  }
0xb5: {  	_ =	task.clear_ibuf [dreg:s9], $0x7FFFF;
	_ =	strace $0x90000046  }
0xb6: {  	s29 =	simm.s32 $0x9;
	_ =	strace $0x80000048  }
0xb7: {  	_ =	swait.ge [sflag:s29], $0x1  }
0xb8: {  	[sflag:s29] =	ssyncadd.s32 $0xFFFFFFFF  }
0xb9: {  	_ =	strace $0x90000048  }
0xba: {  	_ =	sfence  }
0xbb: {  	s30 =	sld [smem:$0x0];
	_ =	sdelay $0x2  }
0xbc: {  	s31 =	sshll.u32 s1, $0xD;
	s1 =	sshrl.u32 s1, $0x2  }
0xbd: {  	s3 =	sand.u32 $0x4000, s31;
	s1 =	sadd.s32 s1, s30  }
0xbe: {  	s0 =	sor.u32 s3, s0;
	s1 =	sshll.u32 s1, $0x11  }
0xbf: {  	s0 =	sor.u32 s1, s0  }
0xc0: {  	s0 =	sadd.s32 $0x8F2B, s0  }
0xc1: {  	[sflag:s0] =	ssyncadd.remote.s32 $0x1  }
0xc2: {  	_ =	sfence.sel $0xFFFF  }
0xc3: {  	[dreg:$0x0] =	wrdreg $0xFFFFFFFF;
	(pc) =	sbr.abs _section_cstart, $3  }
0xc4: {  	[dreg:$0x1] =	wrdreg $0xFFFFFFFF  }
0xc5: {  	_ =	task.clear_ibuf [dreg:s9], $0x2FFFF;
	_ =	strace $0x9FFFFFFF  }
0xc6: {  	(tm) =	ssettm $0x7FFFFFFF  }
0xc7: {  	_ =	shalt  }
tec
execute0_lowered:
.L_overlay_start_1:
0x0: {  	(tag) =	ssettag $0x1  }
0x1: {  	s0 =	rddreg [dreg:$0x0]  }
0x2: {  	s8 =	rddreg [dreg:$0x1]  }
0x3: {  	s9 =	rddreg [dreg:$0x2]  }
0x4: {  	s5 =	rddreg [dreg:$0x3];
	s1 =	srdreg.scid  }
0x5: {  	s2 =	simm.s32 $0x0;
	s21 =	stileid.u32;
	s7 =	sand.u32 $0x1, s1  }
0x6: {  	[smem:$0x7FF] =	sst s2;
	s4 =	sshll.u32 s21, $0x4;
	s3 =	sshll.u32 s7, $0x4  }
0x7: {  	_ =	strace $0x80000047;
	s10 =	sand.u32 $0x70, s4;
	s3 =	sor.u32 s21, s3  }
0x8: {  	s10 =	sadd.s32 s10, s5;
	s6 =	sshll.u32 s3, $0x2;
	s11 =	sshll.u32 s3, $0x6  }
0x9: {  	s14 =	sshll.u32 s3, $0x4;
	s4 =	sor.u32 $0x1, s6;
	s22 =	sadd.s32 s8, s11  }
0xa: {  	s5 =	sor.u32 $0x2, s6;
	s6 =	sshllo.u32 s3, $0x2;
	s24 =	sand.u32 $0x180, s14  }
0xb: {  	s25 =	sadd.s32 s9, s11;
	s12 =	sshll.u32 s4, $0x4;
	[dreg:$0x5] =	wrdreg s22  }
0xc: {  	s23 =	sshll.u32 s5, $0x4;
	[dreg:$0x9] =	wrdreg s25;
	s12 =	sadd.s32 s8, s12  }
0xd: {  	s13 =	sshll.u32 s6, $0x4;
	[dreg:$0x6] =	wrdreg s12;
	s12 =	sadd.s32 s8, s23  }
0xe: {  	s26 =	sadd.s32 s24, s10;
	s8 =	sadd.s32 s8, s13;
	[dreg:$0x7] =	wrdreg s12  }
0xf: {  	s1 =	sadd.s32 $0x400, s26;
	[dreg:$0x8] =	wrdreg s8  }
0x10: {  	s9 =	simm.s32 $0x80;
	[dreg:$0xa] =	wrdreg s1  }
0x11: {  	s10 =	simm.s32 $0x100;
	[dreg:$0xb] =	wrdreg s9  }
0x12: {  	s11 =	simm.s32 $0x180;
	[dreg:$0xc] =	wrdreg s10  }
0x13: {  	s13 =	simm.s32 $0x480;
	[dreg:$0xd] =	wrdreg s11  }
0x14: {  	s14 =	simm.s32 $0x500;
	[dreg:$0xf] =	wrdreg s13  }
0x15: {  	s15 =	simm.s32 $0x580;
	[dreg:$0x10] =	wrdreg s14  }
0x16: {  	s16 =	simm.s32 $0x600;
	[dreg:$0x11] =	wrdreg s15  }
0x17: {  	s17 =	simm.s32 $0x680;
	[dreg:$0x12] =	wrdreg s16  }
0x18: {  	s18 =	simm.s32 $0x700;
	[dreg:$0x13] =	wrdreg s17  }
0x19: {  	s19 =	simm.s32 $0x780;
	[dreg:$0x14] =	wrdreg s18  }
0x1a: {  	s20 =	simm.s32 $0x800;
	[dreg:$0x15] =	wrdreg s19  }
0x1b: {  	s21 =	simm.s32 $0x880;
	[dreg:$0x16] =	wrdreg s20  }
0x1c: {  	s22 =	simm.s32 $0x900;
	[dreg:$0x17] =	wrdreg s21  }
0x1d: {  	s23 =	simm.s32 $0x980;
	[dreg:$0x18] =	wrdreg s22  }
0x1e: {  	s24 =	simm.s32 $0xA00;
	[dreg:$0x19] =	wrdreg s23  }
0x1f: {  	s25 =	simm.s32 $0xA80;
	[dreg:$0x1a] =	wrdreg s24  }
0x20: {  	s26 =	simm.s32 $0xB00;
	[dreg:$0x1b] =	wrdreg s25  }
0x21: {  	s12 =	simm.s32 $0x200;
	[dreg:$0x1c] =	wrdreg s26  }
0x22: {  	s1 =	simm.s32 $0xB80;
	[dreg:$0xe] =	wrdreg s12  }
0x23: {  	s9 =	simm.s32 $0xC00;
	[dreg:$0x1d] =	wrdreg s1  }
0x24: {  	s10 =	simm.s32 $0xC80;
	[dreg:$0x1e] =	wrdreg s9  }
0x25: {  	s11 =	simm.s32 $0xD00;
	[dreg:$0x1f] =	wrdreg s10  }
0x26: {  	s13 =	simm.s32 $0xE00;
	[smem:$0x620] =	sst s11  }
0x27: {  	s14 =	simm.s32 $0xE80;
	[smem:$0x622] =	sst s13  }
0x28: {  	s15 =	simm.s32 $0xF00;
	[smem:$0x623] =	sst s14  }
0x29: {  	s16 =	simm.s32 $0xF80;
	[smem:$0x624] =	sst s15  }
0x2a: {  	s17 =	simm.s32 $0x1000;
	[smem:$0x625] =	sst s16  }
0x2b: {  	s18 =	simm.s32 $0x1080;
	[smem:$0x626] =	sst s17  }
0x2c: {  	s19 =	simm.s32 $0x1100;
	[smem:$0x627] =	sst s18  }
0x2d: {  	s20 =	simm.s32 $0x1180;
	[smem:$0x628] =	sst s19  }
0x2e: {  	s21 =	simm.s32 $0x1200;
	[smem:$0x629] =	sst s20  }
0x2f: {  	s22 =	simm.s32 $0x1280;
	[smem:$0x62A] =	sst s21  }
0x30: {  	s23 =	simm.s32 $0x1300;
	[smem:$0x62B] =	sst s22  }
0x31: {  	s24 =	simm.s32 $0x1380;
	[smem:$0x62C] =	sst s23  }
0x32: {  	s25 =	simm.s32 $0x1400;
	[smem:$0x62D] =	sst s24  }
0x33: {  	s26 =	simm.s32 $0x1480;
	[smem:$0x62E] =	sst s25  }
0x34: {  	s12 =	simm.s32 $0xD80;
	[smem:$0x62F] =	sst s26  }
0x35: {  	s1 =	simm.s32 $0x1500;
	[smem:$0x621] =	sst s12  }
0x36: {  	s9 =	simm.s32 $0x1580;
	[smem:$0x630] =	sst s1  }
0x37: {  	s10 =	simm.s32 $0x1600;
	[smem:$0x631] =	sst s9  }
0x38: {  	s11 =	simm.s32 $0x1680;
	[smem:$0x632] =	sst s10  }
0x39: {  	s13 =	simm.s32 $0x1780;
	[smem:$0x633] =	sst s11  }
0x3a: {  	s14 =	simm.s32 $0x1800;
	[smem:$0x635] =	sst s13  }
0x3b: {  	s15 =	simm.s32 $0x1880;
	[smem:$0x636] =	sst s14  }
0x3c: {  	s16 =	simm.s32 $0x1900;
	[smem:$0x637] =	sst s15  }
0x3d: {  	s17 =	simm.s32 $0x1980;
	[smem:$0x638] =	sst s16  }
0x3e: {  	s18 =	simm.s32 $0x1A00;
	[smem:$0x639] =	sst s17  }
0x3f: {  	s19 =	simm.s32 $0x1A80;
	[smem:$0x63A] =	sst s18  }
0x40: {  	s20 =	simm.s32 $0x1B00;
	[smem:$0x63B] =	sst s19  }
0x41: {  	s21 =	simm.s32 $0x1B80;
	[smem:$0x63C] =	sst s20  }
0x42: {  	s22 =	simm.s32 $0x1C00;
	[smem:$0x63D] =	sst s21  }
0x43: {  	s23 =	simm.s32 $0x1C80;
	[smem:$0x63E] =	sst s22  }
0x44: {  	s24 =	simm.s32 $0x1D00;
	[smem:$0x63F] =	sst s23  }
0x45: {  	s25 =	simm.s32 $0x1D80;
	[smem:$0x640] =	sst s24  }
0x46: {  	s26 =	simm.s32 $0x1E00;
	[smem:$0x641] =	sst s25  }
0x47: {  	s12 =	simm.s32 $0x1700;
	[smem:$0x642] =	sst s26  }
0x48: {  	s1 =	simm.s32 $0x1E80;
	[smem:$0x634] =	sst s12  }
0x49: {  	s9 =	simm.s32 $0x1F00;
	[smem:$0x643] =	sst s1  }
0x4a: {  	s10 =	simm.s32 $0x1F80;
	[smem:$0x644] =	sst s9  }
0x4b: {  	s11 =	simm.s32 $0x2000;
	[smem:$0x645] =	sst s10  }
0x4c: {  	s13 =	simm.s32 $0x2100;
	[smem:$0x646] =	sst s11  }
0x4d: {  	s14 =	simm.s32 $0x2180;
	[smem:$0x648] =	sst s13  }
0x4e: {  	s15 =	simm.s32 $0x2200;
	[smem:$0x649] =	sst s14  }
0x4f: {  	s16 =	simm.s32 $0x2280;
	[smem:$0x64A] =	sst s15  }
0x50: {  	s17 =	simm.s32 $0x2300;
	[smem:$0x64B] =	sst s16  }
0x51: {  	s18 =	simm.s32 $0x2380;
	[smem:$0x64C] =	sst s17  }
0x52: {  	s19 =	simm.s32 $0x2400;
	[smem:$0x64D] =	sst s18  }
0x53: {  	s20 =	simm.s32 $0x2480;
	[smem:$0x64E] =	sst s19  }
0x54: {  	s21 =	simm.s32 $0x2500;
	[smem:$0x64F] =	sst s20  }
0x55: {  	s22 =	simm.s32 $0x2580;
	[smem:$0x650] =	sst s21  }
0x56: {  	s23 =	simm.s32 $0x2600;
	[smem:$0x651] =	sst s22  }
0x57: {  	s24 =	simm.s32 $0x2680;
	[smem:$0x652] =	sst s23  }
0x58: {  	s25 =	simm.s32 $0x2700;
	[smem:$0x653] =	sst s24  }
0x59: {  	s26 =	simm.s32 $0x2780;
	[smem:$0x654] =	sst s25  }
0x5a: {  	s12 =	simm.s32 $0x2080;
	[smem:$0x655] =	sst s26  }
0x5b: {  	s1 =	simm.s32 $0x2800;
	[smem:$0x647] =	sst s12  }
0x5c: {  	s9 =	simm.s32 $0x2880;
	[smem:$0x656] =	sst s1  }
0x5d: {  	s10 =	simm.s32 $0x2900;
	[smem:$0x657] =	sst s9  }
0x5e: {  	s11 =	simm.s32 $0x2980;
	[smem:$0x658] =	sst s10  }
0x5f: {  	s13 =	simm.s32 $0x2A80;
	[smem:$0x659] =	sst s11  }
0x60: {  	s14 =	simm.s32 $0x2B00;
	[smem:$0x65B] =	sst s13  }
0x61: {  	s15 =	simm.s32 $0x2B80;
	[smem:$0x65C] =	sst s14  }
0x62: {  	s16 =	simm.s32 $0x2C00;
	[smem:$0x65D] =	sst s15  }
0x63: {  	s17 =	simm.s32 $0x2C80;
	[smem:$0x65E] =	sst s16  }
0x64: {  	s18 =	simm.s32 $0x2D00;
	[smem:$0x65F] =	sst s17  }
0x65: {  	s19 =	simm.s32 $0x2D80;
	[smem:$0x660] =	sst s18  }
0x66: {  	s20 =	simm.s32 $0x2E00;
	[smem:$0x661] =	sst s19  }
0x67: {  	s21 =	simm.s32 $0x2E80;
	[smem:$0x662] =	sst s20  }
0x68: {  	s22 =	simm.s32 $0x2F00;
	[smem:$0x663] =	sst s21  }
0x69: {  	s23 =	simm.s32 $0x2F80;
	[smem:$0x664] =	sst s22  }
0x6a: {  	s24 =	simm.s32 $0x3000;
	[smem:$0x665] =	sst s23  }
0x6b: {  	s25 =	simm.s32 $0x3080;
	[smem:$0x666] =	sst s24  }
0x6c: {  	s26 =	simm.s32 $0x3100;
	[smem:$0x667] =	sst s25  }
0x6d: {  	s12 =	simm.s32 $0x2A00;
	[smem:$0x668] =	sst s26  }
0x6e: {  	s1 =	simm.s32 $0x3180;
	[smem:$0x65A] =	sst s12  }
0x6f: {  	s9 =	simm.s32 $0x3200;
	[smem:$0x669] =	sst s1  }
0x70: {  	s10 =	simm.s32 $0x3280;
	[smem:$0x66A] =	sst s9  }
0x71: {  	s11 =	simm.s32 $0x3300;
	[smem:$0x66B] =	sst s10  }
0x72: {  	s13 =	simm.s32 $0x3400;
	[smem:$0x66C] =	sst s11  }
0x73: {  	s14 =	simm.s32 $0x3480;
	[smem:$0x66E] =	sst s13  }
0x74: {  	s15 =	simm.s32 $0x3500;
	[smem:$0x66F] =	sst s14  }
0x75: {  	s16 =	simm.s32 $0x3580;
	[smem:$0x670] =	sst s15  }
0x76: {  	s17 =	simm.s32 $0x3600;
	[smem:$0x671] =	sst s16  }
0x77: {  	s18 =	simm.s32 $0x3680;
	[smem:$0x672] =	sst s17  }
0x78: {  	s19 =	simm.s32 $0x3700;
	[smem:$0x673] =	sst s18  }
0x79: {  	s20 =	simm.s32 $0x3780;
	[smem:$0x674] =	sst s19  }
0x7a: {  	s21 =	simm.s32 $0x3800;
	[smem:$0x675] =	sst s20  }
0x7b: {  	s22 =	simm.s32 $0x3880;
	[smem:$0x676] =	sst s21  }
0x7c: {  	s23 =	simm.s32 $0x3900;
	[smem:$0x677] =	sst s22  }
0x7d: {  	s24 =	simm.s32 $0x3980;
	[smem:$0x678] =	sst s23  }
0x7e: {  	s25 =	simm.s32 $0x3A00;
	[smem:$0x679] =	sst s24  }
0x7f: {  	s26 =	simm.s32 $0x3A80;
	[smem:$0x67A] =	sst s25  }
0x80: {  	s12 =	simm.s32 $0x3380;
	[smem:$0x67B] =	sst s26  }
0x81: {  	s1 =	simm.s32 $0x3B00;
	[smem:$0x66D] =	sst s12  }
0x82: {  	s9 =	simm.s32 $0x3B80;
	[smem:$0x67C] =	sst s1  }
0x83: {  	s10 =	simm.s32 $0x3C00;
	[smem:$0x67D] =	sst s9  }
0x84: {  	s11 =	simm.s32 $0x3C80;
	[smem:$0x67E] =	sst s10  }
0x85: {  	s13 =	simm.s32 $0x3D80;
	[smem:$0x67F] =	sst s11  }
0x86: {  	s14 =	simm.s32 $0x3E00;
	[smem:$0x681] =	sst s13  }
0x87: {  	s15 =	simm.s32 $0x3E80;
	[smem:$0x682] =	sst s14  }
0x88: {  	s16 =	simm.s32 $0x3F00;
	[smem:$0x683] =	sst s15  }
0x89: {  	s17 =	simm.s32 $0x3F80;
	[smem:$0x684] =	sst s16  }
0x8a: {  	s18 =	simm.s32 $0x4000;
	[smem:$0x685] =	sst s17  }
0x8b: {  	s19 =	simm.s32 $0x4080;
	[smem:$0x686] =	sst s18  }
0x8c: {  	s20 =	simm.s32 $0x4100;
	[smem:$0x687] =	sst s19  }
0x8d: {  	s21 =	simm.s32 $0x4180;
	[smem:$0x688] =	sst s20  }
0x8e: {  	s22 =	simm.s32 $0x4200;
	[smem:$0x689] =	sst s21  }
0x8f: {  	s23 =	simm.s32 $0x4280;
	[smem:$0x68A] =	sst s22  }
0x90: {  	s24 =	simm.s32 $0x4300;
	[smem:$0x68B] =	sst s23  }
0x91: {  	s25 =	simm.s32 $0x4380;
	[smem:$0x68C] =	sst s24  }
0x92: {  	s26 =	simm.s32 $0x4480;
	[smem:$0x68D] =	sst s25  }
0x93: {  	s12 =	simm.s32 $0x3D00;
	[smem:$0x68E] =	sst s26  }
0x94: {  	s1 =	simm.s32 $0x4500;
	[smem:$0x680] =	sst s12  }
0x95: {  	s9 =	simm.s32 $0x4580;
	[smem:$0x68F] =	sst s1  }
0x96: {  	s10 =	simm.s32 $0x4600;
	[smem:$0x690] =	sst s9  }
0x97: {  	s11 =	simm.s32 $0x4680;
	[smem:$0x691] =	sst s10  }
0x98: {  	s13 =	simm.s32 $0x4780;
	[smem:$0x692] =	sst s11  }
0x99: {  	s14 =	simm.s32 $0x4800;
	[smem:$0x694] =	sst s13  }
0x9a: {  	s15 =	simm.s32 $0x4880;
	[smem:$0x695] =	sst s14  }
0x9b: {  	s16 =	simm.s32 $0x4900;
	[smem:$0x696] =	sst s15  }
0x9c: {  	s17 =	simm.s32 $0x4980;
	[smem:$0x697] =	sst s16  }
0x9d: {  	s18 =	simm.s32 $0x4A00;
	[smem:$0x698] =	sst s17  }
0x9e: {  	s19 =	simm.s32 $0x4A80;
	[smem:$0x699] =	sst s18  }
0x9f: {  	s20 =	simm.s32 $0x4B00;
	[smem:$0x69A] =	sst s19  }
0xa0: {  	s21 =	simm.s32 $0x4B80;
	[smem:$0x69B] =	sst s20  }
0xa1: {  	s22 =	simm.s32 $0x4C00;
	[smem:$0x69C] =	sst s21  }
0xa2: {  	s23 =	simm.s32 $0x4C80;
	[smem:$0x69D] =	sst s22  }
0xa3: {  	s24 =	simm.s32 $0x4D00;
	[smem:$0x69E] =	sst s23  }
0xa4: {  	s25 =	simm.s32 $0x4D80;
	[smem:$0x69F] =	sst s24  }
0xa5: {  	s26 =	simm.s32 $0x4E00;
	[smem:$0x6A0] =	sst s25  }
0xa6: {  	s12 =	simm.s32 $0x4700;
	[smem:$0x6A1] =	sst s26  }
0xa7: {  	s1 =	simm.s32 $0x4E80;
	[smem:$0x693] =	sst s12  }
0xa8: {  	s9 =	simm.s32 $0x4F00;
	[smem:$0x6A2] =	sst s1  }
0xa9: {  	s10 =	simm.s32 $0x4F80;
	[smem:$0x6A3] =	sst s9  }
0xaa: {  	s11 =	simm.s32 $0x5000;
	[smem:$0x6A4] =	sst s10  }
0xab: {  	s13 =	simm.s32 $0x5100;
	[smem:$0x6A5] =	sst s11  }
0xac: {  	s14 =	simm.s32 $0x5180;
	[smem:$0x6A7] =	sst s13  }
0xad: {  	s15 =	simm.s32 $0x5200;
	[smem:$0x6A8] =	sst s14  }
0xae: {  	s16 =	simm.s32 $0x5280;
	[smem:$0x6A9] =	sst s15  }
0xaf: {  	s17 =	simm.s32 $0x5300;
	[smem:$0x6AA] =	sst s16  }
0xb0: {  	s18 =	simm.s32 $0x5380;
	[smem:$0x6AB] =	sst s17  }
0xb1: {  	s19 =	simm.s32 $0x5400;
	[smem:$0x6AC] =	sst s18  }
0xb2: {  	s20 =	simm.s32 $0x5480;
	[smem:$0x6AD] =	sst s19  }
0xb3: {  	s21 =	simm.s32 $0x5500;
	[smem:$0x6AE] =	sst s20  }
0xb4: {  	s22 =	simm.s32 $0x5580;
	[smem:$0x6AF] =	sst s21  }
0xb5: {  	s23 =	simm.s32 $0x5600;
	[smem:$0x6B0] =	sst s22  }
0xb6: {  	s24 =	simm.s32 $0x5680;
	[smem:$0x6B1] =	sst s23  }
0xb7: {  	s25 =	simm.s32 $0x5700;
	[smem:$0x6B2] =	sst s24  }
0xb8: {  	s26 =	simm.s32 $0x5780;
	[smem:$0x6B3] =	sst s25  }
0xb9: {  	s12 =	simm.s32 $0x5080;
	[smem:$0x6B4] =	sst s26  }
0xba: {  	s1 =	simm.s32 $0x5800;
	[smem:$0x6A6] =	sst s12  }
0xbb: {  	s9 =	simm.s32 $0x5880;
	[smem:$0x6B5] =	sst s1  }
0xbc: {  	s10 =	simm.s32 $0x5900;
	[smem:$0x6B6] =	sst s9  }
0xbd: {  	s11 =	simm.s32 $0x5980;
	[smem:$0x6B7] =	sst s10  }
0xbe: {  	s13 =	simm.s32 $0x5A80;
	[smem:$0x6B8] =	sst s11  }
0xbf: {  	s14 =	simm.s32 $0x5B00;
	[smem:$0x6BA] =	sst s13  }
0xc0: {  	s15 =	simm.s32 $0x5B80;
	[smem:$0x6BB] =	sst s14  }
0xc1: {  	s16 =	simm.s32 $0x5C00;
	[smem:$0x6BC] =	sst s15  }
0xc2: {  	s17 =	simm.s32 $0x5C80;
	[smem:$0x6BD] =	sst s16  }
0xc3: {  	s18 =	simm.s32 $0x5D00;
	[smem:$0x6BE] =	sst s17  }
0xc4: {  	s19 =	simm.s32 $0x5D80;
	[smem:$0x6BF] =	sst s18  }
0xc5: {  	s20 =	simm.s32 $0x5E00;
	[smem:$0x6C0] =	sst s19  }
0xc6: {  	s21 =	simm.s32 $0x5E80;
	[smem:$0x6C1] =	sst s20  }
0xc7: {  	s22 =	simm.s32 $0x5F00;
	[smem:$0x6C2] =	sst s21  }
0xc8: {  	s23 =	simm.s32 $0x5F80;
	[smem:$0x6C3] =	sst s22  }
0xc9: {  	s24 =	simm.s32 $0x6000;
	[smem:$0x6C4] =	sst s23  }
0xca: {  	s25 =	simm.s32 $0x6080;
	[smem:$0x6C5] =	sst s24  }
0xcb: {  	s26 =	simm.s32 $0x6100;
	[smem:$0x6C6] =	sst s25  }
0xcc: {  	s12 =	simm.s32 $0x5A00;
	[smem:$0x6C7] =	sst s26  }
0xcd: {  	s1 =	simm.s32 $0x6180;
	[smem:$0x6B9] =	sst s12  }
0xce: {  	s9 =	simm.s32 $0x6200;
	[smem:$0x6C8] =	sst s1  }
0xcf: {  	s10 =	simm.s32 $0x6280;
	[smem:$0x6C9] =	sst s9  }
0xd0: {  	s11 =	simm.s32 $0x6300;
	[smem:$0x6CA] =	sst s10  }
0xd1: {  	s13 =	simm.s32 $0x6400;
	[smem:$0x6CB] =	sst s11  }
0xd2: {  	s14 =	simm.s32 $0x6480;
	[smem:$0x6CD] =	sst s13  }
0xd3: {  	s15 =	simm.s32 $0x6500;
	[smem:$0x6CE] =	sst s14  }
0xd4: {  	s16 =	simm.s32 $0x6580;
	[smem:$0x6CF] =	sst s15  }
0xd5: {  	s17 =	simm.s32 $0x6600;
	[smem:$0x6D0] =	sst s16  }
0xd6: {  	s18 =	simm.s32 $0x6680;
	[smem:$0x6D1] =	sst s17  }
0xd7: {  	s19 =	simm.s32 $0x6700;
	[smem:$0x6D2] =	sst s18  }
0xd8: {  	s20 =	simm.s32 $0x6780;
	[smem:$0x6D3] =	sst s19  }
0xd9: {  	s21 =	simm.s32 $0x6800;
	[smem:$0x6D4] =	sst s20  }
0xda: {  	s22 =	simm.s32 $0x6880;
	[smem:$0x6D5] =	sst s21  }
0xdb: {  	s23 =	simm.s32 $0x6900;
	[smem:$0x6D6] =	sst s22  }
0xdc: {  	s24 =	simm.s32 $0x6980;
	[smem:$0x6D7] =	sst s23  }
0xdd: {  	s25 =	simm.s32 $0x6A00;
	[smem:$0x6D8] =	sst s24  }
0xde: {  	s26 =	simm.s32 $0x6A80;
	[smem:$0x6D9] =	sst s25  }
0xdf: {  	s12 =	simm.s32 $0x6380;
	[smem:$0x6DA] =	sst s26  }
0xe0: {  	s1 =	simm.s32 $0x6B00;
	[smem:$0x6CC] =	sst s12  }
0xe1: {  	s9 =	simm.s32 $0x6B80;
	[smem:$0x6DB] =	sst s1  }
0xe2: {  	s10 =	simm.s32 $0x6C00;
	[smem:$0x6DC] =	sst s9  }
0xe3: {  	s11 =	simm.s32 $0x6C80;
	[smem:$0x6DD] =	sst s10  }
0xe4: {  	s13 =	simm.s32 $0x6D80;
	[smem:$0x6DE] =	sst s11  }
0xe5: {  	s14 =	simm.s32 $0x6E00;
	[smem:$0x6E0] =	sst s13  }
0xe6: {  	s15 =	simm.s32 $0x6E80;
	[smem:$0x6E1] =	sst s14  }
0xe7: {  	s16 =	simm.s32 $0x6F00;
	[smem:$0x6E2] =	sst s15  }
0xe8: {  	s17 =	simm.s32 $0x6F80;
	[smem:$0x6E3] =	sst s16  }
0xe9: {  	s18 =	simm.s32 $0x7000;
	[smem:$0x6E4] =	sst s17  }
0xea: {  	s19 =	simm.s32 $0x7080;
	[smem:$0x6E5] =	sst s18  }
0xeb: {  	s20 =	simm.s32 $0x7100;
	[smem:$0x6E6] =	sst s19  }
0xec: {  	s21 =	simm.s32 $0x7180;
	[smem:$0x6E7] =	sst s20  }
0xed: {  	s22 =	simm.s32 $0x7200;
	[smem:$0x6E8] =	sst s21  }
0xee: {  	s23 =	simm.s32 $0x7280;
	[smem:$0x6E9] =	sst s22  }
0xef: {  	s24 =	simm.s32 $0x7300;
	[smem:$0x6EA] =	sst s23  }
0xf0: {  	s25 =	simm.s32 $0x7380;
	[smem:$0x6EB] =	sst s24  }
0xf1: {  	s26 =	simm.s32 $0x7400;
	[smem:$0x6EC] =	sst s25  }
0xf2: {  	s12 =	simm.s32 $0x6D00;
	[smem:$0x6ED] =	sst s26  }
0xf3: {  	s1 =	simm.s32 $0x7480;
	[smem:$0x6DF] =	sst s12  }
0xf4: {  	s9 =	simm.s32 $0x7500;
	[smem:$0x6EE] =	sst s1  }
0xf5: {  	s10 =	simm.s32 $0x7580;
	[smem:$0x6EF] =	sst s9  }
0xf6: {  	s11 =	simm.s32 $0x7600;
	[smem:$0x6F0] =	sst s10  }
0xf7: {  	s13 =	simm.s32 $0x7700;
	[smem:$0x6F1] =	sst s11  }
0xf8: {  	s14 =	simm.s32 $0x7780;
	[smem:$0x6F3] =	sst s13  }
0xf9: {  	s15 =	simm.s32 $0x7800;
	[smem:$0x6F4] =	sst s14  }
0xfa: {  	s16 =	simm.s32 $0x7880;
	[smem:$0x6F5] =	sst s15  }
0xfb: {  	s17 =	simm.s32 $0x7900;
	[smem:$0x6F6] =	sst s16  }
0xfc: {  	s18 =	simm.s32 $0x7980;
	[smem:$0x6F7] =	sst s17  }
0xfd: {  	s19 =	simm.s32 $0x7A00;
	[smem:$0x6F8] =	sst s18  }
0xfe: {  	s20 =	simm.s32 $0x7A80;
	[smem:$0x6F9] =	sst s19  }
0xff: {  	s21 =	simm.s32 $0x7B00;
	[smem:$0x6FA] =	sst s20  }
0x100: {  	s22 =	simm.s32 $0x7B80;
	[smem:$0x6FB] =	sst s21  }
0x101: {  	s23 =	simm.s32 $0x7C00;
	[smem:$0x6FC] =	sst s22  }
0x102: {  	s24 =	simm.s32 $0x7C80;
	[smem:$0x6FD] =	sst s23  }
0x103: {  	s25 =	simm.s32 $0x7D00;
	[smem:$0x6FE] =	sst s24  }
0x104: {  	s26 =	simm.s32 $0x7D80;
	[smem:$0x6FF] =	sst s25  }
0x105: {  	s12 =	simm.s32 $0x7680;
	[smem:$0x700] =	sst s26  }
0x106: {  	s1 =	simm.s32 $0x7E00;
	[smem:$0x6F2] =	sst s12  }
0x107: {  	s9 =	simm.s32 $0x7E80;
	[smem:$0x701] =	sst s1  }
0x108: {  	s10 =	simm.s32 $0x7F00;
	[smem:$0x702] =	sst s9  }
0x109: {  	s11 =	simm.s32 $0x7F80;
	[smem:$0x703] =	sst s10  }
0x10a: {  	s13 =	simm.s32 $0x8080;
	[smem:$0x704] =	sst s11  }
0x10b: {  	s14 =	simm.s32 $0x8100;
	[smem:$0x706] =	sst s13  }
0x10c: {  	s15 =	simm.s32 $0x8180;
	[smem:$0x707] =	sst s14  }
0x10d: {  	s16 =	simm.s32 $0x8200;
	[smem:$0x708] =	sst s15  }
0x10e: {  	s17 =	simm.s32 $0x8280;
	[smem:$0x709] =	sst s16  }
0x10f: {  	s18 =	simm.s32 $0x9100;
	[smem:$0x70A] =	sst s17  }
0x110: {  	s19 =	simm.s32 $0x8300;
	[smem:$0x70B] =	sst s18  }
0x111: {  	s20 =	simm.s32 $0xFB80;
	[smem:$0x70C] =	sst s19  }
0x112: {  	s21 =	simm.s32 $0x8980;
	[smem:$0x70D] =	sst s20  }
0x113: {  	s22 =	simm.s32 $0x8380;
	[smem:$0x70E] =	sst s21  }
0x114: {  	s23 =	simm.s32 $0x8480;
	[smem:$0x70F] =	sst s22  }
0x115: {  	s24 =	simm.s32 $0x8900;
	[smem:$0x710] =	sst s23  }
0x116: {  	s25 =	simm.s32 $0x8A00;
	[smem:$0x711] =	sst s24  }
0x117: {  	s26 =	simm.s32 $0x8A80;
	[smem:$0x712] =	sst s25  }
0x118: {  	s12 =	simm.s32 $0x8000;
	[smem:$0x713] =	sst s26  }
0x119: {  	s1 =	simm.s32 $0x8B00;
	[smem:$0x705] =	sst s12  }
0x11a: {  	s10 =	simm.s32 $0x8B80;
	[smem:$0x714] =	sst s1  }
0x11b: {  	s11 =	simm.s32 $0x8C00;
	[smem:$0x715] =	sst s10  }
0x11c: {  	s13 =	simm.s32 $0x8D00;
	[smem:$0x716] =	sst s11  }
0x11d: {  	s14 =	simm.s32 $0x8D80;
	[smem:$0x718] =	sst s13  }
0x11e: {  	s15 =	simm.s32 $0x8E00;
	[smem:$0x719] =	sst s14  }
0x11f: {  	s16 =	simm.s32 $0xFB00;
	[smem:$0x71A] =	sst s15  }
0x120: {  	s17 =	simm.s32 $0x8500;
	[smem:$0x71B] =	sst s16  }
0x121: {  	s18 =	simm.s32 $0x8580;
	[smem:$0x71C] =	sst s17  }
0x122: {  	s19 =	simm.s32 $0x8600;
	[smem:$0x71D] =	sst s18  }
0x123: {  	s20 =	simm.s32 $0x8680;
	[smem:$0x71E] =	sst s19  }
0x124: {  	s21 =	simm.s32 $0x8700;
	[smem:$0x71F] =	sst s20  }
0x125: {  	s22 =	simm.s32 $0x8780;
	[smem:$0x720] =	sst s21  }
0x126: {  	s23 =	simm.s32 $0x8800;
	[smem:$0x721] =	sst s22  }
0x127: {  	s24 =	simm.s32 $0x8880;
	[smem:$0x722] =	sst s23  }
0x128: {  	s25 =	simm.s32 $0x8E80;
	[smem:$0x723] =	sst s24  }
0x129: {  	s26 =	simm.s32 $0x8F00;
	[smem:$0x724] =	sst s25  }
0x12a: {  	s9 =	simm.s32 $0xEA00;
	[smem:$0x725] =	sst s26  }
0x12b: {  	s12 =	simm.s32 $0x8C80;
	[smem:$0x7DB] =	sst s9  }
0x12c: {  	s1 =	simm.s32 $0x8F80;
	[smem:$0x717] =	sst s12  }
0x12d: {  	s10 =	simm.s32 $0x9000;
	[smem:$0x726] =	sst s1  }
0x12e: {  	s11 =	simm.s32 $0x9080;
	[smem:$0x727] =	sst s10  }
0x12f: {  	s13 =	simm.s32 $0x9200;
	[smem:$0x728] =	sst s11  }
0x130: {  	s14 =	simm.s32 $0x9280;
	[smem:$0x72A] =	sst s13  }
0x131: {  	s15 =	simm.s32 $0x9300;
	[smem:$0x72B] =	sst s14  }
0x132: {  	s16 =	simm.s32 $0x9380;
	[smem:$0x72C] =	sst s15  }
0x133: {  	s17 =	simm.s32 $0x9400;
	[smem:$0x72D] =	sst s16  }
0x134: {  	s18 =	simm.s32 $0x9480;
	[smem:$0x72E] =	sst s17  }
0x135: {  	s19 =	simm.s32 $0x9500;
	[smem:$0x72F] =	sst s18  }
0x136: {  	s20 =	simm.s32 $0x9580;
	[smem:$0x730] =	sst s19  }
0x137: {  	s21 =	simm.s32 $0x9600;
	[smem:$0x731] =	sst s20  }
0x138: {  	s22 =	simm.s32 $0x9680;
	[smem:$0x732] =	sst s21  }
0x139: {  	s23 =	simm.s32 $0x9700;
	[smem:$0x733] =	sst s22  }
0x13a: {  	s24 =	simm.s32 $0x9780;
	[smem:$0x734] =	sst s23  }
0x13b: {  	s25 =	simm.s32 $0x9800;
	[smem:$0x735] =	sst s24  }
0x13c: {  	s26 =	simm.s32 $0x9880;
	[smem:$0x736] =	sst s25  }
0x13d: {  	s9 =	simm.s32 $0xF380;
	[smem:$0x737] =	sst s26  }
0x13e: {  	s12 =	simm.s32 $0x9180;
	[smem:$0x7EE] =	sst s9  }
0x13f: {  	s1 =	simm.s32 $0x9900;
	[smem:$0x729] =	sst s12  }
0x140: {  	s10 =	simm.s32 $0x9980;
	[smem:$0x738] =	sst s1  }
0x141: {  	s11 =	simm.s32 $0x9A00;
	[smem:$0x739] =	sst s10  }
0x142: {  	s13 =	simm.s32 $0x9B00;
	[smem:$0x73A] =	sst s11  }
0x143: {  	s14 =	simm.s32 $0x9B80;
	[smem:$0x73C] =	sst s13  }
0x144: {  	s15 =	simm.s32 $0x9C00;
	[smem:$0x73D] =	sst s14  }
0x145: {  	s16 =	simm.s32 $0x9C80;
	[smem:$0x73E] =	sst s15  }
0x146: {  	s17 =	simm.s32 $0x9D00;
	[smem:$0x73F] =	sst s16  }
0x147: {  	s18 =	simm.s32 $0x9D80;
	[smem:$0x740] =	sst s17  }
0x148: {  	s19 =	simm.s32 $0x9E00;
	[smem:$0x741] =	sst s18  }
0x149: {  	s20 =	simm.s32 $0x9E80;
	[smem:$0x742] =	sst s19  }
0x14a: {  	s21 =	simm.s32 $0x9F00;
	[smem:$0x743] =	sst s20  }
0x14b: {  	s22 =	simm.s32 $0x9F80;
	[smem:$0x744] =	sst s21  }
0x14c: {  	s23 =	simm.s32 $0xA000;
	[smem:$0x745] =	sst s22  }
0x14d: {  	s24 =	simm.s32 $0xA080;
	[smem:$0x746] =	sst s23  }
0x14e: {  	s25 =	simm.s32 $0xA100;
	[smem:$0x747] =	sst s24  }
0x14f: {  	s26 =	simm.s32 $0xA180;
	[smem:$0x748] =	sst s25  }
0x150: {  	s12 =	simm.s32 $0x9A80;
	[smem:$0x749] =	sst s26  }
0x151: {  	s1 =	simm.s32 $0xA200;
	[smem:$0x73B] =	sst s12  }
0x152: {  	s10 =	simm.s32 $0xA280;
	[smem:$0x74A] =	sst s1  }
0x153: {  	s11 =	simm.s32 $0xA300;
	[smem:$0x74B] =	sst s10  }
0x154: {  	s13 =	simm.s32 $0xA400;
	[smem:$0x74C] =	sst s11  }
0x155: {  	s14 =	simm.s32 $0xA480;
	[smem:$0x74E] =	sst s13  }
0x156: {  	s15 =	simm.s32 $0xA500;
	[smem:$0x74F] =	sst s14  }
0x157: {  	s16 =	simm.s32 $0xA580;
	[smem:$0x750] =	sst s15  }
0x158: {  	s17 =	simm.s32 $0xA600;
	[smem:$0x751] =	sst s16  }
0x159: {  	s18 =	simm.s32 $0xA680;
	[smem:$0x752] =	sst s17  }
0x15a: {  	s19 =	simm.s32 $0xA700;
	[smem:$0x753] =	sst s18  }
0x15b: {  	s20 =	simm.s32 $0xA780;
	[smem:$0x754] =	sst s19  }
0x15c: {  	s21 =	simm.s32 $0xA800;
	[smem:$0x755] =	sst s20  }
0x15d: {  	s22 =	simm.s32 $0xA880;
	[smem:$0x756] =	sst s21  }
0x15e: {  	s23 =	simm.s32 $0xA900;
	[smem:$0x757] =	sst s22  }
0x15f: {  	s24 =	simm.s32 $0xA980;
	[smem:$0x758] =	sst s23  }
0x160: {  	s25 =	simm.s32 $0xAA00;
	[smem:$0x759] =	sst s24  }
0x161: {  	s26 =	simm.s32 $0xAA80;
	[smem:$0x75A] =	sst s25  }
0x162: {  	s12 =	simm.s32 $0xA380;
	[smem:$0x75B] =	sst s26  }
0x163: {  	s1 =	simm.s32 $0xAB00;
	[smem:$0x74D] =	sst s12  }
0x164: {  	s10 =	simm.s32 $0xAB80;
	[smem:$0x75C] =	sst s1  }
0x165: {  	s11 =	simm.s32 $0xAC00;
	[smem:$0x75D] =	sst s10  }
0x166: {  	s13 =	simm.s32 $0xAD00;
	[smem:$0x75E] =	sst s11  }
0x167: {  	s14 =	simm.s32 $0xAD80;
	[smem:$0x760] =	sst s13  }
0x168: {  	s15 =	simm.s32 $0xAE00;
	[smem:$0x761] =	sst s14  }
0x169: {  	s16 =	simm.s32 $0xAE80;
	[smem:$0x762] =	sst s15  }
0x16a: {  	s17 =	simm.s32 $0xAF00;
	[smem:$0x763] =	sst s16  }
0x16b: {  	s18 =	simm.s32 $0xAF80;
	[smem:$0x764] =	sst s17  }
0x16c: {  	s19 =	simm.s32 $0xB000;
	[smem:$0x765] =	sst s18  }
0x16d: {  	s20 =	simm.s32 $0xB080;
	[smem:$0x766] =	sst s19  }
0x16e: {  	s21 =	simm.s32 $0xB100;
	[smem:$0x767] =	sst s20  }
0x16f: {  	s22 =	simm.s32 $0xB180;
	[smem:$0x768] =	sst s21  }
0x170: {  	s23 =	simm.s32 $0xB200;
	[smem:$0x769] =	sst s22  }
0x171: {  	s24 =	simm.s32 $0xB280;
	[smem:$0x76A] =	sst s23  }
0x172: {  	s25 =	simm.s32 $0xB300;
	[smem:$0x76B] =	sst s24  }
0x173: {  	s26 =	simm.s32 $0xB380;
	[smem:$0x76C] =	sst s25  }
0x174: {  	s12 =	simm.s32 $0xAC80;
	[smem:$0x76D] =	sst s26  }
0x175: {  	s1 =	simm.s32 $0xB400;
	[smem:$0x75F] =	sst s12  }
0x176: {  	s10 =	simm.s32 $0xB480;
	[smem:$0x76E] =	sst s1  }
0x177: {  	s11 =	simm.s32 $0xB500;
	[smem:$0x76F] =	sst s10  }
0x178: {  	s13 =	simm.s32 $0xB600;
	[smem:$0x770] =	sst s11  }
0x179: {  	s14 =	simm.s32 $0xB680;
	[smem:$0x772] =	sst s13  }
0x17a: {  	s15 =	simm.s32 $0xB700;
	[smem:$0x773] =	sst s14  }
0x17b: {  	s16 =	simm.s32 $0xB780;
	[smem:$0x774] =	sst s15  }
0x17c: {  	s17 =	simm.s32 $0xB800;
	[smem:$0x775] =	sst s16  }
0x17d: {  	s18 =	simm.s32 $0xB880;
	[smem:$0x776] =	sst s17  }
0x17e: {  	s19 =	simm.s32 $0xB900;
	[smem:$0x777] =	sst s18  }
0x17f: {  	s20 =	simm.s32 $0xB980;
	[smem:$0x778] =	sst s19  }
0x180: {  	s21 =	simm.s32 $0xBA00;
	[smem:$0x779] =	sst s20  }
0x181: {  	s22 =	simm.s32 $0xBA80;
	[smem:$0x77A] =	sst s21  }
0x182: {  	s23 =	simm.s32 $0xBB00;
	[smem:$0x77B] =	sst s22  }
0x183: {  	s24 =	simm.s32 $0xBB80;
	[smem:$0x77C] =	sst s23  }
0x184: {  	s25 =	simm.s32 $0xBC00;
	[smem:$0x77D] =	sst s24  }
0x185: {  	s26 =	simm.s32 $0xBC80;
	[smem:$0x77E] =	sst s25  }
0x186: {  	s12 =	simm.s32 $0xB580;
	[smem:$0x77F] =	sst s26  }
0x187: {  	s1 =	simm.s32 $0xBD00;
	[smem:$0x771] =	sst s12  }
0x188: {  	s10 =	simm.s32 $0xBD80;
	[smem:$0x780] =	sst s1  }
0x189: {  	s11 =	simm.s32 $0xBE00;
	[smem:$0x781] =	sst s10  }
0x18a: {  	s13 =	simm.s32 $0xBF00;
	[smem:$0x782] =	sst s11  }
0x18b: {  	s14 =	simm.s32 $0xBF80;
	[smem:$0x784] =	sst s13  }
0x18c: {  	s15 =	simm.s32 $0xC000;
	[smem:$0x785] =	sst s14  }
0x18d: {  	s16 =	simm.s32 $0xC080;
	[smem:$0x786] =	sst s15  }
0x18e: {  	s17 =	simm.s32 $0xC100;
	[smem:$0x787] =	sst s16  }
0x18f: {  	s18 =	simm.s32 $0xC180;
	[smem:$0x788] =	sst s17  }
0x190: {  	s19 =	simm.s32 $0xC200;
	[smem:$0x789] =	sst s18  }
0x191: {  	s20 =	simm.s32 $0xC280;
	[smem:$0x78A] =	sst s19  }
0x192: {  	s21 =	simm.s32 $0xC300;
	[smem:$0x78B] =	sst s20  }
0x193: {  	s22 =	simm.s32 $0xC380;
	[smem:$0x78C] =	sst s21  }
0x194: {  	s23 =	simm.s32 $0xC480;
	[smem:$0x78D] =	sst s22  }
0x195: {  	s24 =	simm.s32 $0xC500;
	[smem:$0x78E] =	sst s23  }
0x196: {  	s25 =	simm.s32 $0xC580;
	[smem:$0x78F] =	sst s24  }
0x197: {  	s26 =	simm.s32 $0xC600;
	[smem:$0x790] =	sst s25  }
0x198: {  	s12 =	simm.s32 $0xBE80;
	[smem:$0x791] =	sst s26  }
0x199: {  	s1 =	simm.s32 $0xC680;
	[smem:$0x783] =	sst s12  }
0x19a: {  	s10 =	simm.s32 $0xC700;
	[smem:$0x792] =	sst s1  }
0x19b: {  	s11 =	simm.s32 $0xFA80;
	[smem:$0x793] =	sst s10  }
0x19c: {  	s13 =	simm.s32 $0xC780;
	[smem:$0x794] =	sst s11  }
0x19d: {  	s14 =	simm.s32 $0xC800;
	[smem:$0x796] =	sst s13  }
0x19e: {  	s15 =	simm.s32 $0xC880;
	[smem:$0x797] =	sst s14  }
0x19f: {  	s16 =	simm.s32 $0xC900;
	[smem:$0x798] =	sst s15  }
0x1a0: {  	s17 =	simm.s32 $0xC980;
	[smem:$0x799] =	sst s16  }
0x1a1: {  	s18 =	simm.s32 $0xCA00;
	[smem:$0x79A] =	sst s17  }
0x1a2: {  	s19 =	simm.s32 $0xCA80;
	[smem:$0x79B] =	sst s18  }
0x1a3: {  	s20 =	simm.s32 $0xCB00;
	[smem:$0x79C] =	sst s19  }
0x1a4: {  	s21 =	simm.s32 $0xCB80;
	[smem:$0x79D] =	sst s20  }
0x1a5: {  	s22 =	simm.s32 $0xCC00;
	[smem:$0x79E] =	sst s21  }
0x1a6: {  	s23 =	simm.s32 $0xCC80;
	[smem:$0x79F] =	sst s22  }
0x1a7: {  	s24 =	simm.s32 $0xCD00;
	[smem:$0x7A0] =	sst s23  }
0x1a8: {  	s25 =	simm.s32 $0xCD80;
	[smem:$0x7A1] =	sst s24  }
0x1a9: {  	s26 =	simm.s32 $0xCE00;
	[smem:$0x7A2] =	sst s25  }
0x1aa: {  	s12 =	simm.s32 $0xFA00;
	[smem:$0x7A3] =	sst s26  }
0x1ab: {  	s1 =	simm.s32 $0xCE80;
	[smem:$0x795] =	sst s12  }
0x1ac: {  	s10 =	simm.s32 $0xCF00;
	[smem:$0x7A4] =	sst s1  }
0x1ad: {  	s11 =	simm.s32 $0xCF80;
	[smem:$0x7A5] =	sst s10  }
0x1ae: {  	s13 =	simm.s32 $0xD080;
	[smem:$0x7A6] =	sst s11  }
0x1af: {  	s14 =	simm.s32 $0xD100;
	[smem:$0x7A8] =	sst s13  }
0x1b0: {  	s15 =	simm.s32 $0xD180;
	[smem:$0x7A9] =	sst s14  }
0x1b1: {  	s16 =	simm.s32 $0xD200;
	[smem:$0x7AA] =	sst s15  }
0x1b2: {  	s17 =	simm.s32 $0xD280;
	[smem:$0x7AB] =	sst s16  }
0x1b3: {  	s18 =	simm.s32 $0xD300;
	[smem:$0x7AC] =	sst s17  }
0x1b4: {  	s19 =	simm.s32 $0xD380;
	[smem:$0x7AD] =	sst s18  }
0x1b5: {  	s20 =	simm.s32 $0xD400;
	[smem:$0x7AE] =	sst s19  }
0x1b6: {  	s21 =	simm.s32 $0xD480;
	[smem:$0x7AF] =	sst s20  }
0x1b7: {  	s22 =	simm.s32 $0xD500;
	[smem:$0x7B0] =	sst s21  }
0x1b8: {  	s23 =	simm.s32 $0xD580;
	[smem:$0x7B1] =	sst s22  }
0x1b9: {  	s24 =	simm.s32 $0xD600;
	[smem:$0x7B2] =	sst s23  }
0x1ba: {  	s25 =	simm.s32 $0xD680;
	[smem:$0x7B3] =	sst s24  }
0x1bb: {  	s26 =	simm.s32 $0xD700;
	[smem:$0x7B4] =	sst s25  }
0x1bc: {  	s12 =	simm.s32 $0xD000;
	[smem:$0x7B5] =	sst s26  }
0x1bd: {  	s1 =	simm.s32 $0xD780;
	[smem:$0x7A7] =	sst s12  }
0x1be: {  	s10 =	simm.s32 $0xD800;
	[smem:$0x7B6] =	sst s1  }
0x1bf: {  	s11 =	simm.s32 $0xD880;
	[smem:$0x7B7] =	sst s10  }
0x1c0: {  	s13 =	simm.s32 $0xD980;
	[smem:$0x7B8] =	sst s11  }
0x1c1: {  	s14 =	simm.s32 $0xDA00;
	[smem:$0x7BA] =	sst s13  }
0x1c2: {  	s15 =	simm.s32 $0xDA80;
	[smem:$0x7BB] =	sst s14  }
0x1c3: {  	s16 =	simm.s32 $0xDB00;
	[smem:$0x7BC] =	sst s15  }
0x1c4: {  	s17 =	simm.s32 $0xDB80;
	[smem:$0x7BD] =	sst s16  }
0x1c5: {  	s18 =	simm.s32 $0xDC00;
	[smem:$0x7BE] =	sst s17  }
0x1c6: {  	s19 =	simm.s32 $0xDC80;
	[smem:$0x7BF] =	sst s18  }
0x1c7: {  	s20 =	simm.s32 $0xDD00;
	[smem:$0x7C0] =	sst s19  }
0x1c8: {  	s21 =	simm.s32 $0xDD80;
	[smem:$0x7C1] =	sst s20  }
0x1c9: {  	s22 =	simm.s32 $0xDE00;
	[smem:$0x7C2] =	sst s21  }
0x1ca: {  	s23 =	simm.s32 $0xDE80;
	[smem:$0x7C3] =	sst s22  }
0x1cb: {  	s24 =	simm.s32 $0xDF00;
	[smem:$0x7C4] =	sst s23  }
0x1cc: {  	s25 =	simm.s32 $0xDF80;
	[smem:$0x7C5] =	sst s24  }
0x1cd: {  	s26 =	simm.s32 $0xE000;
	[smem:$0x7C6] =	sst s25  }
0x1ce: {  	s12 =	simm.s32 $0xD900;
	[smem:$0x7C7] =	sst s26  }
0x1cf: {  	s1 =	simm.s32 $0xE080;
	[smem:$0x7B9] =	sst s12  }
0x1d0: {  	s10 =	simm.s32 $0xE100;
	[smem:$0x7C8] =	sst s1  }
0x1d1: {  	s11 =	simm.s32 $0xE180;
	[smem:$0x7C9] =	sst s10  }
0x1d2: {  	s13 =	simm.s32 $0xE280;
	[smem:$0x7CA] =	sst s11  }
0x1d3: {  	s14 =	simm.s32 $0xE300;
	[smem:$0x7CC] =	sst s13  }
0x1d4: {  	s15 =	simm.s32 $0xE380;
	[smem:$0x7CD] =	sst s14  }
0x1d5: {  	s16 =	simm.s32 $0xE400;
	[smem:$0x7CE] =	sst s15  }
0x1d6: {  	s17 =	simm.s32 $0xE480;
	[smem:$0x7CF] =	sst s16  }
0x1d7: {  	s18 =	simm.s32 $0xE500;
	[smem:$0x7D0] =	sst s17  }
0x1d8: {  	s19 =	simm.s32 $0xE580;
	[smem:$0x7D1] =	sst s18  }
0x1d9: {  	s20 =	simm.s32 $0xE600;
	[smem:$0x7D2] =	sst s19  }
0x1da: {  	s21 =	simm.s32 $0xE680;
	[smem:$0x7D3] =	sst s20  }
0x1db: {  	s22 =	simm.s32 $0xE700;
	[smem:$0x7D4] =	sst s21  }
0x1dc: {  	s23 =	simm.s32 $0xE780;
	[smem:$0x7D5] =	sst s22  }
0x1dd: {  	s24 =	simm.s32 $0xE800;
	[smem:$0x7D6] =	sst s23  }
0x1de: {  	s25 =	simm.s32 $0xE880;
	[smem:$0x7D7] =	sst s24  }
0x1df: {  	s26 =	simm.s32 $0xE900;
	[smem:$0x7D8] =	sst s25  }
0x1e0: {  	s12 =	simm.s32 $0xE200;
	[smem:$0x7D9] =	sst s26  }
0x1e1: {  	s1 =	simm.s32 $0xE980;
	[smem:$0x7CB] =	sst s12  }
0x1e2: {  	s10 =	simm.s32 $0xEA80;
	[smem:$0x7DA] =	sst s1  }
0x1e3: {  	s11 =	simm.s32 $0xEB00;
	[smem:$0x7DC] =	sst s10  }
0x1e4: {  	s13 =	simm.s32 $0xEC00;
	[smem:$0x7DD] =	sst s11  }
0x1e5: {  	s14 =	simm.s32 $0xEC80;
	[smem:$0x7DF] =	sst s13  }
0x1e6: {  	s15 =	simm.s32 $0xED00;
	[smem:$0x7E0] =	sst s14  }
0x1e7: {  	s16 =	simm.s32 $0xED80;
	[smem:$0x7E1] =	sst s15  }
0x1e8: {  	s17 =	simm.s32 $0xEE00;
	[smem:$0x7E2] =	sst s16  }
0x1e9: {  	s18 =	simm.s32 $0xEE80;
	[smem:$0x7E3] =	sst s17  }
0x1ea: {  	s28 =	simm.s32 $0x4;
	s19 =	simm.s32 $0xEF00;
	[smem:$0x7E4] =	sst s18  }
0x1eb: {  	s29 =	simm.s32 $0xC400;
	s20 =	simm.s32 $0xEF80;
	[smem:$0x7E5] =	sst s19  }
0x1ec: {  	s30 =	simm.s32 $0x5;
	s21 =	simm.s32 $0xF000;
	[smem:$0x7E6] =	sst s20  }
0x1ed: {  	s31 =	simm.s32 $0x10400;
	s22 =	simm.s32 $0xF080;
	[smem:$0x7E7] =	sst s21  }
0x1ee: {  	s7 =	ssub.s32 $0x2, s7;
	s23 =	simm.s32 $0xF100;
	[smem:$0x7E8] =	sst s22  }
0x1ef: {  	s3 =	sshll.u32 s3, $0x9;
	s24 =	simm.s32 $0xF180;
	[smem:$0x7E9] =	sst s23  }
0x1f0: {  	s3 =	sadd.s32 s0, s3;
	s25 =	simm.s32 $0xF200;
	[smem:$0x7EA] =	sst s24  }
0x1f1: {  	s4 =	sshll.u32 s4, $0x7;
	s26 =	simm.s32 $0xF280;
	[smem:$0x7EB] =	sst s25  }
0x1f2: {  	s5 =	sshll.u32 s5, $0x7;
	s12 =	simm.s32 $0xEB80;
	[smem:$0x7EC] =	sst s26  }
0x1f3: {  	s6 =	sshll.u32 s6, $0x7;
	s1 =	simm.s32 $0xF300;
	[smem:$0x7DE] =	sst s12  }
0x1f4: {  	s4 =	sadd.s32 s0, s4;
	s11 =	simm.s32 $0xF400;
	[smem:$0x7ED] =	sst s1  }
0x1f5: {  	s5 =	sadd.s32 s0, s5;
	s13 =	simm.s32 $0xF500;
	[smem:$0x7EF] =	sst s11  }
0x1f6: {  	s6 =	sadd.s32 s0, s6;
	s14 =	simm.s32 $0xF580;
	[smem:$0x7F1] =	sst s13  }
0x1f7: {  	s0 =	simm.s32 $0x6;
	s15 =	simm.s32 $0xF600;
	[smem:$0x7F2] =	sst s14  }
0x1f8: {  	s8 =	simm.s32 $0x2;
	s16 =	simm.s32 $0xF680;
	[smem:$0x7F3] =	sst s15  }
0x1f9: {  	s9 =	simm.s32 $0x4400;
	s17 =	simm.s32 $0xF700;
	[smem:$0x7F4] =	sst s16  }
0x1fa: {  	s10 =	sshrl.u32 s7, $0x1;
	s18 =	simm.s32 $0xF780;
	[smem:$0x7F5] =	sst s17  }
0x1fb: {  	s19 =	simm.s32 $0xF800;
	s20 =	simm.s32 $0xF880;
	[smem:$0x7F6] =	sst s18  }
0x1fc: {  	s21 =	simm.s32 $0xF900;
	s22 =	simm.s32 $0xF980;
	[smem:$0x7F7] =	sst s19  }
0x1fd: {  	v0 =	vimm.s32 $0x7;
	v1 =	vimm.s32 $0x0;
	v12 =	vlaneseq.u32;
	s23 =	simm.s32 $0xFC00;
	s24 =	simm.s32 $0xFC80;
	[smem:$0x7F8] =	sst s20  }
0x1fe: {  	vm0 =	vmmov $0x1;
	v3 =	vimm.s32 $0x1;
	v4 =	vimm.s32 $0x3;
	s26 =	simm.s32 $0xFD00;
	s25 =	ssub.s32 s7, s10;
	[smem:$0x7F9] =	sst s21  }
0x1ff: {  	v5 =	vimm.s32 $0x4;
	v6 =	vimm.s32 $0x5;
	v7 =	vimm.s32 $0x6;
	s12 =	simm.s32 $0xF480;
	s7 =	simm.s32 $0x400;
	[smem:$0x7FA] =	sst s22  }
0x200: {  	v8 =	vimm.s32 $0x8;
	v9 =	vimm.s32 $0x9;
	v10 =	vimm.s32 $0xA;
	s11 =	simm.s32 $0x3;
	[smem:$0x7FB] =	sst s23;
	s14 =	simm.s32 $0x10300  }
0x201: {  	v11 =	vimm.s32 $0xB;
	v2 =	vmul.u32 $0x8, v12;
	v12 =	vmul.u32 $0x81, v12;
	s15 =	simm.s32 $0x10200;
	s16 =	simm.s32 $0x10100;
	s17 =	simm.s32 $0x10180  }
0x202: {  	v13 =	vimm.s32 $0xC;
	v14 =	vimm.s32 $0xD;
	v15 =	vimm.s32 $0x2;
	s18 =	simm.s32 $0x10080;
	s19 =	simm.s32 $0x10000;
	[smem:$0x7FC] =	sst s24  }
0x203: {  	v16 =	vimm.s32 $0xE;
	v17 =	vimm.s32 $0xF;
	v18 =	vadd.s32 $0x810, v12;
	s20 =	simm.s32 $0xFF80;
	s21 =	simm.s32 $0xFF00;
	s22 =	simm.s32 $0xFE00  }
0x204: {  	v19 =	vadd.s32 $0x1020, v12;
	v20 =	vadd.s32 $0x1830, v12;
	v21 =	vadd.s32 $0x2040, v12;
	s23 =	simm.s32 $0x8400;
	[smem:$0x7FD] =	sst s26;
	s24 =	simm.s32 $0xFD80  }
0x205: {  	v22 =	vadd.s32 $0x2850, v12;
	v23 =	vadd.s32 $0x3060, v12;
	v24 =	vadd.s32 $0x3870, v12;
	s26 =	simm.s32 $0x1;
	[smem:$0x7F0] =	sst s12;
	s25 =	smax.u32 s25, $0x1  }
.LBB2_1:
0x206: {  	s1 =	rddreg [dreg:$0x5]  }
0x207: {  	s10 =	rddreg [dreg:$0xb]  }
0x208: {  	s12 =	rddreg [dreg:$0x7]  }
0x209: {  	s13 =	rddreg [dreg:$0xc]  }
0x20a: {  	[tilespmem:s2], [sflag:$0x1] =	stream.linear.gather [hbm4b:s1+s2], $0x80, $0x38;
	[tilespmem:$0x10480] =	vst v63  }
0x20b: {  	s1 =	rddreg [dreg:$0x6]  }
0x20c: {  	[tilespmem:s10], [sflag:$0x2] =	stream.linear.gather [hbm4b:s1+s2], $0x80, $0x38;
	[tilespmem:$0x10480] =	vst v63  }
0x20d: {  	s1 =	rddreg [dreg:$0x8]  }
0x20e: {  	s10 =	rddreg [dreg:$0xd]  }
0x20f: {  	[tilespmem:s13], [sflag:$0x3] =	stream.linear.gather [hbm4b:s12+s2], $0x80, $0x38;
	[tilespmem:$0x10480] =	vst v63  }
0x210: {  	s12 =	rddreg [dreg:$0x9]  }
0x211: {  	[tilespmem:s10], [sflag:$0x4] =	stream.linear.gather [hbm4b:s1+s2], $0x80, $0x38;
	[tilespmem:$0x10480] =	vst v63  }
0x212: {  	s13 =	rddreg [dreg:$0xe]  }
0x213: {  	[tilespmem:s13], [sflag:$0x5] =	stream.linear.gather [hbm4b:s12+s2], $0x200, $0x38;
	[tilespmem:$0x10480] =	vst v63  }
0x214: {  	_ =	swait.ge [sflag:s26], $0x80  }
0x215: {  	[sflag:s26] =	ssyncset.done $0x0  }
0x216: {  	[sflag:s26] =	ssyncadd.s32 $0xFFFFFF80  }
0x217: {  	v25 =	vld [tilespmem:$0x0];
	_ =	sdelay $0x4  }
0x218: {  	v26 =	vshll.u32 v25, $0x7  }
0x219: {  	v25 =	vand.u32 $0x7, v25;
	v26 =	vand.u32 $0xFFFFFC00, v26  }
0x21a: {  	v25 =	vor.u32 v25, v26  }
0x21b: {  	v26 =	vperm.xlane v25, v1;
	_ =	sdelay $0x1  }
0x21c: {  	v27 =	vperm.xlane v25, v3;
	v26 =	vadd.s32 v2, v26;
	_ =	sdelay $0x1  }
0x21d: {  	v28 =	vperm.xlane v25, v15;
	v27 =	vadd.s32 v2, v27;
	_ =	sdelay $0x1  }
0x21e: {  	v29 =	vperm.xlane v25, v4;
	v28 =	vadd.s32 v2, v28  }
0x21f: {  	[tilespmem:s7], [sflag:$0x1] =	stream.indirect_vreg.gather [hbm4b:s3+s2], $0x80, v26, vm0, $0xb8;
	[tilespmem:$0x10480] =	vst v63  }
0x220: {  	s10 =	rddreg [dreg:$0xf];
	v51 =	vperm.xlane v25, v5;
	v26 =	vadd.s32 v2, v29  }
0x221: {  	[tilespmem:s10], [sflag:$0x1] =	stream.indirect_vreg.gather [hbm4b:s3+s2], $0x80, v27, vm0, $0xb8;
	[tilespmem:$0x10480] =	vst v63  }
0x222: {  	s12 =	rddreg [dreg:$0x10];
	v52 =	vperm.xlane v25, v6;
	v27 =	vadd.s32 v2, v51  }
0x223: {  	[tilespmem:s12], [sflag:$0x1] =	stream.indirect_vreg.gather [hbm4b:s3+s2], $0x80, v28, vm0, $0xb8;
	[tilespmem:$0x10480] =	vst v63  }
0x224: {  	s13 =	rddreg [dreg:$0x11];
	v54 =	vperm.xlane v25, v7;
	v53 =	vadd.s32 v2, v52  }
0x225: {  	[tilespmem:s13], [sflag:$0x1] =	stream.indirect_vreg.gather [hbm4b:s3+s2], $0x80, v26, vm0, $0xb8;
	[tilespmem:$0x10480] =	vst v63  }
0x226: {  	v55 =	vperm.xlane v25, v0;
	s12 =	rddreg [dreg:$0x12];
	v26 =	vadd.s32 v2, v54  }
0x227: {  	[tilespmem:s12], [sflag:$0x1] =	stream.indirect_vreg.gather [hbm4b:s3+s2], $0x80, v27, vm0, $0xb8;
	[tilespmem:$0x10480] =	vst v63  }
0x228: {  	v56 =	vperm.xlane v25, v8;
	s13 =	rddreg [dreg:$0x13];
	v27 =	vadd.s32 v2, v55  }
0x229: {  	[tilespmem:s13], [sflag:$0x1] =	stream.indirect_vreg.gather [hbm4b:s3+s2], $0x80, v53, vm0, $0xb8;
	[tilespmem:$0x10480] =	vst v63  }
0x22a: {  	v58 =	vperm.xlane v25, v9;
	v57 =	vadd.s32 v2, v56;
	s12 =	rddreg [dreg:$0x14]  }
0x22b: {  	[tilespmem:s12], [sflag:$0x1] =	stream.indirect_vreg.gather [hbm4b:s3+s2], $0x80, v26, vm0, $0xb8;
	[tilespmem:$0x10480] =	vst v63  }
0x22c: {  	v59 =	vperm.xlane v25, v10;
	s13 =	rddreg [dreg:$0x15];
	v26 =	vadd.s32 v2, v58  }
0x22d: {  	[tilespmem:s13], [sflag:$0x1] =	stream.indirect_vreg.gather [hbm4b:s3+s2], $0x80, v27, vm0, $0xb8;
	[tilespmem:$0x10480] =	vst v63  }
0x22e: {  	v60 =	vperm.xlane v25, v11;
	s12 =	rddreg [dreg:$0x16];
	v27 =	vadd.s32 v2, v59  }
0x22f: {  	[tilespmem:s12], [sflag:$0x1] =	stream.indirect_vreg.gather [hbm4b:s3+s2], $0x80, v57, vm0, $0xb8;
	[tilespmem:$0x10480] =	vst v63  }
0x230: {  	v62 =	vperm.xlane v25, v13;
	v61 =	vadd.s32 v2, v60;
	s13 =	rddreg [dreg:$0x17]  }
0x231: {  	[tilespmem:s13], [sflag:$0x1] =	stream.indirect_vreg.gather [hbm4b:s3+s2], $0x80, v26, vm0, $0xb8;
	[tilespmem:$0x10480] =	vst v63  }
0x232: {  	v63 =	vperm.xlane v25, v14;
	s12 =	rddreg [dreg:$0x18];
	v26 =	vadd.s32 v2, v62  }
0x233: {  	[tilespmem:s12], [sflag:$0x1] =	stream.indirect_vreg.gather [hbm4b:s3+s2], $0x80, v27, vm0, $0xb8;
	[tilespmem:$0x10480] =	vst v63  }
0x234: {  	v32 =	vperm.xlane v25, v16;
	s13 =	rddreg [dreg:$0x19];
	v27 =	vadd.s32 v2, v63  }
0x235: {  	[tilespmem:s13], [sflag:$0x1] =	stream.indirect_vreg.gather [hbm4b:s3+s2], $0x80, v61, vm0, $0xb8;
	[tilespmem:$0x10480] =	vst v63  }
0x236: {  	v25 =	vperm.xlane v25, v17;
	v33 =	vadd.s32 v2, v32;
	s12 =	rddreg [dreg:$0x1a]  }
0x237: {  	[tilespmem:s12], [sflag:$0x1] =	stream.indirect_vreg.gather [hbm4b:s3+s2], $0x80, v26, vm0, $0xb8;
	[tilespmem:$0x10480] =	vst v63  }
0x238: {  	v25 =	vadd.s32 v2, v25;
	s13 =	rddreg [dreg:$0x1b]  }
0x239: {  	[tilespmem:s13], [sflag:$0x1] =	stream.indirect_vreg.gather [hbm4b:s3+s2], $0x80, v27, vm0, $0xb8;
	[tilespmem:$0x10480] =	vst v63  }
0x23a: {  	s12 =	rddreg [dreg:$0x1c]  }
0x23b: {  	[tilespmem:s12], [sflag:$0x1] =	stream.indirect_vreg.gather [hbm4b:s3+s2], $0x80, v33, vm0, $0xb8;
	[tilespmem:$0x10480] =	vst v63  }
0x23c: {  	s13 =	rddreg [dreg:$0x1d]  }
0x23d: {  	[tilespmem:s13], [sflag:$0x1] =	stream.indirect_vreg.gather [hbm4b:s3+s2], $0x80, v25, vm0, $0xb8;
	[tilespmem:$0x10480] =	vst v63  }
0x23e: {  	v25 =	vld [tilespmem:$0x10];
	_ =	sdelay $0x4  }
0x23f: {  	v26 =	vshll.u32 v25, $0x7  }
0x240: {  	v25 =	vand.u32 $0x7, v25;
	v26 =	vand.u32 $0xFFFFFC00, v26  }
0x241: {  	v25 =	vor.u32 v25, v26  }
0x242: {  	v26 =	vperm.xlane v25, v1;
	_ =	sdelay $0x1  }
0x243: {  	v27 =	vperm.xlane v25, v3;
	v26 =	vadd.s32 v2, v26;
	_ =	sdelay $0x1  }
0x244: {  	v34 =	vperm.xlane v25, v15;
	v27 =	vadd.s32 v2, v27  }
0x245: {  	s12 =	rddreg [dreg:$0x1e]  }
0x246: {  	s13 =	rddreg [dreg:$0x1f];
	v35 =	vperm.xlane v25, v4;
	v28 =	vadd.s32 v2, v34  }
0x247: {  	[tilespmem:s12], [sflag:$0x1] =	stream.indirect_vreg.gather [hbm4b:s3+s2], $0x80, v26, vm0, $0xb8;
	[tilespmem:$0x10480] =	vst v63  }
0x248: {  	v36 =	vperm.xlane v25, v5;
	s12 =	sld [smem:$0x620];
	v26 =	vadd.s32 v2, v35  }
0x249: {  	[tilespmem:s13], [sflag:$0x1] =	stream.indirect_vreg.gather [hbm4b:s3+s2], $0x80, v27, vm0, $0xb8;
	[tilespmem:$0x10480] =	vst v63  }
0x24a: {  	v37 =	vperm.xlane v25, v6;
	s13 =	sld [smem:$0x621];
	v27 =	vadd.s32 v2, v36  }
0x24b: {  	[tilespmem:s12], [sflag:$0x1] =	stream.indirect_vreg.gather [hbm4b:s3+s2], $0x80, v28, vm0, $0xb8;
	[tilespmem:$0x10480] =	vst v63  }
0x24c: {  	v39 =	vperm.xlane v25, v7;
	v38 =	vadd.s32 v2, v37;
	s12 =	sld [smem:$0x622]  }
0x24d: {  	[tilespmem:s13], [sflag:$0x1] =	stream.indirect_vreg.gather [hbm4b:s3+s2], $0x80, v26, vm0, $0xb8;
	[tilespmem:$0x10480] =	vst v63  }
0x24e: {  	v40 =	vperm.xlane v25, v0;
	s13 =	sld [smem:$0x623];
	v26 =	vadd.s32 v2, v39  }
0x24f: {  	[tilespmem:s12], [sflag:$0x1] =	stream.indirect_vreg.gather [hbm4b:s3+s2], $0x80, v27, vm0, $0xb8;
	[tilespmem:$0x10480] =	vst v63  }
0x250: {  	v41 =	vperm.xlane v25, v8;
	s12 =	sld [smem:$0x624];
	v27 =	vadd.s32 v2, v40  }
0x251: {  	[tilespmem:s13], [sflag:$0x1] =	stream.indirect_vreg.gather [hbm4b:s3+s2], $0x80, v38, vm0, $0xb8;
	[tilespmem:$0x10480] =	vst v63  }
0x252: {  	v43 =	vperm.xlane v25, v9;
	v42 =	vadd.s32 v2, v41;
	s13 =	sld [smem:$0x625]  }
0x253: {  	[tilespmem:s12], [sflag:$0x1] =	stream.indirect_vreg.gather [hbm4b:s3+s2], $0x80, v26, vm0, $0xb8;
	[tilespmem:$0x10480] =	vst v63  }
0x254: {  	v44 =	vperm.xlane v25, v10;
	s12 =	sld [smem:$0x626];
	v26 =	vadd.s32 v2, v43  }
0x255: {  	[tilespmem:s13], [sflag:$0x1] =	stream.indirect_vreg.gather [hbm4b:s3+s2], $0x80, v27, vm0, $0xb8;
	[tilespmem:$0x10480] =	vst v63  }
0x256: {  	v45 =	vperm.xlane v25, v11;
	s13 =	sld [smem:$0x627];
	v27 =	vadd.s32 v2, v44  }
0x257: {  	[tilespmem:s12], [sflag:$0x1] =	stream.indirect_vreg.gather [hbm4b:s3+s2], $0x80, v42, vm0, $0xb8;
	[tilespmem:$0x10480] =	vst v63  }
0x258: {  	v47 =	vperm.xlane v25, v13;
	v46 =	vadd.s32 v2, v45;
	s12 =	sld [smem:$0x628]  }
0x259: {  	[tilespmem:s13], [sflag:$0x1] =	stream.indirect_vreg.gather [hbm4b:s3+s2], $0x80, v26, vm0, $0xb8;
	[tilespmem:$0x10480] =	vst v63  }
0x25a: {  	v48 =	vperm.xlane v25, v14;
	s13 =	sld [smem:$0x629];
	v26 =	vadd.s32 v2, v47  }
0x25b: {  	[tilespmem:s12], [sflag:$0x1] =	stream.indirect_vreg.gather [hbm4b:s3+s2], $0x80, v27, vm0, $0xb8;
	[tilespmem:$0x10480] =	vst v63  }
0x25c: {  	v49 =	vperm.xlane v25, v16;
	s12 =	sld [smem:$0x62A];
	v27 =	vadd.s32 v2, v48  }
0x25d: {  	[tilespmem:s13], [sflag:$0x1] =	stream.indirect_vreg.gather [hbm4b:s3+s2], $0x80, v46, vm0, $0xb8;
	[tilespmem:$0x10480] =	vst v63  }
0x25e: {  	v25 =	vperm.xlane v25, v17;
	v50 =	vadd.s32 v2, v49;
	s13 =	sld [smem:$0x62B]  }
0x25f: {  	[tilespmem:s12], [sflag:$0x1] =	stream.indirect_vreg.gather [hbm4b:s3+s2], $0x80, v26, vm0, $0xb8;
	[tilespmem:$0x10480] =	vst v63  }
0x260: {  	v25 =	vadd.s32 v2, v25;
	s12 =	sld [smem:$0x62C]  }
0x261: {  	[tilespmem:s13], [sflag:$0x1] =	stream.indirect_vreg.gather [hbm4b:s3+s2], $0x80, v27, vm0, $0xb8;
	[tilespmem:$0x10480] =	vst v63  }
0x262: {  	s13 =	sld [smem:$0x62D]  }
0x263: {  	[tilespmem:s12], [sflag:$0x1] =	stream.indirect_vreg.gather [hbm4b:s3+s2], $0x80, v50, vm0, $0xb8;
	[tilespmem:$0x10480] =	vst v63  }
0x264: {  	_ = 	snop  }
0x265: {  	[tilespmem:s13], [sflag:$0x1] =	stream.indirect_vreg.gather [hbm4b:s3+s2], $0x80, v25, vm0, $0xb8;
	[tilespmem:$0x10480] =	vst v63  }
0x266: {  	v25 =	vld [tilespmem:$0x20];
	_ =	sdelay $0x4  }
0x267: {  	v26 =	vshll.u32 v25, $0x7  }
0x268: {  	v25 =	vand.u32 $0x7, v25;
	v26 =	vand.u32 $0xFFFFFC00, v26  }
0x269: {  	v25 =	vor.u32 v25, v26  }
0x26a: {  	v26 =	vperm.xlane v25, v1;
	_ =	sdelay $0x1  }
0x26b: {  	v27 =	vperm.xlane v25, v3;
	v26 =	vadd.s32 v2, v26;
	_ =	sdelay $0x1  }
0x26c: {  	s12 =	sld [smem:$0x62E];
	v51 =	vperm.xlane v25, v15;
	v27 =	vadd.s32 v2, v27;
	_ =	sdelay $0x1  }
0x26d: {  	s13 =	sld [smem:$0x62F];
	v52 =	vperm.xlane v25, v4;
	v28 =	vadd.s32 v2, v51  }
0x26e: {  	[tilespmem:s12], [sflag:$0x1] =	stream.indirect_vreg.gather [hbm4b:s3+s2], $0x80, v26, vm0, $0xb8;
	[tilespmem:$0x10480] =	vst v63  }
0x26f: {  	v53 =	vperm.xlane v25, v5;
	s12 =	sld [smem:$0x630];
	v26 =	vadd.s32 v2, v52  }
0x270: {  	[tilespmem:s13], [sflag:$0x1] =	stream.indirect_vreg.gather [hbm4b:s3+s2], $0x80, v27, vm0, $0xb8;
	[tilespmem:$0x10480] =	vst v63  }
0x271: {  	v54 =	vperm.xlane v25, v6;
	s13 =	sld [smem:$0x631];
	v27 =	vadd.s32 v2, v53  }
0x272: {  	[tilespmem:s12], [sflag:$0x1] =	stream.indirect_vreg.gather [hbm4b:s3+s2], $0x80, v28, vm0, $0xb8;
	[tilespmem:$0x10480] =	vst v63  }
0x273: {  	v56 =	vperm.xlane v25, v7;
	v55 =	vadd.s32 v2, v54;
	s12 =	sld [smem:$0x632]  }
0x274: {  	[tilespmem:s13], [sflag:$0x1] =	stream.indirect_vreg.gather [hbm4b:s3+s2], $0x80, v26, vm0, $0xb8;
	[tilespmem:$0x10480] =	vst v63  }
0x275: {  	v57 =	vperm.xlane v25, v0;
	s13 =	sld [smem:$0x633];
	v26 =	vadd.s32 v2, v56  }
0x276: {  	[tilespmem:s12], [sflag:$0x1] =	stream.indirect_vreg.gather [hbm4b:s3+s2], $0x80, v27, vm0, $0xb8;
	[tilespmem:$0x10480] =	vst v63  }
0x277: {  	v58 =	vperm.xlane v25, v8;
	s12 =	sld [smem:$0x634];
	v27 =	vadd.s32 v2, v57  }
0x278: {  	[tilespmem:s13], [sflag:$0x1] =	stream.indirect_vreg.gather [hbm4b:s3+s2], $0x80, v55, vm0, $0xb8;
	[tilespmem:$0x10480] =	vst v63  }
0x279: {  	v60 =	vperm.xlane v25, v9;
	v59 =	vadd.s32 v2, v58;
	s13 =	sld [smem:$0x635]  }
0x27a: {  	[tilespmem:s12], [sflag:$0x1] =	stream.indirect_vreg.gather [hbm4b:s3+s2], $0x80, v26, vm0, $0xb8;
	[tilespmem:$0x10480] =	vst v63  }
0x27b: {  	v61 =	vperm.xlane v25, v10;
	s12 =	sld [smem:$0x636];
	v26 =	vadd.s32 v2, v60  }
0x27c: {  	[tilespmem:s13], [sflag:$0x1] =	stream.indirect_vreg.gather [hbm4b:s3+s2], $0x80, v27, vm0, $0xb8;
	[tilespmem:$0x10480] =	vst v63  }
0x27d: {  	v62 =	vperm.xlane v25, v11;
	s13 =	sld [smem:$0x637];
	v27 =	vadd.s32 v2, v61  }
0x27e: {  	[tilespmem:s12], [sflag:$0x1] =	stream.indirect_vreg.gather [hbm4b:s3+s2], $0x80, v59, vm0, $0xb8;
	[tilespmem:$0x10480] =	vst v63  }
0x27f: {  	v32 =	vperm.xlane v25, v13;
	v63 =	vadd.s32 v2, v62;
	s12 =	sld [smem:$0x638]  }
0x280: {  	[tilespmem:s13], [sflag:$0x1] =	stream.indirect_vreg.gather [hbm4b:s3+s2], $0x80, v26, vm0, $0xb8;
	[tilespmem:$0x10480] =	vst v63  }
0x281: {  	v33 =	vperm.xlane v25, v14;
	s13 =	sld [smem:$0x639];
	v26 =	vadd.s32 v2, v32  }
0x282: {  	[tilespmem:s12], [sflag:$0x1] =	stream.indirect_vreg.gather [hbm4b:s3+s2], $0x80, v27, vm0, $0xb8;
	[tilespmem:$0x10480] =	vst v63  }
0x283: {  	v34 =	vperm.xlane v25, v16;
	s12 =	sld [smem:$0x63A];
	v27 =	vadd.s32 v2, v33  }
0x284: {  	[tilespmem:s13], [sflag:$0x1] =	stream.indirect_vreg.gather [hbm4b:s3+s2], $0x80, v63, vm0, $0xb8;
	[tilespmem:$0x10480] =	vst v63  }
0x285: {  	v25 =	vperm.xlane v25, v17;
	v35 =	vadd.s32 v2, v34;
	s13 =	sld [smem:$0x63B]  }
0x286: {  	[tilespmem:s12], [sflag:$0x1] =	stream.indirect_vreg.gather [hbm4b:s3+s2], $0x80, v26, vm0, $0xb8;
	[tilespmem:$0x10480] =	vst v63  }
0x287: {  	v25 =	vadd.s32 v2, v25;
	s12 =	sld [smem:$0x63C]  }
0x288: {  	[tilespmem:s13], [sflag:$0x1] =	stream.indirect_vreg.gather [hbm4b:s3+s2], $0x80, v27, vm0, $0xb8;
	[tilespmem:$0x10480] =	vst v63  }
0x289: {  	s13 =	sld [smem:$0x63D]  }
0x28a: {  	[tilespmem:s12], [sflag:$0x1] =	stream.indirect_vreg.gather [hbm4b:s3+s2], $0x80, v35, vm0, $0xb8;
	[tilespmem:$0x10480] =	vst v63  }
0x28b: {  	_ = 	snop  }
0x28c: {  	[tilespmem:s13], [sflag:$0x1] =	stream.indirect_vreg.gather [hbm4b:s3+s2], $0x80, v25, vm0, $0xb8;
	[tilespmem:$0x10480] =	vst v63  }
0x28d: {  	v25 =	vld [tilespmem:$0x30];
	_ =	sdelay $0x4  }
0x28e: {  	v26 =	vshll.u32 v25, $0x7  }
0x28f: {  	v25 =	vand.u32 $0x7, v25;
	v26 =	vand.u32 $0xFFFFFC00, v26  }
0x290: {  	v25 =	vor.u32 v25, v26  }
0x291: {  	v26 =	vperm.xlane v25, v1;
	_ =	sdelay $0x1  }
0x292: {  	v27 =	vperm.xlane v25, v3;
	v26 =	vadd.s32 v2, v26;
	_ =	sdelay $0x1  }
0x293: {  	s10 =	sld [smem:$0x63E];
	v36 =	vperm.xlane v25, v15;
	v27 =	vadd.s32 v2, v27;
	_ =	sdelay $0x1  }
0x294: {  	s12 =	sld [smem:$0x63F];
	v37 =	vperm.xlane v25, v4;
	v28 =	vadd.s32 v2, v36  }
0x295: {  	[tilespmem:s10], [sflag:$0x1] =	stream.indirect_vreg.gather [hbm4b:s3+s2], $0x80, v26, vm0, $0xb8;
	[tilespmem:$0x10480] =	vst v63  }
0x296: {  	s13 =	sld [smem:$0x640];
	v38 =	vperm.xlane v25, v5;
	v26 =	vadd.s32 v2, v37  }
0x297: {  	[tilespmem:s12], [sflag:$0x1] =	stream.indirect_vreg.gather [hbm4b:s3+s2], $0x80, v27, vm0, $0xb8;
	[tilespmem:$0x10480] =	vst v63  }
0x298: {  	v39 =	vperm.xlane v25, v6;
	s12 =	sld [smem:$0x641];
	v27 =	vadd.s32 v2, v38  }
0x299: {  	[tilespmem:s13], [sflag:$0x1] =	stream.indirect_vreg.gather [hbm4b:s3+s2], $0x80, v28, vm0, $0xb8;
	[tilespmem:$0x10480] =	vst v63  }
0x29a: {  	v41 =	vperm.xlane v25, v7;
	v40 =	vadd.s32 v2, v39;
	s13 =	sld [smem:$0x642]  }
0x29b: {  	[tilespmem:s12], [sflag:$0x1] =	stream.indirect_vreg.gather [hbm4b:s3+s2], $0x80, v26, vm0, $0xb8;
	[tilespmem:$0x10480] =	vst v63  }
0x29c: {  	v42 =	vperm.xlane v25, v0;
	s12 =	sld [smem:$0x643];
	v26 =	vadd.s32 v2, v41  }
0x29d: {  	[tilespmem:s13], [sflag:$0x1] =	stream.indirect_vreg.gather [hbm4b:s3+s2], $0x80, v27, vm0, $0xb8;
	[tilespmem:$0x10480] =	vst v63  }
0x29e: {  	v43 =	vperm.xlane v25, v8;
	s13 =	sld [smem:$0x644];
	v27 =	vadd.s32 v2, v42  }
0x29f: {  	[tilespmem:s12], [sflag:$0x1] =	stream.indirect_vreg.gather [hbm4b:s3+s2], $0x80, v40, vm0, $0xb8;
	[tilespmem:$0x10480] =	vst v63  }
0x2a0: {  	v45 =	vperm.xlane v25, v9;
	v44 =	vadd.s32 v2, v43;
	s12 =	sld [smem:$0x645]  }
0x2a1: {  	[tilespmem:s13], [sflag:$0x1] =	stream.indirect_vreg.gather [hbm4b:s3+s2], $0x80, v26, vm0, $0xb8;
	[tilespmem:$0x10480] =	vst v63  }
0x2a2: {  	v46 =	vperm.xlane v25, v10;
	s13 =	sld [smem:$0x646];
	v26 =	vadd.s32 v2, v45  }
0x2a3: {  	[tilespmem:s12], [sflag:$0x1] =	stream.indirect_vreg.gather [hbm4b:s3+s2], $0x80, v27, vm0, $0xb8;
	[tilespmem:$0x10480] =	vst v63  }
0x2a4: {  	v47 =	vperm.xlane v25, v11;
	s12 =	sld [smem:$0x647];
	v27 =	vadd.s32 v2, v46  }
0x2a5: {  	[tilespmem:s13], [sflag:$0x1] =	stream.indirect_vreg.gather [hbm4b:s3+s2], $0x80, v44, vm0, $0xb8;
	[tilespmem:$0x10480] =	vst v63  }
0x2a6: {  	v49 =	vperm.xlane v25, v13;
	v48 =	vadd.s32 v2, v47;
	s13 =	sld [smem:$0x648]  }
0x2a7: {  	[tilespmem:s12], [sflag:$0x1] =	stream.indirect_vreg.gather [hbm4b:s3+s2], $0x80, v26, vm0, $0xb8;
	[tilespmem:$0x10480] =	vst v63  }
0x2a8: {  	s12 =	sld [smem:$0x649];
	v26 =	vadd.s32 v2, v49  }
0x2a9: {  	[tilespmem:s13], [sflag:$0x1] =	stream.indirect_vreg.gather [hbm4b:s3+s2], $0x80, v27, vm0, $0xb8;
	[tilespmem:$0x10480] =	vst v63  }
0x2aa: {  	s13 =	sld [smem:$0x64A];
	v27 =	vperm.xlane v25, v14  }
0x2ab: {  	[tilespmem:s12], [sflag:$0x1] =	stream.indirect_vreg.gather [hbm4b:s3+s2], $0x80, v48, vm0, $0xb8;
	[tilespmem:$0x10480] =	vst v63  }
0x2ac: {  	v50 =	vperm.xlane v25, v16;
	v27 =	vadd.s32 v2, v27  }
0x2ad: {  	[tilespmem:s13], [sflag:$0x1] =	stream.indirect_vreg.gather [hbm4b:s3+s2], $0x80, v26, vm0, $0xb8;
	[tilespmem:$0x10480] =	vst v63  }
0x2ae: {  	v25 =	vperm.xlane v25, v17;
	v26 =	vadd.s32 v2, v50;
	s1 =	sld [smem:$0x64B];
	_ =	sdelay $0x1  }
0x2af: {  	v25 =	vadd.s32 v2, v25;
	s12 =	sld [smem:$0x64C]  }
0x2b0: {  	[tilespmem:s1], [sflag:$0x1] =	stream.indirect_vreg.gather [hbm4b:s3+s2], $0x80, v27, vm0, $0xb8;
	[tilespmem:$0x10480] =	vst v63  }
0x2b1: {  	s13 =	sld [smem:$0x64D]  }
0x2b2: {  	[tilespmem:s12], [sflag:$0x1] =	stream.indirect_vreg.gather [hbm4b:s3+s2], $0x80, v26, vm0, $0xb8;
	[tilespmem:$0x10480] =	vst v63  }
0x2b3: {  	_ = 	snop  }
0x2b4: {  	[tilespmem:s13], [sflag:$0x1] =	stream.indirect_vreg.gather [hbm4b:s3+s2], $0x80, v25, vm0, $0xb8;
	[tilespmem:$0x10480] =	vst v63  }
0x2b5: {  	v25 =	vld [tilespmem:$0x40];
	_ =	sdelay $0x4  }
0x2b6: {  	v26 =	vshll.u32 v25, $0x7  }
0x2b7: {  	v25 =	vand.u32 $0x7, v25;
	v26 =	vand.u32 $0xFFFFFC00, v26  }
0x2b8: {  	v25 =	vor.u32 v25, v26  }
0x2b9: {  	v26 =	vperm.xlane v25, v1;
	_ =	sdelay $0x1  }
0x2ba: {  	v27 =	vperm.xlane v25, v3;
	v26 =	vadd.s32 v2, v26;
	_ =	sdelay $0x1  }
0x2bb: {  	s12 =	sld [smem:$0x64E];
	v51 =	vperm.xlane v25, v15;
	v27 =	vadd.s32 v2, v27;
	_ =	sdelay $0x1  }
0x2bc: {  	s13 =	sld [smem:$0x64F];
	v52 =	vperm.xlane v25, v4;
	v28 =	vadd.s32 v2, v51  }
0x2bd: {  	[tilespmem:s12], [sflag:$0x1] =	stream.indirect_vreg.gather [hbm4b:s3+s2], $0x80, v26, vm0, $0xb8;
	[tilespmem:$0x10480] =	vst v63  }
0x2be: {  	v53 =	vperm.xlane v25, v5;
	s12 =	sld [smem:$0x650];
	v26 =	vadd.s32 v2, v52  }
0x2bf: {  	[tilespmem:s13], [sflag:$0x1] =	stream.indirect_vreg.gather [hbm4b:s3+s2], $0x80, v27, vm0, $0xb8;
	[tilespmem:$0x10480] =	vst v63  }
0x2c0: {  	v54 =	vperm.xlane v25, v6;
	s13 =	sld [smem:$0x651];
	v27 =	vadd.s32 v2, v53  }
0x2c1: {  	[tilespmem:s12], [sflag:$0x1] =	stream.indirect_vreg.gather [hbm4b:s3+s2], $0x80, v28, vm0, $0xb8;
	[tilespmem:$0x10480] =	vst v63  }
0x2c2: {  	v56 =	vperm.xlane v25, v7;
	v55 =	vadd.s32 v2, v54;
	s12 =	sld [smem:$0x652]  }
0x2c3: {  	[tilespmem:s13], [sflag:$0x1] =	stream.indirect_vreg.gather [hbm4b:s3+s2], $0x80, v26, vm0, $0xb8;
	[tilespmem:$0x10480] =	vst v63  }
0x2c4: {  	v57 =	vperm.xlane v25, v0;
	s13 =	sld [smem:$0x653];
	v26 =	vadd.s32 v2, v56  }
0x2c5: {  	[tilespmem:s12], [sflag:$0x1] =	stream.indirect_vreg.gather [hbm4b:s3+s2], $0x80, v27, vm0, $0xb8;
	[tilespmem:$0x10480] =	vst v63  }
0x2c6: {  	v58 =	vperm.xlane v25, v8;
	s12 =	sld [smem:$0x654];
	v27 =	vadd.s32 v2, v57  }
0x2c7: {  	[tilespmem:s13], [sflag:$0x1] =	stream.indirect_vreg.gather [hbm4b:s3+s2], $0x80, v55, vm0, $0xb8;
	[tilespmem:$0x10480] =	vst v63  }
0x2c8: {  	v60 =	vperm.xlane v25, v9;
	v59 =	vadd.s32 v2, v58;
	s13 =	sld [smem:$0x655]  }
0x2c9: {  	[tilespmem:s12], [sflag:$0x1] =	stream.indirect_vreg.gather [hbm4b:s3+s2], $0x80, v26, vm0, $0xb8;
	[tilespmem:$0x10480] =	vst v63  }
0x2ca: {  	v61 =	vperm.xlane v25, v10;
	s12 =	sld [smem:$0x656];
	v26 =	vadd.s32 v2, v60  }
0x2cb: {  	[tilespmem:s13], [sflag:$0x1] =	stream.indirect_vreg.gather [hbm4b:s3+s2], $0x80, v27, vm0, $0xb8;
	[tilespmem:$0x10480] =	vst v63  }
0x2cc: {  	v62 =	vperm.xlane v25, v11;
	s13 =	sld [smem:$0x657];
	v27 =	vadd.s32 v2, v61  }
0x2cd: {  	[tilespmem:s12], [sflag:$0x1] =	stream.indirect_vreg.gather [hbm4b:s3+s2], $0x80, v59, vm0, $0xb8;
	[tilespmem:$0x10480] =	vst v63  }
0x2ce: {  	v32 =	vperm.xlane v25, v13;
	v63 =	vadd.s32 v2, v62;
	s12 =	sld [smem:$0x658]  }
0x2cf: {  	[tilespmem:s13], [sflag:$0x1] =	stream.indirect_vreg.gather [hbm4b:s3+s2], $0x80, v26, vm0, $0xb8;
	[tilespmem:$0x10480] =	vst v63  }
0x2d0: {  	v33 =	vperm.xlane v25, v14;
	s13 =	sld [smem:$0x659];
	v26 =	vadd.s32 v2, v32  }
0x2d1: {  	[tilespmem:s12], [sflag:$0x1] =	stream.indirect_vreg.gather [hbm4b:s3+s2], $0x80, v27, vm0, $0xb8;
	[tilespmem:$0x10480] =	vst v63  }
0x2d2: {  	v34 =	vperm.xlane v25, v16;
	s12 =	sld [smem:$0x65A];
	v27 =	vadd.s32 v2, v33  }
0x2d3: {  	[tilespmem:s13], [sflag:$0x1] =	stream.indirect_vreg.gather [hbm4b:s3+s2], $0x80, v63, vm0, $0xb8;
	[tilespmem:$0x10480] =	vst v63  }
0x2d4: {  	v25 =	vperm.xlane v25, v17;
	v35 =	vadd.s32 v2, v34;
	s13 =	sld [smem:$0x65B]  }
0x2d5: {  	[tilespmem:s12], [sflag:$0x1] =	stream.indirect_vreg.gather [hbm4b:s3+s2], $0x80, v26, vm0, $0xb8;
	[tilespmem:$0x10480] =	vst v63  }
0x2d6: {  	v25 =	vadd.s32 v2, v25;
	s12 =	sld [smem:$0x65C]  }
0x2d7: {  	[tilespmem:s13], [sflag:$0x1] =	stream.indirect_vreg.gather [hbm4b:s3+s2], $0x80, v27, vm0, $0xb8;
	[tilespmem:$0x10480] =	vst v63  }
0x2d8: {  	s13 =	sld [smem:$0x65D]  }
0x2d9: {  	[tilespmem:s12], [sflag:$0x1] =	stream.indirect_vreg.gather [hbm4b:s3+s2], $0x80, v35, vm0, $0xb8;
	[tilespmem:$0x10480] =	vst v63  }
0x2da: {  	_ = 	snop  }
0x2db: {  	[tilespmem:s13], [sflag:$0x1] =	stream.indirect_vreg.gather [hbm4b:s3+s2], $0x80, v25, vm0, $0xb8;
	[tilespmem:$0x10480] =	vst v63  }
0x2dc: {  	v25 =	vld [tilespmem:$0x50];
	_ =	sdelay $0x4  }
0x2dd: {  	v26 =	vshll.u32 v25, $0x7  }
0x2de: {  	v25 =	vand.u32 $0x7, v25;
	v26 =	vand.u32 $0xFFFFFC00, v26  }
0x2df: {  	v25 =	vor.u32 v25, v26  }
0x2e0: {  	v26 =	vperm.xlane v25, v1;
	_ =	sdelay $0x1  }
0x2e1: {  	v27 =	vperm.xlane v25, v3;
	v26 =	vadd.s32 v2, v26;
	_ =	sdelay $0x1  }
0x2e2: {  	s12 =	sld [smem:$0x65E];
	v36 =	vperm.xlane v25, v15;
	v27 =	vadd.s32 v2, v27;
	_ =	sdelay $0x1  }
0x2e3: {  	s13 =	sld [smem:$0x65F];
	v37 =	vperm.xlane v25, v4;
	v28 =	vadd.s32 v2, v36  }
0x2e4: {  	[tilespmem:s12], [sflag:$0x1] =	stream.indirect_vreg.gather [hbm4b:s3+s2], $0x80, v26, vm0, $0xb8;
	[tilespmem:$0x10480] =	vst v63  }
0x2e5: {  	v38 =	vperm.xlane v25, v5;
	s12 =	sld [smem:$0x660];
	v26 =	vadd.s32 v2, v37  }
0x2e6: {  	[tilespmem:s13], [sflag:$0x1] =	stream.indirect_vreg.gather [hbm4b:s3+s2], $0x80, v27, vm0, $0xb8;
	[tilespmem:$0x10480] =	vst v63  }
0x2e7: {  	v39 =	vperm.xlane v25, v6;
	s13 =	sld [smem:$0x661];
	v27 =	vadd.s32 v2, v38  }
0x2e8: {  	[tilespmem:s12], [sflag:$0x1] =	stream.indirect_vreg.gather [hbm4b:s3+s2], $0x80, v28, vm0, $0xb8;
	[tilespmem:$0x10480] =	vst v63  }
0x2e9: {  	v41 =	vperm.xlane v25, v7;
	v40 =	vadd.s32 v2, v39;
	s12 =	sld [smem:$0x662]  }
0x2ea: {  	[tilespmem:s13], [sflag:$0x1] =	stream.indirect_vreg.gather [hbm4b:s3+s2], $0x80, v26, vm0, $0xb8;
	[tilespmem:$0x10480] =	vst v63  }
0x2eb: {  	v42 =	vperm.xlane v25, v0;
	s13 =	sld [smem:$0x663];
	v26 =	vadd.s32 v2, v41  }
0x2ec: {  	[tilespmem:s12], [sflag:$0x1] =	stream.indirect_vreg.gather [hbm4b:s3+s2], $0x80, v27, vm0, $0xb8;
	[tilespmem:$0x10480] =	vst v63  }
0x2ed: {  	v43 =	vperm.xlane v25, v8;
	s12 =	sld [smem:$0x664];
	v27 =	vadd.s32 v2, v42  }
0x2ee: {  	[tilespmem:s13], [sflag:$0x1] =	stream.indirect_vreg.gather [hbm4b:s3+s2], $0x80, v40, vm0, $0xb8;
	[tilespmem:$0x10480] =	vst v63  }
0x2ef: {  	v45 =	vperm.xlane v25, v9;
	v44 =	vadd.s32 v2, v43;
	s13 =	sld [smem:$0x665]  }
0x2f0: {  	[tilespmem:s12], [sflag:$0x1] =	stream.indirect_vreg.gather [hbm4b:s3+s2], $0x80, v26, vm0, $0xb8;
	[tilespmem:$0x10480] =	vst v63  }
0x2f1: {  	v46 =	vperm.xlane v25, v10;
	s12 =	sld [smem:$0x666];
	v26 =	vadd.s32 v2, v45  }
0x2f2: {  	[tilespmem:s13], [sflag:$0x1] =	stream.indirect_vreg.gather [hbm4b:s3+s2], $0x80, v27, vm0, $0xb8;
	[tilespmem:$0x10480] =	vst v63  }
0x2f3: {  	v47 =	vperm.xlane v25, v11;
	s13 =	sld [smem:$0x667];
	v27 =	vadd.s32 v2, v46  }
0x2f4: {  	[tilespmem:s12], [sflag:$0x1] =	stream.indirect_vreg.gather [hbm4b:s3+s2], $0x80, v44, vm0, $0xb8;
	[tilespmem:$0x10480] =	vst v63  }
0x2f5: {  	v49 =	vperm.xlane v25, v13;
	v48 =	vadd.s32 v2, v47;
	s12 =	sld [smem:$0x668]  }
0x2f6: {  	[tilespmem:s13], [sflag:$0x1] =	stream.indirect_vreg.gather [hbm4b:s3+s2], $0x80, v26, vm0, $0xb8;
	[tilespmem:$0x10480] =	vst v63  }
0x2f7: {  	v50 =	vperm.xlane v25, v14;
	s13 =	sld [smem:$0x669];
	v26 =	vadd.s32 v2, v49  }
0x2f8: {  	[tilespmem:s12], [sflag:$0x1] =	stream.indirect_vreg.gather [hbm4b:s3+s2], $0x80, v27, vm0, $0xb8;
	[tilespmem:$0x10480] =	vst v63  }
0x2f9: {  	v51 =	vperm.xlane v25, v16;
	s12 =	sld [smem:$0x66A];
	v27 =	vadd.s32 v2, v50  }
0x2fa: {  	[tilespmem:s13], [sflag:$0x1] =	stream.indirect_vreg.gather [hbm4b:s3+s2], $0x80, v48, vm0, $0xb8;
	[tilespmem:$0x10480] =	vst v63  }
0x2fb: {  	v25 =	vperm.xlane v25, v17;
	v52 =	vadd.s32 v2, v51;
	s13 =	sld [smem:$0x66B]  }
0x2fc: {  	[tilespmem:s12], [sflag:$0x1] =	stream.indirect_vreg.gather [hbm4b:s3+s2], $0x80, v26, vm0, $0xb8;
	[tilespmem:$0x10480] =	vst v63  }
0x2fd: {  	v25 =	vadd.s32 v2, v25;
	s12 =	sld [smem:$0x66C]  }
0x2fe: {  	[tilespmem:s13], [sflag:$0x1] =	stream.indirect_vreg.gather [hbm4b:s3+s2], $0x80, v27, vm0, $0xb8;
	[tilespmem:$0x10480] =	vst v63  }
0x2ff: {  	s13 =	sld [smem:$0x66D]  }
0x300: {  	[tilespmem:s12], [sflag:$0x1] =	stream.indirect_vreg.gather [hbm4b:s3+s2], $0x80, v52, vm0, $0xb8;
	[tilespmem:$0x10480] =	vst v63  }
0x301: {  	_ = 	snop  }
0x302: {  	[tilespmem:s13], [sflag:$0x1] =	stream.indirect_vreg.gather [hbm4b:s3+s2], $0x80, v25, vm0, $0xb8;
	[tilespmem:$0x10480] =	vst v63  }
0x303: {  	v25 =	vld [tilespmem:$0x60];
	_ =	sdelay $0x4  }
0x304: {  	v26 =	vshll.u32 v25, $0x7  }
0x305: {  	v25 =	vand.u32 $0x7, v25;
	v26 =	vand.u32 $0xFFFFFC00, v26  }
0x306: {  	v25 =	vor.u32 v25, v26  }
0x307: {  	v26 =	vperm.xlane v25, v1;
	_ =	sdelay $0x1  }
0x308: {  	v27 =	vperm.xlane v25, v3;
	v26 =	vadd.s32 v2, v26;
	_ =	sdelay $0x1  }
0x309: {  	s12 =	sld [smem:$0x66E];
	v53 =	vperm.xlane v25, v15;
	v27 =	vadd.s32 v2, v27;
	_ =	sdelay $0x1  }
0x30a: {  	s13 =	sld [smem:$0x66F];
	v54 =	vperm.xlane v25, v4;
	v28 =	vadd.s32 v2, v53  }
0x30b: {  	[tilespmem:s12], [sflag:$0x1] =	stream.indirect_vreg.gather [hbm4b:s3+s2], $0x80, v26, vm0, $0xb8;
	[tilespmem:$0x10480] =	vst v63  }
0x30c: {  	v55 =	vperm.xlane v25, v5;
	s12 =	sld [smem:$0x670];
	v26 =	vadd.s32 v2, v54  }
0x30d: {  	[tilespmem:s13], [sflag:$0x1] =	stream.indirect_vreg.gather [hbm4b:s3+s2], $0x80, v27, vm0, $0xb8;
	[tilespmem:$0x10480] =	vst v63  }
0x30e: {  	v56 =	vperm.xlane v25, v6;
	s13 =	sld [smem:$0x671];
	v27 =	vadd.s32 v2, v55  }
0x30f: {  	[tilespmem:s12], [sflag:$0x1] =	stream.indirect_vreg.gather [hbm4b:s3+s2], $0x80, v28, vm0, $0xb8;
	[tilespmem:$0x10480] =	vst v63  }
0x310: {  	v58 =	vperm.xlane v25, v7;
	v57 =	vadd.s32 v2, v56;
	s12 =	sld [smem:$0x672]  }
0x311: {  	[tilespmem:s13], [sflag:$0x1] =	stream.indirect_vreg.gather [hbm4b:s3+s2], $0x80, v26, vm0, $0xb8;
	[tilespmem:$0x10480] =	vst v63  }
0x312: {  	v59 =	vperm.xlane v25, v0;
	s13 =	sld [smem:$0x673];
	v26 =	vadd.s32 v2, v58  }
0x313: {  	[tilespmem:s12], [sflag:$0x1] =	stream.indirect_vreg.gather [hbm4b:s3+s2], $0x80, v27, vm0, $0xb8;
	[tilespmem:$0x10480] =	vst v63  }
0x314: {  	v60 =	vperm.xlane v25, v8;
	s12 =	sld [smem:$0x674];
	v27 =	vadd.s32 v2, v59  }
0x315: {  	[tilespmem:s13], [sflag:$0x1] =	stream.indirect_vreg.gather [hbm4b:s3+s2], $0x80, v57, vm0, $0xb8;
	[tilespmem:$0x10480] =	vst v63  }
0x316: {  	v62 =	vperm.xlane v25, v9;
	v61 =	vadd.s32 v2, v60;
	s13 =	sld [smem:$0x675]  }
0x317: {  	[tilespmem:s12], [sflag:$0x1] =	stream.indirect_vreg.gather [hbm4b:s3+s2], $0x80, v26, vm0, $0xb8;
	[tilespmem:$0x10480] =	vst v63  }
0x318: {  	v63 =	vperm.xlane v25, v10;
	s12 =	sld [smem:$0x676];
	v26 =	vadd.s32 v2, v62  }
0x319: {  	[tilespmem:s13], [sflag:$0x1] =	stream.indirect_vreg.gather [hbm4b:s3+s2], $0x80, v27, vm0, $0xb8;
	[tilespmem:$0x10480] =	vst v63  }
0x31a: {  	v32 =	vperm.xlane v25, v11;
	s13 =	sld [smem:$0x677];
	v27 =	vadd.s32 v2, v63  }
0x31b: {  	[tilespmem:s12], [sflag:$0x1] =	stream.indirect_vreg.gather [hbm4b:s3+s2], $0x80, v61, vm0, $0xb8;
	[tilespmem:$0x10480] =	vst v63  }
0x31c: {  	v34 =	vperm.xlane v25, v13;
	v33 =	vadd.s32 v2, v32;
	s12 =	sld [smem:$0x678]  }
0x31d: {  	[tilespmem:s13], [sflag:$0x1] =	stream.indirect_vreg.gather [hbm4b:s3+s2], $0x80, v26, vm0, $0xb8;
	[tilespmem:$0x10480] =	vst v63  }
0x31e: {  	v35 =	vperm.xlane v25, v14;
	s13 =	sld [smem:$0x679];
	v26 =	vadd.s32 v2, v34  }
0x31f: {  	[tilespmem:s12], [sflag:$0x1] =	stream.indirect_vreg.gather [hbm4b:s3+s2], $0x80, v27, vm0, $0xb8;
	[tilespmem:$0x10480] =	vst v63  }
0x320: {  	v36 =	vperm.xlane v25, v16;
	s12 =	sld [smem:$0x67A];
	v27 =	vadd.s32 v2, v35  }
0x321: {  	[tilespmem:s13], [sflag:$0x1] =	stream.indirect_vreg.gather [hbm4b:s3+s2], $0x80, v33, vm0, $0xb8;
	[tilespmem:$0x10480] =	vst v63  }
0x322: {  	v25 =	vperm.xlane v25, v17;
	v37 =	vadd.s32 v2, v36;
	s13 =	sld [smem:$0x67B]  }
0x323: {  	[tilespmem:s12], [sflag:$0x1] =	stream.indirect_vreg.gather [hbm4b:s3+s2], $0x80, v26, vm0, $0xb8;
	[tilespmem:$0x10480] =	vst v63  }
0x324: {  	v25 =	vadd.s32 v2, v25;
	s12 =	sld [smem:$0x67C]  }
0x325: {  	[tilespmem:s13], [sflag:$0x1] =	stream.indirect_vreg.gather [hbm4b:s3+s2], $0x80, v27, vm0, $0xb8;
	[tilespmem:$0x10480] =	vst v63  }
0x326: {  	s13 =	sld [smem:$0x67D]  }
0x327: {  	[tilespmem:s12], [sflag:$0x1] =	stream.indirect_vreg.gather [hbm4b:s3+s2], $0x80, v37, vm0, $0xb8;
	[tilespmem:$0x10480] =	vst v63  }
0x328: {  	_ = 	snop  }
0x329: {  	[tilespmem:s13], [sflag:$0x1] =	stream.indirect_vreg.gather [hbm4b:s3+s2], $0x80, v25, vm0, $0xb8;
	[tilespmem:$0x10480] =	vst v63  }
0x32a: {  	v25 =	vld [tilespmem:$0x70];
	_ =	sdelay $0x4  }
0x32b: {  	v26 =	vshll.u32 v25, $0x7  }
0x32c: {  	v25 =	vand.u32 $0x7, v25;
	v26 =	vand.u32 $0xFFFFFC00, v26  }
0x32d: {  	v25 =	vor.u32 v25, v26  }
0x32e: {  	v26 =	vperm.xlane v25, v1;
	_ =	sdelay $0x1  }
0x32f: {  	v27 =	vperm.xlane v25, v3;
	v26 =	vadd.s32 v2, v26;
	_ =	sdelay $0x1  }
0x330: {  	s12 =	sld [smem:$0x67E];
	v38 =	vperm.xlane v25, v15;
	v27 =	vadd.s32 v2, v27;
	_ =	sdelay $0x1  }
0x331: {  	s13 =	sld [smem:$0x67F];
	v39 =	vperm.xlane v25, v4;
	v28 =	vadd.s32 v2, v38  }
0x332: {  	[tilespmem:s12], [sflag:$0x1] =	stream.indirect_vreg.gather [hbm4b:s3+s2], $0x80, v26, vm0, $0xb8;
	[tilespmem:$0x10480] =	vst v63  }
0x333: {  	v40 =	vperm.xlane v25, v5;
	s12 =	sld [smem:$0x680];
	v26 =	vadd.s32 v2, v39  }
0x334: {  	[tilespmem:s13], [sflag:$0x1] =	stream.indirect_vreg.gather [hbm4b:s3+s2], $0x80, v27, vm0, $0xb8;
	[tilespmem:$0x10480] =	vst v63  }
0x335: {  	v41 =	vperm.xlane v25, v6;
	s13 =	sld [smem:$0x681];
	v27 =	vadd.s32 v2, v40  }
0x336: {  	[tilespmem:s12], [sflag:$0x1] =	stream.indirect_vreg.gather [hbm4b:s3+s2], $0x80, v28, vm0, $0xb8;
	[tilespmem:$0x10480] =	vst v63  }
0x337: {  	v43 =	vperm.xlane v25, v7;
	v42 =	vadd.s32 v2, v41;
	s12 =	sld [smem:$0x682]  }
0x338: {  	[tilespmem:s13], [sflag:$0x1] =	stream.indirect_vreg.gather [hbm4b:s3+s2], $0x80, v26, vm0, $0xb8;
	[tilespmem:$0x10480] =	vst v63  }
0x339: {  	v44 =	vperm.xlane v25, v0;
	s13 =	sld [smem:$0x683];
	v26 =	vadd.s32 v2, v43  }
0x33a: {  	[tilespmem:s12], [sflag:$0x1] =	stream.indirect_vreg.gather [hbm4b:s3+s2], $0x80, v27, vm0, $0xb8;
	[tilespmem:$0x10480] =	vst v63  }
0x33b: {  	v45 =	vperm.xlane v25, v8;
	s12 =	sld [smem:$0x684];
	v27 =	vadd.s32 v2, v44  }
0x33c: {  	[tilespmem:s13], [sflag:$0x1] =	stream.indirect_vreg.gather [hbm4b:s3+s2], $0x80, v42, vm0, $0xb8;
	[tilespmem:$0x10480] =	vst v63  }
0x33d: {  	v47 =	vperm.xlane v25, v9;
	v46 =	vadd.s32 v2, v45;
	s13 =	sld [smem:$0x685]  }
0x33e: {  	[tilespmem:s12], [sflag:$0x1] =	stream.indirect_vreg.gather [hbm4b:s3+s2], $0x80, v26, vm0, $0xb8;
	[tilespmem:$0x10480] =	vst v63  }
0x33f: {  	v48 =	vperm.xlane v25, v10;
	s12 =	sld [smem:$0x686];
	v26 =	vadd.s32 v2, v47  }
0x340: {  	[tilespmem:s13], [sflag:$0x1] =	stream.indirect_vreg.gather [hbm4b:s3+s2], $0x80, v27, vm0, $0xb8;
	[tilespmem:$0x10480] =	vst v63  }
0x341: {  	v49 =	vperm.xlane v25, v11;
	s13 =	sld [smem:$0x687];
	v27 =	vadd.s32 v2, v48  }
0x342: {  	[tilespmem:s12], [sflag:$0x1] =	stream.indirect_vreg.gather [hbm4b:s3+s2], $0x80, v46, vm0, $0xb8;
	[tilespmem:$0x10480] =	vst v63  }
0x343: {  	v51 =	vperm.xlane v25, v13;
	v50 =	vadd.s32 v2, v49;
	s12 =	sld [smem:$0x688]  }
0x344: {  	[tilespmem:s13], [sflag:$0x1] =	stream.indirect_vreg.gather [hbm4b:s3+s2], $0x80, v26, vm0, $0xb8;
	[tilespmem:$0x10480] =	vst v63  }
0x345: {  	v52 =	vperm.xlane v25, v14;
	s13 =	sld [smem:$0x689];
	v26 =	vadd.s32 v2, v51  }
0x346: {  	[tilespmem:s12], [sflag:$0x1] =	stream.indirect_vreg.gather [hbm4b:s3+s2], $0x80, v27, vm0, $0xb8;
	[tilespmem:$0x10480] =	vst v63  }
0x347: {  	v53 =	vperm.xlane v25, v16;
	s12 =	sld [smem:$0x68A];
	v27 =	vadd.s32 v2, v52  }
0x348: {  	[tilespmem:s13], [sflag:$0x1] =	stream.indirect_vreg.gather [hbm4b:s3+s2], $0x80, v50, vm0, $0xb8;
	[tilespmem:$0x10480] =	vst v63  }
0x349: {  	v25 =	vperm.xlane v25, v17;
	v54 =	vadd.s32 v2, v53;
	s13 =	sld [smem:$0x68B]  }
0x34a: {  	[tilespmem:s12], [sflag:$0x1] =	stream.indirect_vreg.gather [hbm4b:s3+s2], $0x80, v26, vm0, $0xb8;
	[tilespmem:$0x10480] =	vst v63  }
0x34b: {  	v25 =	vadd.s32 v2, v25;
	s12 =	sld [smem:$0x68C]  }
0x34c: {  	[tilespmem:s13], [sflag:$0x1] =	stream.indirect_vreg.gather [hbm4b:s3+s2], $0x80, v27, vm0, $0xb8;
	[tilespmem:$0x10480] =	vst v63  }
0x34d: {  	s13 =	sld [smem:$0x68D]  }
0x34e: {  	[tilespmem:s12], [sflag:$0x1] =	stream.indirect_vreg.gather [hbm4b:s3+s2], $0x80, v54, vm0, $0xb8;
	[tilespmem:$0x10480] =	vst v63  }
0x34f: {  	_ = 	snop  }
0x350: {  	[tilespmem:s13], [sflag:$0x1] =	stream.indirect_vreg.gather [hbm4b:s3+s2], $0x80, v25, vm0, $0xb8;
	[tilespmem:$0x10480] =	vst v63  }
0x351: {  	_ =	swait.ge [sflag:s8], $0x80  }
0x352: {  	[sflag:s8] =	ssyncset.done $0x0  }
0x353: {  	[sflag:s8] =	ssyncadd.s32 $0xFFFFFF80  }
0x354: {  	v25 =	vld [tilespmem:$0x80];
	_ =	sdelay $0x4  }
0x355: {  	v26 =	vshll.u32 v25, $0x7  }
0x356: {  	v25 =	vand.u32 $0x7, v25;
	v26 =	vand.u32 $0xFFFFFC00, v26  }
0x357: {  	v25 =	vor.u32 v25, v26  }
0x358: {  	v26 =	vperm.xlane v25, v1;
	_ =	sdelay $0x1  }
0x359: {  	v27 =	vperm.xlane v25, v3;
	v26 =	vadd.s32 v2, v26;
	_ =	sdelay $0x1  }
0x35a: {  	v55 =	vperm.xlane v25, v15;
	v27 =	vadd.s32 v2, v27;
	_ =	sdelay $0x1  }
0x35b: {  	s10 =	sld [smem:$0x68E];
	v56 =	vperm.xlane v25, v4;
	v28 =	vadd.s32 v2, v55  }
0x35c: {  	[tilespmem:s9], [sflag:$0x2] =	stream.indirect_vreg.gather [hbm4b:s4+s2], $0x80, v26, vm0, $0xb8;
	[tilespmem:$0x10480] =	vst v63  }
0x35d: {  	s12 =	sld [smem:$0x68F];
	v57 =	vperm.xlane v25, v5;
	v26 =	vadd.s32 v2, v56  }
0x35e: {  	[tilespmem:s10], [sflag:$0x2] =	stream.indirect_vreg.gather [hbm4b:s4+s2], $0x80, v27, vm0, $0xb8;
	[tilespmem:$0x10480] =	vst v63  }
0x35f: {  	s13 =	sld [smem:$0x690];
	v58 =	vperm.xlane v25, v6;
	v27 =	vadd.s32 v2, v57  }
0x360: {  	[tilespmem:s12], [sflag:$0x2] =	stream.indirect_vreg.gather [hbm4b:s4+s2], $0x80, v28, vm0, $0xb8;
	[tilespmem:$0x10480] =	vst v63  }
0x361: {  	v60 =	vperm.xlane v25, v7;
	v59 =	vadd.s32 v2, v58;
	s12 =	sld [smem:$0x691]  }
0x362: {  	[tilespmem:s13], [sflag:$0x2] =	stream.indirect_vreg.gather [hbm4b:s4+s2], $0x80, v26, vm0, $0xb8;
	[tilespmem:$0x10480] =	vst v63  }
0x363: {  	v61 =	vperm.xlane v25, v0;
	s13 =	sld [smem:$0x692];
	v26 =	vadd.s32 v2, v60  }
0x364: {  	[tilespmem:s12], [sflag:$0x2] =	stream.indirect_vreg.gather [hbm4b:s4+s2], $0x80, v27, vm0, $0xb8;
	[tilespmem:$0x10480] =	vst v63  }
0x365: {  	v62 =	vperm.xlane v25, v8;
	s12 =	sld [smem:$0x693];
	v27 =	vadd.s32 v2, v61  }
0x366: {  	[tilespmem:s13], [sflag:$0x2] =	stream.indirect_vreg.gather [hbm4b:s4+s2], $0x80, v59, vm0, $0xb8;
	[tilespmem:$0x10480] =	vst v63  }
0x367: {  	v32 =	vperm.xlane v25, v9;
	v63 =	vadd.s32 v2, v62;
	s13 =	sld [smem:$0x694]  }
0x368: {  	[tilespmem:s12], [sflag:$0x2] =	stream.indirect_vreg.gather [hbm4b:s4+s2], $0x80, v26, vm0, $0xb8;
	[tilespmem:$0x10480] =	vst v63  }
0x369: {  	v33 =	vperm.xlane v25, v10;
	s12 =	sld [smem:$0x695];
	v26 =	vadd.s32 v2, v32  }
0x36a: {  	[tilespmem:s13], [sflag:$0x2] =	stream.indirect_vreg.gather [hbm4b:s4+s2], $0x80, v27, vm0, $0xb8;
	[tilespmem:$0x10480] =	vst v63  }
0x36b: {  	v34 =	vperm.xlane v25, v11;
	s13 =	sld [smem:$0x696];
	v27 =	vadd.s32 v2, v33  }
0x36c: {  	[tilespmem:s12], [sflag:$0x2] =	stream.indirect_vreg.gather [hbm4b:s4+s2], $0x80, v63, vm0, $0xb8;
	[tilespmem:$0x10480] =	vst v63  }
0x36d: {  	v36 =	vperm.xlane v25, v13;
	v35 =	vadd.s32 v2, v34;
	s12 =	sld [smem:$0x697]  }
0x36e: {  	[tilespmem:s13], [sflag:$0x2] =	stream.indirect_vreg.gather [hbm4b:s4+s2], $0x80, v26, vm0, $0xb8;
	[tilespmem:$0x10480] =	vst v63  }
0x36f: {  	v37 =	vperm.xlane v25, v14;
	s13 =	sld [smem:$0x698];
	v26 =	vadd.s32 v2, v36  }
0x370: {  	[tilespmem:s12], [sflag:$0x2] =	stream.indirect_vreg.gather [hbm4b:s4+s2], $0x80, v27, vm0, $0xb8;
	[tilespmem:$0x10480] =	vst v63  }
0x371: {  	v38 =	vperm.xlane v25, v16;
	s12 =	sld [smem:$0x699];
	v27 =	vadd.s32 v2, v37  }
0x372: {  	[tilespmem:s13], [sflag:$0x2] =	stream.indirect_vreg.gather [hbm4b:s4+s2], $0x80, v35, vm0, $0xb8;
	[tilespmem:$0x10480] =	vst v63  }
0x373: {  	v25 =	vperm.xlane v25, v17;
	v39 =	vadd.s32 v2, v38;
	s13 =	sld [smem:$0x69A]  }
0x374: {  	[tilespmem:s12], [sflag:$0x2] =	stream.indirect_vreg.gather [hbm4b:s4+s2], $0x80, v26, vm0, $0xb8;
	[tilespmem:$0x10480] =	vst v63  }
0x375: {  	v25 =	vadd.s32 v2, v25;
	s12 =	sld [smem:$0x69B]  }
0x376: {  	[tilespmem:s13], [sflag:$0x2] =	stream.indirect_vreg.gather [hbm4b:s4+s2], $0x80, v27, vm0, $0xb8;
	[tilespmem:$0x10480] =	vst v63  }
0x377: {  	s13 =	sld [smem:$0x69C]  }
0x378: {  	[tilespmem:s12], [sflag:$0x2] =	stream.indirect_vreg.gather [hbm4b:s4+s2], $0x80, v39, vm0, $0xb8;
	[tilespmem:$0x10480] =	vst v63  }
0x379: {  	_ = 	snop  }
0x37a: {  	[tilespmem:s13], [sflag:$0x2] =	stream.indirect_vreg.gather [hbm4b:s4+s2], $0x80, v25, vm0, $0xb8;
	[tilespmem:$0x10480] =	vst v63  }
0x37b: {  	v25 =	vld [tilespmem:$0x90];
	_ =	sdelay $0x4  }
0x37c: {  	v26 =	vshll.u32 v25, $0x7  }
0x37d: {  	v25 =	vand.u32 $0x7, v25;
	v26 =	vand.u32 $0xFFFFFC00, v26  }
0x37e: {  	v25 =	vor.u32 v25, v26  }
0x37f: {  	v26 =	vperm.xlane v25, v1;
	_ =	sdelay $0x1  }
0x380: {  	v27 =	vperm.xlane v25, v3;
	v26 =	vadd.s32 v2, v26;
	_ =	sdelay $0x1  }
0x381: {  	s12 =	sld [smem:$0x69D];
	v40 =	vperm.xlane v25, v15;
	v27 =	vadd.s32 v2, v27;
	_ =	sdelay $0x1  }
0x382: {  	s13 =	sld [smem:$0x69E];
	v41 =	vperm.xlane v25, v4;
	v28 =	vadd.s32 v2, v40  }
0x383: {  	[tilespmem:s12], [sflag:$0x2] =	stream.indirect_vreg.gather [hbm4b:s4+s2], $0x80, v26, vm0, $0xb8;
	[tilespmem:$0x10480] =	vst v63  }
0x384: {  	v42 =	vperm.xlane v25, v5;
	s12 =	sld [smem:$0x69F];
	v26 =	vadd.s32 v2, v41  }
0x385: {  	[tilespmem:s13], [sflag:$0x2] =	stream.indirect_vreg.gather [hbm4b:s4+s2], $0x80, v27, vm0, $0xb8;
	[tilespmem:$0x10480] =	vst v63  }
0x386: {  	v43 =	vperm.xlane v25, v6;
	s13 =	sld [smem:$0x6A0];
	v27 =	vadd.s32 v2, v42  }
0x387: {  	[tilespmem:s12], [sflag:$0x2] =	stream.indirect_vreg.gather [hbm4b:s4+s2], $0x80, v28, vm0, $0xb8;
	[tilespmem:$0x10480] =	vst v63  }
0x388: {  	v45 =	vperm.xlane v25, v7;
	v44 =	vadd.s32 v2, v43;
	s12 =	sld [smem:$0x6A1]  }
0x389: {  	[tilespmem:s13], [sflag:$0x2] =	stream.indirect_vreg.gather [hbm4b:s4+s2], $0x80, v26, vm0, $0xb8;
	[tilespmem:$0x10480] =	vst v63  }
0x38a: {  	v46 =	vperm.xlane v25, v0;
	s13 =	sld [smem:$0x6A2];
	v26 =	vadd.s32 v2, v45  }
0x38b: {  	[tilespmem:s12], [sflag:$0x2] =	stream.indirect_vreg.gather [hbm4b:s4+s2], $0x80, v27, vm0, $0xb8;
	[tilespmem:$0x10480] =	vst v63  }
0x38c: {  	v47 =	vperm.xlane v25, v8;
	s12 =	sld [smem:$0x6A3];
	v27 =	vadd.s32 v2, v46  }
0x38d: {  	[tilespmem:s13], [sflag:$0x2] =	stream.indirect_vreg.gather [hbm4b:s4+s2], $0x80, v44, vm0, $0xb8;
	[tilespmem:$0x10480] =	vst v63  }
0x38e: {  	v49 =	vperm.xlane v25, v9;
	v48 =	vadd.s32 v2, v47;
	s13 =	sld [smem:$0x6A4]  }
0x38f: {  	[tilespmem:s12], [sflag:$0x2] =	stream.indirect_vreg.gather [hbm4b:s4+s2], $0x80, v26, vm0, $0xb8;
	[tilespmem:$0x10480] =	vst v63  }
0x390: {  	v50 =	vperm.xlane v25, v10;
	s12 =	sld [smem:$0x6A5];
	v26 =	vadd.s32 v2, v49  }
0x391: {  	[tilespmem:s13], [sflag:$0x2] =	stream.indirect_vreg.gather [hbm4b:s4+s2], $0x80, v27, vm0, $0xb8;
	[tilespmem:$0x10480] =	vst v63  }
0x392: {  	v51 =	vperm.xlane v25, v11;
	s13 =	sld [smem:$0x6A6];
	v27 =	vadd.s32 v2, v50  }
0x393: {  	[tilespmem:s12], [sflag:$0x2] =	stream.indirect_vreg.gather [hbm4b:s4+s2], $0x80, v48, vm0, $0xb8;
	[tilespmem:$0x10480] =	vst v63  }
0x394: {  	v53 =	vperm.xlane v25, v13;
	v52 =	vadd.s32 v2, v51;
	s12 =	sld [smem:$0x6A7]  }
0x395: {  	[tilespmem:s13], [sflag:$0x2] =	stream.indirect_vreg.gather [hbm4b:s4+s2], $0x80, v26, vm0, $0xb8;
	[tilespmem:$0x10480] =	vst v63  }
0x396: {  	v54 =	vperm.xlane v25, v14;
	s13 =	sld [smem:$0x6A8];
	v26 =	vadd.s32 v2, v53  }
0x397: {  	[tilespmem:s12], [sflag:$0x2] =	stream.indirect_vreg.gather [hbm4b:s4+s2], $0x80, v27, vm0, $0xb8;
	[tilespmem:$0x10480] =	vst v63  }
0x398: {  	v55 =	vperm.xlane v25, v16;
	s12 =	sld [smem:$0x6A9];
	v27 =	vadd.s32 v2, v54  }
0x399: {  	[tilespmem:s13], [sflag:$0x2] =	stream.indirect_vreg.gather [hbm4b:s4+s2], $0x80, v52, vm0, $0xb8;
	[tilespmem:$0x10480] =	vst v63  }
0x39a: {  	v25 =	vperm.xlane v25, v17;
	v56 =	vadd.s32 v2, v55;
	s13 =	sld [smem:$0x6AA]  }
0x39b: {  	[tilespmem:s12], [sflag:$0x2] =	stream.indirect_vreg.gather [hbm4b:s4+s2], $0x80, v26, vm0, $0xb8;
	[tilespmem:$0x10480] =	vst v63  }
0x39c: {  	v25 =	vadd.s32 v2, v25;
	s12 =	sld [smem:$0x6AB]  }
0x39d: {  	[tilespmem:s13], [sflag:$0x2] =	stream.indirect_vreg.gather [hbm4b:s4+s2], $0x80, v27, vm0, $0xb8;
	[tilespmem:$0x10480] =	vst v63  }
0x39e: {  	s13 =	sld [smem:$0x6AC]  }
0x39f: {  	[tilespmem:s12], [sflag:$0x2] =	stream.indirect_vreg.gather [hbm4b:s4+s2], $0x80, v56, vm0, $0xb8;
	[tilespmem:$0x10480] =	vst v63  }
0x3a0: {  	_ = 	snop  }
0x3a1: {  	[tilespmem:s13], [sflag:$0x2] =	stream.indirect_vreg.gather [hbm4b:s4+s2], $0x80, v25, vm0, $0xb8;
	[tilespmem:$0x10480] =	vst v63  }
0x3a2: {  	v25 =	vld [tilespmem:$0xA0];
	_ =	sdelay $0x4  }
0x3a3: {  	v26 =	vshll.u32 v25, $0x7  }
0x3a4: {  	v25 =	vand.u32 $0x7, v25;
	v26 =	vand.u32 $0xFFFFFC00, v26  }
0x3a5: {  	v25 =	vor.u32 v25, v26  }
0x3a6: {  	v26 =	vperm.xlane v25, v1;
	_ =	sdelay $0x1  }
0x3a7: {  	v27 =	vperm.xlane v25, v3;
	v26 =	vadd.s32 v2, v26;
	_ =	sdelay $0x1  }
0x3a8: {  	s12 =	sld [smem:$0x6AD];
	v57 =	vperm.xlane v25, v15;
	v27 =	vadd.s32 v2, v27;
	_ =	sdelay $0x1  }
0x3a9: {  	s13 =	sld [smem:$0x6AE];
	v58 =	vperm.xlane v25, v4;
	v28 =	vadd.s32 v2, v57  }
0x3aa: {  	[tilespmem:s12], [sflag:$0x2] =	stream.indirect_vreg.gather [hbm4b:s4+s2], $0x80, v26, vm0, $0xb8;
	[tilespmem:$0x10480] =	vst v63  }
0x3ab: {  	v59 =	vperm.xlane v25, v5;
	s12 =	sld [smem:$0x6AF];
	v26 =	vadd.s32 v2, v58  }
0x3ac: {  	[tilespmem:s13], [sflag:$0x2] =	stream.indirect_vreg.gather [hbm4b:s4+s2], $0x80, v27, vm0, $0xb8;
	[tilespmem:$0x10480] =	vst v63  }
0x3ad: {  	v60 =	vperm.xlane v25, v6;
	s13 =	sld [smem:$0x6B0];
	v27 =	vadd.s32 v2, v59  }
0x3ae: {  	[tilespmem:s12], [sflag:$0x2] =	stream.indirect_vreg.gather [hbm4b:s4+s2], $0x80, v28, vm0, $0xb8;
	[tilespmem:$0x10480] =	vst v63  }
0x3af: {  	v62 =	vperm.xlane v25, v7;
	v61 =	vadd.s32 v2, v60;
	s12 =	sld [smem:$0x6B1]  }
0x3b0: {  	[tilespmem:s13], [sflag:$0x2] =	stream.indirect_vreg.gather [hbm4b:s4+s2], $0x80, v26, vm0, $0xb8;
	[tilespmem:$0x10480] =	vst v63  }
0x3b1: {  	v63 =	vperm.xlane v25, v0;
	s13 =	sld [smem:$0x6B2];
	v26 =	vadd.s32 v2, v62  }
0x3b2: {  	[tilespmem:s12], [sflag:$0x2] =	stream.indirect_vreg.gather [hbm4b:s4+s2], $0x80, v27, vm0, $0xb8;
	[tilespmem:$0x10480] =	vst v63  }
0x3b3: {  	v32 =	vperm.xlane v25, v8;
	s12 =	sld [smem:$0x6B3];
	v27 =	vadd.s32 v2, v63  }
0x3b4: {  	[tilespmem:s13], [sflag:$0x2] =	stream.indirect_vreg.gather [hbm4b:s4+s2], $0x80, v61, vm0, $0xb8;
	[tilespmem:$0x10480] =	vst v63  }
0x3b5: {  	v34 =	vperm.xlane v25, v9;
	v33 =	vadd.s32 v2, v32;
	s13 =	sld [smem:$0x6B4]  }
0x3b6: {  	[tilespmem:s12], [sflag:$0x2] =	stream.indirect_vreg.gather [hbm4b:s4+s2], $0x80, v26, vm0, $0xb8;
	[tilespmem:$0x10480] =	vst v63  }
0x3b7: {  	v35 =	vperm.xlane v25, v10;
	s12 =	sld [smem:$0x6B5];
	v26 =	vadd.s32 v2, v34  }
0x3b8: {  	[tilespmem:s13], [sflag:$0x2] =	stream.indirect_vreg.gather [hbm4b:s4+s2], $0x80, v27, vm0, $0xb8;
	[tilespmem:$0x10480] =	vst v63  }
0x3b9: {  	v36 =	vperm.xlane v25, v11;
	s13 =	sld [smem:$0x6B6];
	v27 =	vadd.s32 v2, v35  }
0x3ba: {  	[tilespmem:s12], [sflag:$0x2] =	stream.indirect_vreg.gather [hbm4b:s4+s2], $0x80, v33, vm0, $0xb8;
	[tilespmem:$0x10480] =	vst v63  }
0x3bb: {  	v38 =	vperm.xlane v25, v13;
	v37 =	vadd.s32 v2, v36;
	s12 =	sld [smem:$0x6B7]  }
0x3bc: {  	[tilespmem:s13], [sflag:$0x2] =	stream.indirect_vreg.gather [hbm4b:s4+s2], $0x80, v26, vm0, $0xb8;
	[tilespmem:$0x10480] =	vst v63  }
0x3bd: {  	v39 =	vperm.xlane v25, v14;
	s13 =	sld [smem:$0x6B8];
	v26 =	vadd.s32 v2, v38  }
0x3be: {  	[tilespmem:s12], [sflag:$0x2] =	stream.indirect_vreg.gather [hbm4b:s4+s2], $0x80, v27, vm0, $0xb8;
	[tilespmem:$0x10480] =	vst v63  }
0x3bf: {  	v40 =	vperm.xlane v25, v16;
	s12 =	sld [smem:$0x6B9];
	v27 =	vadd.s32 v2, v39  }
0x3c0: {  	[tilespmem:s13], [sflag:$0x2] =	stream.indirect_vreg.gather [hbm4b:s4+s2], $0x80, v37, vm0, $0xb8;
	[tilespmem:$0x10480] =	vst v63  }
0x3c1: {  	v25 =	vperm.xlane v25, v17;
	v41 =	vadd.s32 v2, v40;
	s13 =	sld [smem:$0x6BA]  }
0x3c2: {  	[tilespmem:s12], [sflag:$0x2] =	stream.indirect_vreg.gather [hbm4b:s4+s2], $0x80, v26, vm0, $0xb8;
	[tilespmem:$0x10480] =	vst v63  }
0x3c3: {  	v25 =	vadd.s32 v2, v25;
	s12 =	sld [smem:$0x6BB]  }
0x3c4: {  	[tilespmem:s13], [sflag:$0x2] =	stream.indirect_vreg.gather [hbm4b:s4+s2], $0x80, v27, vm0, $0xb8;
	[tilespmem:$0x10480] =	vst v63  }
0x3c5: {  	s13 =	sld [smem:$0x6BC]  }
0x3c6: {  	[tilespmem:s12], [sflag:$0x2] =	stream.indirect_vreg.gather [hbm4b:s4+s2], $0x80, v41, vm0, $0xb8;
	[tilespmem:$0x10480] =	vst v63  }
0x3c7: {  	_ = 	snop  }
0x3c8: {  	[tilespmem:s13], [sflag:$0x2] =	stream.indirect_vreg.gather [hbm4b:s4+s2], $0x80, v25, vm0, $0xb8;
	[tilespmem:$0x10480] =	vst v63  }
0x3c9: {  	v25 =	vld [tilespmem:$0xB0];
	_ =	sdelay $0x4  }
0x3ca: {  	v26 =	vshll.u32 v25, $0x7  }
0x3cb: {  	v25 =	vand.u32 $0x7, v25;
	v26 =	vand.u32 $0xFFFFFC00, v26  }
0x3cc: {  	v25 =	vor.u32 v25, v26  }
0x3cd: {  	v26 =	vperm.xlane v25, v1;
	_ =	sdelay $0x1  }
0x3ce: {  	v27 =	vperm.xlane v25, v3;
	v26 =	vadd.s32 v2, v26;
	_ =	sdelay $0x1  }
0x3cf: {  	s12 =	sld [smem:$0x6BD];
	v42 =	vperm.xlane v25, v15;
	v27 =	vadd.s32 v2, v27;
	_ =	sdelay $0x1  }
0x3d0: {  	s13 =	sld [smem:$0x6BE];
	v43 =	vperm.xlane v25, v4;
	v28 =	vadd.s32 v2, v42  }
0x3d1: {  	[tilespmem:s12], [sflag:$0x2] =	stream.indirect_vreg.gather [hbm4b:s4+s2], $0x80, v26, vm0, $0xb8;
	[tilespmem:$0x10480] =	vst v63  }
0x3d2: {  	v44 =	vperm.xlane v25, v5;
	s12 =	sld [smem:$0x6BF];
	v26 =	vadd.s32 v2, v43  }
0x3d3: {  	[tilespmem:s13], [sflag:$0x2] =	stream.indirect_vreg.gather [hbm4b:s4+s2], $0x80, v27, vm0, $0xb8;
	[tilespmem:$0x10480] =	vst v63  }
0x3d4: {  	v45 =	vperm.xlane v25, v6;
	s13 =	sld [smem:$0x6C0];
	v27 =	vadd.s32 v2, v44  }
0x3d5: {  	[tilespmem:s12], [sflag:$0x2] =	stream.indirect_vreg.gather [hbm4b:s4+s2], $0x80, v28, vm0, $0xb8;
	[tilespmem:$0x10480] =	vst v63  }
0x3d6: {  	v47 =	vperm.xlane v25, v7;
	v46 =	vadd.s32 v2, v45;
	s12 =	sld [smem:$0x6C1]  }
0x3d7: {  	[tilespmem:s13], [sflag:$0x2] =	stream.indirect_vreg.gather [hbm4b:s4+s2], $0x80, v26, vm0, $0xb8;
	[tilespmem:$0x10480] =	vst v63  }
0x3d8: {  	v48 =	vperm.xlane v25, v0;
	s13 =	sld [smem:$0x6C2];
	v26 =	vadd.s32 v2, v47  }
0x3d9: {  	[tilespmem:s12], [sflag:$0x2] =	stream.indirect_vreg.gather [hbm4b:s4+s2], $0x80, v27, vm0, $0xb8;
	[tilespmem:$0x10480] =	vst v63  }
0x3da: {  	v49 =	vperm.xlane v25, v8;
	s12 =	sld [smem:$0x6C3];
	v27 =	vadd.s32 v2, v48  }
0x3db: {  	[tilespmem:s13], [sflag:$0x2] =	stream.indirect_vreg.gather [hbm4b:s4+s2], $0x80, v46, vm0, $0xb8;
	[tilespmem:$0x10480] =	vst v63  }
0x3dc: {  	v51 =	vperm.xlane v25, v9;
	v50 =	vadd.s32 v2, v49;
	s13 =	sld [smem:$0x6C4]  }
0x3dd: {  	[tilespmem:s12], [sflag:$0x2] =	stream.indirect_vreg.gather [hbm4b:s4+s2], $0x80, v26, vm0, $0xb8;
	[tilespmem:$0x10480] =	vst v63  }
0x3de: {  	v52 =	vperm.xlane v25, v10;
	s12 =	sld [smem:$0x6C5];
	v26 =	vadd.s32 v2, v51  }
0x3df: {  	[tilespmem:s13], [sflag:$0x2] =	stream.indirect_vreg.gather [hbm4b:s4+s2], $0x80, v27, vm0, $0xb8;
	[tilespmem:$0x10480] =	vst v63  }
0x3e0: {  	v53 =	vperm.xlane v25, v11;
	s13 =	sld [smem:$0x6C6];
	v27 =	vadd.s32 v2, v52  }
0x3e1: {  	[tilespmem:s12], [sflag:$0x2] =	stream.indirect_vreg.gather [hbm4b:s4+s2], $0x80, v50, vm0, $0xb8;
	[tilespmem:$0x10480] =	vst v63  }
0x3e2: {  	v55 =	vperm.xlane v25, v13;
	v54 =	vadd.s32 v2, v53;
	s12 =	sld [smem:$0x6C7]  }
0x3e3: {  	[tilespmem:s13], [sflag:$0x2] =	stream.indirect_vreg.gather [hbm4b:s4+s2], $0x80, v26, vm0, $0xb8;
	[tilespmem:$0x10480] =	vst v63  }
0x3e4: {  	v56 =	vperm.xlane v25, v14;
	s13 =	sld [smem:$0x6C8];
	v26 =	vadd.s32 v2, v55  }
0x3e5: {  	[tilespmem:s12], [sflag:$0x2] =	stream.indirect_vreg.gather [hbm4b:s4+s2], $0x80, v27, vm0, $0xb8;
	[tilespmem:$0x10480] =	vst v63  }
0x3e6: {  	v57 =	vperm.xlane v25, v16;
	s12 =	sld [smem:$0x6C9];
	v27 =	vadd.s32 v2, v56  }
0x3e7: {  	[tilespmem:s13], [sflag:$0x2] =	stream.indirect_vreg.gather [hbm4b:s4+s2], $0x80, v54, vm0, $0xb8;
	[tilespmem:$0x10480] =	vst v63  }
0x3e8: {  	v25 =	vperm.xlane v25, v17;
	v58 =	vadd.s32 v2, v57;
	s13 =	sld [smem:$0x6CA]  }
0x3e9: {  	[tilespmem:s12], [sflag:$0x2] =	stream.indirect_vreg.gather [hbm4b:s4+s2], $0x80, v26, vm0, $0xb8;
	[tilespmem:$0x10480] =	vst v63  }
0x3ea: {  	v25 =	vadd.s32 v2, v25;
	s12 =	sld [smem:$0x6CB]  }
0x3eb: {  	[tilespmem:s13], [sflag:$0x2] =	stream.indirect_vreg.gather [hbm4b:s4+s2], $0x80, v27, vm0, $0xb8;
	[tilespmem:$0x10480] =	vst v63  }
0x3ec: {  	s13 =	sld [smem:$0x6CC]  }
0x3ed: {  	[tilespmem:s12], [sflag:$0x2] =	stream.indirect_vreg.gather [hbm4b:s4+s2], $0x80, v58, vm0, $0xb8;
	[tilespmem:$0x10480] =	vst v63  }
0x3ee: {  	_ = 	snop  }
0x3ef: {  	[tilespmem:s13], [sflag:$0x2] =	stream.indirect_vreg.gather [hbm4b:s4+s2], $0x80, v25, vm0, $0xb8;
	[tilespmem:$0x10480] =	vst v63  }
0x3f0: {  	v25 =	vld [tilespmem:$0xC0];
	_ =	sdelay $0x4  }
0x3f1: {  	v26 =	vshll.u32 v25, $0x7  }
0x3f2: {  	v25 =	vand.u32 $0x7, v25;
	v26 =	vand.u32 $0xFFFFFC00, v26  }
0x3f3: {  	v25 =	vor.u32 v25, v26  }
0x3f4: {  	v26 =	vperm.xlane v25, v1;
	_ =	sdelay $0x1  }
0x3f5: {  	v27 =	vperm.xlane v25, v3;
	v26 =	vadd.s32 v2, v26;
	_ =	sdelay $0x1  }
0x3f6: {  	s12 =	sld [smem:$0x6CD];
	v59 =	vperm.xlane v25, v15;
	v27 =	vadd.s32 v2, v27;
	_ =	sdelay $0x1  }
0x3f7: {  	s13 =	sld [smem:$0x6CE];
	v60 =	vperm.xlane v25, v4;
	v28 =	vadd.s32 v2, v59  }
0x3f8: {  	[tilespmem:s12], [sflag:$0x2] =	stream.indirect_vreg.gather [hbm4b:s4+s2], $0x80, v26, vm0, $0xb8;
	[tilespmem:$0x10480] =	vst v63  }
0x3f9: {  	v61 =	vperm.xlane v25, v5;
	s12 =	sld [smem:$0x6CF];
	v26 =	vadd.s32 v2, v60  }
0x3fa: {  	[tilespmem:s13], [sflag:$0x2] =	stream.indirect_vreg.gather [hbm4b:s4+s2], $0x80, v27, vm0, $0xb8;
	[tilespmem:$0x10480] =	vst v63  }
0x3fb: {  	v62 =	vperm.xlane v25, v6;
	s13 =	sld [smem:$0x6D0];
	v27 =	vadd.s32 v2, v61  }
0x3fc: {  	[tilespmem:s12], [sflag:$0x2] =	stream.indirect_vreg.gather [hbm4b:s4+s2], $0x80, v28, vm0, $0xb8;
	[tilespmem:$0x10480] =	vst v63  }
0x3fd: {  	v32 =	vperm.xlane v25, v7;
	v63 =	vadd.s32 v2, v62;
	s12 =	sld [smem:$0x6D1]  }
0x3fe: {  	[tilespmem:s13], [sflag:$0x2] =	stream.indirect_vreg.gather [hbm4b:s4+s2], $0x80, v26, vm0, $0xb8;
	[tilespmem:$0x10480] =	vst v63  }
0x3ff: {  	v33 =	vperm.xlane v25, v0;
	s13 =	sld [smem:$0x6D2];
	v26 =	vadd.s32 v2, v32  }
0x400: {  	[tilespmem:s12], [sflag:$0x2] =	stream.indirect_vreg.gather [hbm4b:s4+s2], $0x80, v27, vm0, $0xb8;
	[tilespmem:$0x10480] =	vst v63  }
0x401: {  	v34 =	vperm.xlane v25, v8;
	s12 =	sld [smem:$0x6D3];
	v27 =	vadd.s32 v2, v33  }
0x402: {  	[tilespmem:s13], [sflag:$0x2] =	stream.indirect_vreg.gather [hbm4b:s4+s2], $0x80, v63, vm0, $0xb8;
	[tilespmem:$0x10480] =	vst v63  }
0x403: {  	v36 =	vperm.xlane v25, v9;
	v35 =	vadd.s32 v2, v34;
	s13 =	sld [smem:$0x6D4]  }
0x404: {  	[tilespmem:s12], [sflag:$0x2] =	stream.indirect_vreg.gather [hbm4b:s4+s2], $0x80, v26, vm0, $0xb8;
	[tilespmem:$0x10480] =	vst v63  }
0x405: {  	v37 =	vperm.xlane v25, v10;
	s12 =	sld [smem:$0x6D5];
	v26 =	vadd.s32 v2, v36  }
0x406: {  	[tilespmem:s13], [sflag:$0x2] =	stream.indirect_vreg.gather [hbm4b:s4+s2], $0x80, v27, vm0, $0xb8;
	[tilespmem:$0x10480] =	vst v63  }
0x407: {  	v38 =	vperm.xlane v25, v11;
	s13 =	sld [smem:$0x6D6];
	v27 =	vadd.s32 v2, v37  }
0x408: {  	[tilespmem:s12], [sflag:$0x2] =	stream.indirect_vreg.gather [hbm4b:s4+s2], $0x80, v35, vm0, $0xb8;
	[tilespmem:$0x10480] =	vst v63  }
0x409: {  	v40 =	vperm.xlane v25, v13;
	v39 =	vadd.s32 v2, v38;
	s12 =	sld [smem:$0x6D7]  }
0x40a: {  	[tilespmem:s13], [sflag:$0x2] =	stream.indirect_vreg.gather [hbm4b:s4+s2], $0x80, v26, vm0, $0xb8;
	[tilespmem:$0x10480] =	vst v63  }
0x40b: {  	v41 =	vperm.xlane v25, v14;
	s13 =	sld [smem:$0x6D8];
	v26 =	vadd.s32 v2, v40  }
0x40c: {  	[tilespmem:s12], [sflag:$0x2] =	stream.indirect_vreg.gather [hbm4b:s4+s2], $0x80, v27, vm0, $0xb8;
	[tilespmem:$0x10480] =	vst v63  }
0x40d: {  	v42 =	vperm.xlane v25, v16;
	s12 =	sld [smem:$0x6D9];
	v27 =	vadd.s32 v2, v41  }
0x40e: {  	[tilespmem:s13], [sflag:$0x2] =	stream.indirect_vreg.gather [hbm4b:s4+s2], $0x80, v39, vm0, $0xb8;
	[tilespmem:$0x10480] =	vst v63  }
0x40f: {  	v25 =	vperm.xlane v25, v17;
	v43 =	vadd.s32 v2, v42;
	s13 =	sld [smem:$0x6DA]  }
0x410: {  	[tilespmem:s12], [sflag:$0x2] =	stream.indirect_vreg.gather [hbm4b:s4+s2], $0x80, v26, vm0, $0xb8;
	[tilespmem:$0x10480] =	vst v63  }
0x411: {  	v25 =	vadd.s32 v2, v25;
	s12 =	sld [smem:$0x6DB]  }
0x412: {  	[tilespmem:s13], [sflag:$0x2] =	stream.indirect_vreg.gather [hbm4b:s4+s2], $0x80, v27, vm0, $0xb8;
	[tilespmem:$0x10480] =	vst v63  }
0x413: {  	s13 =	sld [smem:$0x6DC]  }
0x414: {  	[tilespmem:s12], [sflag:$0x2] =	stream.indirect_vreg.gather [hbm4b:s4+s2], $0x80, v43, vm0, $0xb8;
	[tilespmem:$0x10480] =	vst v63  }
0x415: {  	_ = 	snop  }
0x416: {  	[tilespmem:s13], [sflag:$0x2] =	stream.indirect_vreg.gather [hbm4b:s4+s2], $0x80, v25, vm0, $0xb8;
	[tilespmem:$0x10480] =	vst v63  }
0x417: {  	v25 =	vld [tilespmem:$0xD0];
	_ =	sdelay $0x4  }
0x418: {  	v26 =	vshll.u32 v25, $0x7  }
0x419: {  	v25 =	vand.u32 $0x7, v25;
	v26 =	vand.u32 $0xFFFFFC00, v26  }
0x41a: {  	v25 =	vor.u32 v25, v26  }
0x41b: {  	v26 =	vperm.xlane v25, v1;
	_ =	sdelay $0x1  }
0x41c: {  	v27 =	vperm.xlane v25, v3;
	v26 =	vadd.s32 v2, v26;
	_ =	sdelay $0x1  }
0x41d: {  	s12 =	sld [smem:$0x6DD];
	v44 =	vperm.xlane v25, v15;
	v27 =	vadd.s32 v2, v27;
	_ =	sdelay $0x1  }
0x41e: {  	s13 =	sld [smem:$0x6DE];
	v45 =	vperm.xlane v25, v4;
	v28 =	vadd.s32 v2, v44  }
0x41f: {  	[tilespmem:s12], [sflag:$0x2] =	stream.indirect_vreg.gather [hbm4b:s4+s2], $0x80, v26, vm0, $0xb8;
	[tilespmem:$0x10480] =	vst v63  }
0x420: {  	v46 =	vperm.xlane v25, v5;
	s12 =	sld [smem:$0x6DF];
	v26 =	vadd.s32 v2, v45  }
0x421: {  	[tilespmem:s13], [sflag:$0x2] =	stream.indirect_vreg.gather [hbm4b:s4+s2], $0x80, v27, vm0, $0xb8;
	[tilespmem:$0x10480] =	vst v63  }
0x422: {  	v47 =	vperm.xlane v25, v6;
	s13 =	sld [smem:$0x6E0];
	v27 =	vadd.s32 v2, v46  }
0x423: {  	[tilespmem:s12], [sflag:$0x2] =	stream.indirect_vreg.gather [hbm4b:s4+s2], $0x80, v28, vm0, $0xb8;
	[tilespmem:$0x10480] =	vst v63  }
0x424: {  	v49 =	vperm.xlane v25, v7;
	v48 =	vadd.s32 v2, v47;
	s12 =	sld [smem:$0x6E1]  }
0x425: {  	[tilespmem:s13], [sflag:$0x2] =	stream.indirect_vreg.gather [hbm4b:s4+s2], $0x80, v26, vm0, $0xb8;
	[tilespmem:$0x10480] =	vst v63  }
0x426: {  	v50 =	vperm.xlane v25, v0;
	s13 =	sld [smem:$0x6E2];
	v26 =	vadd.s32 v2, v49  }
0x427: {  	[tilespmem:s12], [sflag:$0x2] =	stream.indirect_vreg.gather [hbm4b:s4+s2], $0x80, v27, vm0, $0xb8;
	[tilespmem:$0x10480] =	vst v63  }
0x428: {  	v51 =	vperm.xlane v25, v8;
	s12 =	sld [smem:$0x6E3];
	v27 =	vadd.s32 v2, v50  }
0x429: {  	[tilespmem:s13], [sflag:$0x2] =	stream.indirect_vreg.gather [hbm4b:s4+s2], $0x80, v48, vm0, $0xb8;
	[tilespmem:$0x10480] =	vst v63  }
0x42a: {  	v53 =	vperm.xlane v25, v9;
	v52 =	vadd.s32 v2, v51;
	s13 =	sld [smem:$0x6E4]  }
0x42b: {  	[tilespmem:s12], [sflag:$0x2] =	stream.indirect_vreg.gather [hbm4b:s4+s2], $0x80, v26, vm0, $0xb8;
	[tilespmem:$0x10480] =	vst v63  }
0x42c: {  	v54 =	vperm.xlane v25, v10;
	s12 =	sld [smem:$0x6E5];
	v26 =	vadd.s32 v2, v53  }
0x42d: {  	[tilespmem:s13], [sflag:$0x2] =	stream.indirect_vreg.gather [hbm4b:s4+s2], $0x80, v27, vm0, $0xb8;
	[tilespmem:$0x10480] =	vst v63  }
0x42e: {  	v55 =	vperm.xlane v25, v11;
	s13 =	sld [smem:$0x6E6];
	v27 =	vadd.s32 v2, v54  }
0x42f: {  	[tilespmem:s12], [sflag:$0x2] =	stream.indirect_vreg.gather [hbm4b:s4+s2], $0x80, v52, vm0, $0xb8;
	[tilespmem:$0x10480] =	vst v63  }
0x430: {  	v57 =	vperm.xlane v25, v13;
	v56 =	vadd.s32 v2, v55;
	s12 =	sld [smem:$0x6E7]  }
0x431: {  	[tilespmem:s13], [sflag:$0x2] =	stream.indirect_vreg.gather [hbm4b:s4+s2], $0x80, v26, vm0, $0xb8;
	[tilespmem:$0x10480] =	vst v63  }
0x432: {  	v58 =	vperm.xlane v25, v14;
	s13 =	sld [smem:$0x6E8];
	v26 =	vadd.s32 v2, v57  }
0x433: {  	[tilespmem:s12], [sflag:$0x2] =	stream.indirect_vreg.gather [hbm4b:s4+s2], $0x80, v27, vm0, $0xb8;
	[tilespmem:$0x10480] =	vst v63  }
0x434: {  	v59 =	vperm.xlane v25, v16;
	s12 =	sld [smem:$0x6E9];
	v27 =	vadd.s32 v2, v58  }
0x435: {  	[tilespmem:s13], [sflag:$0x2] =	stream.indirect_vreg.gather [hbm4b:s4+s2], $0x80, v56, vm0, $0xb8;
	[tilespmem:$0x10480] =	vst v63  }
0x436: {  	v25 =	vperm.xlane v25, v17;
	v60 =	vadd.s32 v2, v59;
	s13 =	sld [smem:$0x6EA]  }
0x437: {  	[tilespmem:s12], [sflag:$0x2] =	stream.indirect_vreg.gather [hbm4b:s4+s2], $0x80, v26, vm0, $0xb8;
	[tilespmem:$0x10480] =	vst v63  }
0x438: {  	v25 =	vadd.s32 v2, v25;
	s12 =	sld [smem:$0x6EB]  }
0x439: {  	[tilespmem:s13], [sflag:$0x2] =	stream.indirect_vreg.gather [hbm4b:s4+s2], $0x80, v27, vm0, $0xb8;
	[tilespmem:$0x10480] =	vst v63  }
0x43a: {  	s13 =	sld [smem:$0x6EC]  }
0x43b: {  	[tilespmem:s12], [sflag:$0x2] =	stream.indirect_vreg.gather [hbm4b:s4+s2], $0x80, v60, vm0, $0xb8;
	[tilespmem:$0x10480] =	vst v63  }
0x43c: {  	_ = 	snop  }
0x43d: {  	[tilespmem:s13], [sflag:$0x2] =	stream.indirect_vreg.gather [hbm4b:s4+s2], $0x80, v25, vm0, $0xb8;
	[tilespmem:$0x10480] =	vst v63  }
0x43e: {  	v25 =	vld [tilespmem:$0xE0];
	_ =	sdelay $0x4  }
0x43f: {  	v26 =	vshll.u32 v25, $0x7  }
0x440: {  	v25 =	vand.u32 $0x7, v25;
	v26 =	vand.u32 $0xFFFFFC00, v26  }
0x441: {  	v25 =	vor.u32 v25, v26  }
0x442: {  	v26 =	vperm.xlane v25, v1;
	_ =	sdelay $0x1  }
0x443: {  	v27 =	vperm.xlane v25, v3;
	v26 =	vadd.s32 v2, v26;
	_ =	sdelay $0x1  }
0x444: {  	s12 =	sld [smem:$0x6ED];
	v61 =	vperm.xlane v25, v15;
	v27 =	vadd.s32 v2, v27;
	_ =	sdelay $0x1  }
0x445: {  	s13 =	sld [smem:$0x6EE];
	v62 =	vperm.xlane v25, v4;
	v28 =	vadd.s32 v2, v61  }
0x446: {  	[tilespmem:s12], [sflag:$0x2] =	stream.indirect_vreg.gather [hbm4b:s4+s2], $0x80, v26, vm0, $0xb8;
	[tilespmem:$0x10480] =	vst v63  }
0x447: {  	v63 =	vperm.xlane v25, v5;
	s12 =	sld [smem:$0x6EF];
	v26 =	vadd.s32 v2, v62  }
0x448: {  	[tilespmem:s13], [sflag:$0x2] =	stream.indirect_vreg.gather [hbm4b:s4+s2], $0x80, v27, vm0, $0xb8;
	[tilespmem:$0x10480] =	vst v63  }
0x449: {  	v32 =	vperm.xlane v25, v6;
	s13 =	sld [smem:$0x6F0];
	v27 =	vadd.s32 v2, v63  }
0x44a: {  	[tilespmem:s12], [sflag:$0x2] =	stream.indirect_vreg.gather [hbm4b:s4+s2], $0x80, v28, vm0, $0xb8;
	[tilespmem:$0x10480] =	vst v63  }
0x44b: {  	v34 =	vperm.xlane v25, v7;
	v33 =	vadd.s32 v2, v32;
	s12 =	sld [smem:$0x6F1]  }
0x44c: {  	[tilespmem:s13], [sflag:$0x2] =	stream.indirect_vreg.gather [hbm4b:s4+s2], $0x80, v26, vm0, $0xb8;
	[tilespmem:$0x10480] =	vst v63  }
0x44d: {  	v35 =	vperm.xlane v25, v0;
	s13 =	sld [smem:$0x6F2];
	v26 =	vadd.s32 v2, v34  }
0x44e: {  	[tilespmem:s12], [sflag:$0x2] =	stream.indirect_vreg.gather [hbm4b:s4+s2], $0x80, v27, vm0, $0xb8;
	[tilespmem:$0x10480] =	vst v63  }
0x44f: {  	v36 =	vperm.xlane v25, v8;
	s12 =	sld [smem:$0x6F3];
	v27 =	vadd.s32 v2, v35  }
0x450: {  	[tilespmem:s13], [sflag:$0x2] =	stream.indirect_vreg.gather [hbm4b:s4+s2], $0x80, v33, vm0, $0xb8;
	[tilespmem:$0x10480] =	vst v63  }
0x451: {  	v38 =	vperm.xlane v25, v9;
	v37 =	vadd.s32 v2, v36;
	s13 =	sld [smem:$0x6F4]  }
0x452: {  	[tilespmem:s12], [sflag:$0x2] =	stream.indirect_vreg.gather [hbm4b:s4+s2], $0x80, v26, vm0, $0xb8;
	[tilespmem:$0x10480] =	vst v63  }
0x453: {  	v39 =	vperm.xlane v25, v10;
	s12 =	sld [smem:$0x6F5];
	v26 =	vadd.s32 v2, v38  }
0x454: {  	[tilespmem:s13], [sflag:$0x2] =	stream.indirect_vreg.gather [hbm4b:s4+s2], $0x80, v27, vm0, $0xb8;
	[tilespmem:$0x10480] =	vst v63  }
0x455: {  	v40 =	vperm.xlane v25, v11;
	s13 =	sld [smem:$0x6F6];
	v27 =	vadd.s32 v2, v39  }
0x456: {  	[tilespmem:s12], [sflag:$0x2] =	stream.indirect_vreg.gather [hbm4b:s4+s2], $0x80, v37, vm0, $0xb8;
	[tilespmem:$0x10480] =	vst v63  }
0x457: {  	v42 =	vperm.xlane v25, v13;
	v41 =	vadd.s32 v2, v40;
	s12 =	sld [smem:$0x6F7]  }
0x458: {  	[tilespmem:s13], [sflag:$0x2] =	stream.indirect_vreg.gather [hbm4b:s4+s2], $0x80, v26, vm0, $0xb8;
	[tilespmem:$0x10480] =	vst v63  }
0x459: {  	v43 =	vperm.xlane v25, v14;
	s13 =	sld [smem:$0x6F8];
	v26 =	vadd.s32 v2, v42  }
0x45a: {  	[tilespmem:s12], [sflag:$0x2] =	stream.indirect_vreg.gather [hbm4b:s4+s2], $0x80, v27, vm0, $0xb8;
	[tilespmem:$0x10480] =	vst v63  }
0x45b: {  	v44 =	vperm.xlane v25, v16;
	s12 =	sld [smem:$0x6F9];
	v27 =	vadd.s32 v2, v43  }
0x45c: {  	[tilespmem:s13], [sflag:$0x2] =	stream.indirect_vreg.gather [hbm4b:s4+s2], $0x80, v41, vm0, $0xb8;
	[tilespmem:$0x10480] =	vst v63  }
0x45d: {  	v25 =	vperm.xlane v25, v17;
	v45 =	vadd.s32 v2, v44;
	s13 =	sld [smem:$0x6FA]  }
0x45e: {  	[tilespmem:s12], [sflag:$0x2] =	stream.indirect_vreg.gather [hbm4b:s4+s2], $0x80, v26, vm0, $0xb8;
	[tilespmem:$0x10480] =	vst v63  }
0x45f: {  	v25 =	vadd.s32 v2, v25;
	s12 =	sld [smem:$0x6FB]  }
0x460: {  	[tilespmem:s13], [sflag:$0x2] =	stream.indirect_vreg.gather [hbm4b:s4+s2], $0x80, v27, vm0, $0xb8;
	[tilespmem:$0x10480] =	vst v63  }
0x461: {  	s13 =	sld [smem:$0x6FC]  }
0x462: {  	[tilespmem:s12], [sflag:$0x2] =	stream.indirect_vreg.gather [hbm4b:s4+s2], $0x80, v45, vm0, $0xb8;
	[tilespmem:$0x10480] =	vst v63  }
0x463: {  	_ = 	snop  }
0x464: {  	[tilespmem:s13], [sflag:$0x2] =	stream.indirect_vreg.gather [hbm4b:s4+s2], $0x80, v25, vm0, $0xb8;
	[tilespmem:$0x10480] =	vst v63  }
0x465: {  	v25 =	vld [tilespmem:$0xF0];
	_ =	sdelay $0x4  }
0x466: {  	v26 =	vshll.u32 v25, $0x7  }
0x467: {  	v25 =	vand.u32 $0x7, v25;
	v26 =	vand.u32 $0xFFFFFC00, v26  }
0x468: {  	v25 =	vor.u32 v25, v26  }
0x469: {  	v26 =	vperm.xlane v25, v1;
	_ =	sdelay $0x1  }
0x46a: {  	v27 =	vperm.xlane v25, v3;
	v26 =	vadd.s32 v2, v26;
	_ =	sdelay $0x1  }
0x46b: {  	s12 =	sld [smem:$0x6FD];
	v46 =	vperm.xlane v25, v15;
	v27 =	vadd.s32 v2, v27;
	_ =	sdelay $0x1  }
0x46c: {  	s13 =	sld [smem:$0x6FE];
	v47 =	vperm.xlane v25, v4;
	v28 =	vadd.s32 v2, v46  }
0x46d: {  	[tilespmem:s12], [sflag:$0x2] =	stream.indirect_vreg.gather [hbm4b:s4+s2], $0x80, v26, vm0, $0xb8;
	[tilespmem:$0x10480] =	vst v63  }
0x46e: {  	v48 =	vperm.xlane v25, v5;
	s12 =	sld [smem:$0x6FF];
	v26 =	vadd.s32 v2, v47  }
0x46f: {  	[tilespmem:s13], [sflag:$0x2] =	stream.indirect_vreg.gather [hbm4b:s4+s2], $0x80, v27, vm0, $0xb8;
	[tilespmem:$0x10480] =	vst v63  }
0x470: {  	v49 =	vperm.xlane v25, v6;
	s13 =	sld [smem:$0x700];
	v27 =	vadd.s32 v2, v48  }
0x471: {  	[tilespmem:s12], [sflag:$0x2] =	stream.indirect_vreg.gather [hbm4b:s4+s2], $0x80, v28, vm0, $0xb8;
	[tilespmem:$0x10480] =	vst v63  }
0x472: {  	v51 =	vperm.xlane v25, v7;
	v50 =	vadd.s32 v2, v49;
	s12 =	sld [smem:$0x701]  }
0x473: {  	[tilespmem:s13], [sflag:$0x2] =	stream.indirect_vreg.gather [hbm4b:s4+s2], $0x80, v26, vm0, $0xb8;
	[tilespmem:$0x10480] =	vst v63  }
0x474: {  	v52 =	vperm.xlane v25, v0;
	s13 =	sld [smem:$0x702];
	v26 =	vadd.s32 v2, v51  }
0x475: {  	[tilespmem:s12], [sflag:$0x2] =	stream.indirect_vreg.gather [hbm4b:s4+s2], $0x80, v27, vm0, $0xb8;
	[tilespmem:$0x10480] =	vst v63  }
0x476: {  	v53 =	vperm.xlane v25, v8;
	s12 =	sld [smem:$0x703];
	v27 =	vadd.s32 v2, v52  }
0x477: {  	[tilespmem:s13], [sflag:$0x2] =	stream.indirect_vreg.gather [hbm4b:s4+s2], $0x80, v50, vm0, $0xb8;
	[tilespmem:$0x10480] =	vst v63  }
0x478: {  	v55 =	vperm.xlane v25, v9;
	v54 =	vadd.s32 v2, v53;
	s13 =	sld [smem:$0x704]  }
0x479: {  	[tilespmem:s12], [sflag:$0x2] =	stream.indirect_vreg.gather [hbm4b:s4+s2], $0x80, v26, vm0, $0xb8;
	[tilespmem:$0x10480] =	vst v63  }
0x47a: {  	v56 =	vperm.xlane v25, v10;
	s12 =	sld [smem:$0x705];
	v26 =	vadd.s32 v2, v55  }
0x47b: {  	[tilespmem:s13], [sflag:$0x2] =	stream.indirect_vreg.gather [hbm4b:s4+s2], $0x80, v27, vm0, $0xb8;
	[tilespmem:$0x10480] =	vst v63  }
0x47c: {  	v57 =	vperm.xlane v25, v11;
	s13 =	sld [smem:$0x706];
	v27 =	vadd.s32 v2, v56  }
0x47d: {  	[tilespmem:s12], [sflag:$0x2] =	stream.indirect_vreg.gather [hbm4b:s4+s2], $0x80, v54, vm0, $0xb8;
	[tilespmem:$0x10480] =	vst v63  }
0x47e: {  	v59 =	vperm.xlane v25, v13;
	v58 =	vadd.s32 v2, v57;
	s12 =	sld [smem:$0x707]  }
0x47f: {  	[tilespmem:s13], [sflag:$0x2] =	stream.indirect_vreg.gather [hbm4b:s4+s2], $0x80, v26, vm0, $0xb8;
	[tilespmem:$0x10480] =	vst v63  }
0x480: {  	v60 =	vperm.xlane v25, v14;
	s13 =	sld [smem:$0x708];
	v26 =	vadd.s32 v2, v59  }
0x481: {  	[tilespmem:s12], [sflag:$0x2] =	stream.indirect_vreg.gather [hbm4b:s4+s2], $0x80, v27, vm0, $0xb8;
	[tilespmem:$0x10480] =	vst v63  }
0x482: {  	v61 =	vperm.xlane v25, v16;
	s12 =	sld [smem:$0x709];
	v27 =	vadd.s32 v2, v60  }
0x483: {  	[tilespmem:s13], [sflag:$0x2] =	stream.indirect_vreg.gather [hbm4b:s4+s2], $0x80, v58, vm0, $0xb8;
	[tilespmem:$0x10480] =	vst v63  }
0x484: {  	v25 =	vperm.xlane v25, v17;
	v62 =	vadd.s32 v2, v61;
	s13 =	sld [smem:$0x70A]  }
0x485: {  	[tilespmem:s12], [sflag:$0x2] =	stream.indirect_vreg.gather [hbm4b:s4+s2], $0x80, v26, vm0, $0xb8;
	[tilespmem:$0x10480] =	vst v63  }
0x486: {  	v25 =	vadd.s32 v2, v25;
	s12 =	sld [smem:$0x70C]  }
0x487: {  	[tilespmem:s13], [sflag:$0x2] =	stream.indirect_vreg.gather [hbm4b:s4+s2], $0x80, v27, vm0, $0xb8;
	[tilespmem:$0x10480] =	vst v63  }
0x488: {  	s13 =	sld [smem:$0x70F]  }
0x489: {  	[tilespmem:s12], [sflag:$0x2] =	stream.indirect_vreg.gather [hbm4b:s4+s2], $0x80, v62, vm0, $0xb8;
	[tilespmem:$0x10480] =	vst v63  }
0x48a: {  	_ = 	snop  }
0x48b: {  	[tilespmem:s13], [sflag:$0x2] =	stream.indirect_vreg.gather [hbm4b:s4+s2], $0x80, v25, vm0, $0xb8;
	[tilespmem:$0x10480] =	vst v63  }
0x48c: {  	_ =	swait.ge [sflag:s11], $0x80  }
0x48d: {  	[sflag:s11] =	ssyncset.done $0x0  }
0x48e: {  	[sflag:s11] =	ssyncadd.s32 $0xFFFFFF80  }
0x48f: {  	v25 =	vld [tilespmem:$0x100];
	_ =	sdelay $0x4  }
0x490: {  	v26 =	vshll.u32 v25, $0x7  }
0x491: {  	v25 =	vand.u32 $0x7, v25;
	v26 =	vand.u32 $0xFFFFFC00, v26  }
0x492: {  	v25 =	vor.u32 v25, v26  }
0x493: {  	v26 =	vperm.xlane v25, v1;
	_ =	sdelay $0x1  }
0x494: {  	v27 =	vperm.xlane v25, v3;
	v26 =	vadd.s32 v2, v26;
	_ =	sdelay $0x1  }
0x495: {  	v63 =	vperm.xlane v25, v15;
	v27 =	vadd.s32 v2, v27;
	_ =	sdelay $0x1  }
0x496: {  	s10 =	sld [smem:$0x710];
	v32 =	vperm.xlane v25, v4;
	v28 =	vadd.s32 v2, v63  }
0x497: {  	[tilespmem:s23], [sflag:$0x3] =	stream.indirect_vreg.gather [hbm4b:s5+s2], $0x80, v26, vm0, $0xb8;
	[tilespmem:$0x10480] =	vst v63  }
0x498: {  	s12 =	sld [smem:$0x71C];
	v33 =	vperm.xlane v25, v5;
	v26 =	vadd.s32 v2, v32  }
0x499: {  	[tilespmem:s10], [sflag:$0x3] =	stream.indirect_vreg.gather [hbm4b:s5+s2], $0x80, v27, vm0, $0xb8;
	[tilespmem:$0x10480] =	vst v63  }
0x49a: {  	s13 =	sld [smem:$0x71D];
	v34 =	vperm.xlane v25, v6;
	v27 =	vadd.s32 v2, v33  }
0x49b: {  	[tilespmem:s12], [sflag:$0x3] =	stream.indirect_vreg.gather [hbm4b:s5+s2], $0x80, v28, vm0, $0xb8;
	[tilespmem:$0x10480] =	vst v63  }
0x49c: {  	v36 =	vperm.xlane v25, v7;
	v35 =	vadd.s32 v2, v34;
	s12 =	sld [smem:$0x71E]  }
0x49d: {  	[tilespmem:s13], [sflag:$0x3] =	stream.indirect_vreg.gather [hbm4b:s5+s2], $0x80, v26, vm0, $0xb8;
	[tilespmem:$0x10480] =	vst v63  }
0x49e: {  	v37 =	vperm.xlane v25, v0;
	s13 =	sld [smem:$0x71F];
	v26 =	vadd.s32 v2, v36  }
0x49f: {  	[tilespmem:s12], [sflag:$0x3] =	stream.indirect_vreg.gather [hbm4b:s5+s2], $0x80, v27, vm0, $0xb8;
	[tilespmem:$0x10480] =	vst v63  }
0x4a0: {  	v38 =	vperm.xlane v25, v8;
	s12 =	sld [smem:$0x720];
	v27 =	vadd.s32 v2, v37  }
0x4a1: {  	[tilespmem:s13], [sflag:$0x3] =	stream.indirect_vreg.gather [hbm4b:s5+s2], $0x80, v35, vm0, $0xb8;
	[tilespmem:$0x10480] =	vst v63  }
0x4a2: {  	v40 =	vperm.xlane v25, v9;
	v39 =	vadd.s32 v2, v38;
	s13 =	sld [smem:$0x721]  }
0x4a3: {  	[tilespmem:s12], [sflag:$0x3] =	stream.indirect_vreg.gather [hbm4b:s5+s2], $0x80, v26, vm0, $0xb8;
	[tilespmem:$0x10480] =	vst v63  }
0x4a4: {  	v41 =	vperm.xlane v25, v10;
	s12 =	sld [smem:$0x722];
	v26 =	vadd.s32 v2, v40  }
0x4a5: {  	[tilespmem:s13], [sflag:$0x3] =	stream.indirect_vreg.gather [hbm4b:s5+s2], $0x80, v27, vm0, $0xb8;
	[tilespmem:$0x10480] =	vst v63  }
0x4a6: {  	v42 =	vperm.xlane v25, v11;
	s13 =	sld [smem:$0x723];
	v27 =	vadd.s32 v2, v41  }
0x4a7: {  	[tilespmem:s12], [sflag:$0x3] =	stream.indirect_vreg.gather [hbm4b:s5+s2], $0x80, v39, vm0, $0xb8;
	[tilespmem:$0x10480] =	vst v63  }
0x4a8: {  	v44 =	vperm.xlane v25, v13;
	v43 =	vadd.s32 v2, v42;
	s12 =	sld [smem:$0x711]  }
0x4a9: {  	[tilespmem:s13], [sflag:$0x3] =	stream.indirect_vreg.gather [hbm4b:s5+s2], $0x80, v26, vm0, $0xb8;
	[tilespmem:$0x10480] =	vst v63  }
0x4aa: {  	v45 =	vperm.xlane v25, v14;
	s13 =	sld [smem:$0x70E];
	v26 =	vadd.s32 v2, v44  }
0x4ab: {  	[tilespmem:s12], [sflag:$0x3] =	stream.indirect_vreg.gather [hbm4b:s5+s2], $0x80, v27, vm0, $0xb8;
	[tilespmem:$0x10480] =	vst v63  }
0x4ac: {  	v46 =	vperm.xlane v25, v16;
	s12 =	sld [smem:$0x712];
	v27 =	vadd.s32 v2, v45  }
0x4ad: {  	[tilespmem:s13], [sflag:$0x3] =	stream.indirect_vreg.gather [hbm4b:s5+s2], $0x80, v43, vm0, $0xb8;
	[tilespmem:$0x10480] =	vst v63  }
0x4ae: {  	v25 =	vperm.xlane v25, v17;
	v47 =	vadd.s32 v2, v46;
	s13 =	sld [smem:$0x713]  }
0x4af: {  	[tilespmem:s12], [sflag:$0x3] =	stream.indirect_vreg.gather [hbm4b:s5+s2], $0x80, v26, vm0, $0xb8;
	[tilespmem:$0x10480] =	vst v63  }
0x4b0: {  	v25 =	vadd.s32 v2, v25;
	s12 =	sld [smem:$0x714]  }
0x4b1: {  	[tilespmem:s13], [sflag:$0x3] =	stream.indirect_vreg.gather [hbm4b:s5+s2], $0x80, v27, vm0, $0xb8;
	[tilespmem:$0x10480] =	vst v63  }
0x4b2: {  	s13 =	sld [smem:$0x715]  }
0x4b3: {  	[tilespmem:s12], [sflag:$0x3] =	stream.indirect_vreg.gather [hbm4b:s5+s2], $0x80, v47, vm0, $0xb8;
	[tilespmem:$0x10480] =	vst v63  }
0x4b4: {  	_ = 	snop  }
0x4b5: {  	[tilespmem:s13], [sflag:$0x3] =	stream.indirect_vreg.gather [hbm4b:s5+s2], $0x80, v25, vm0, $0xb8;
	[tilespmem:$0x10480] =	vst v63  }
0x4b6: {  	v25 =	vld [tilespmem:$0x110];
	_ =	sdelay $0x4  }
0x4b7: {  	v26 =	vshll.u32 v25, $0x7  }
0x4b8: {  	v25 =	vand.u32 $0x7, v25;
	v26 =	vand.u32 $0xFFFFFC00, v26  }
0x4b9: {  	v25 =	vor.u32 v25, v26  }
0x4ba: {  	v26 =	vperm.xlane v25, v1;
	_ =	sdelay $0x1  }
0x4bb: {  	v27 =	vperm.xlane v25, v3;
	v26 =	vadd.s32 v2, v26;
	_ =	sdelay $0x1  }
0x4bc: {  	s12 =	sld [smem:$0x716];
	v48 =	vperm.xlane v25, v15;
	v27 =	vadd.s32 v2, v27;
	_ =	sdelay $0x1  }
0x4bd: {  	s13 =	sld [smem:$0x717];
	v49 =	vperm.xlane v25, v4;
	v28 =	vadd.s32 v2, v48  }
0x4be: {  	[tilespmem:s12], [sflag:$0x3] =	stream.indirect_vreg.gather [hbm4b:s5+s2], $0x80, v26, vm0, $0xb8;
	[tilespmem:$0x10480] =	vst v63  }
0x4bf: {  	v50 =	vperm.xlane v25, v5;
	s12 =	sld [smem:$0x718];
	v26 =	vadd.s32 v2, v49  }
0x4c0: {  	[tilespmem:s13], [sflag:$0x3] =	stream.indirect_vreg.gather [hbm4b:s5+s2], $0x80, v27, vm0, $0xb8;
	[tilespmem:$0x10480] =	vst v63  }
0x4c1: {  	v51 =	vperm.xlane v25, v6;
	s13 =	sld [smem:$0x719];
	v27 =	vadd.s32 v2, v50  }
0x4c2: {  	[tilespmem:s12], [sflag:$0x3] =	stream.indirect_vreg.gather [hbm4b:s5+s2], $0x80, v28, vm0, $0xb8;
	[tilespmem:$0x10480] =	vst v63  }
0x4c3: {  	v53 =	vperm.xlane v25, v7;
	v52 =	vadd.s32 v2, v51;
	s12 =	sld [smem:$0x71A]  }
0x4c4: {  	[tilespmem:s13], [sflag:$0x3] =	stream.indirect_vreg.gather [hbm4b:s5+s2], $0x80, v26, vm0, $0xb8;
	[tilespmem:$0x10480] =	vst v63  }
0x4c5: {  	v54 =	vperm.xlane v25, v0;
	s13 =	sld [smem:$0x724];
	v26 =	vadd.s32 v2, v53  }
0x4c6: {  	[tilespmem:s12], [sflag:$0x3] =	stream.indirect_vreg.gather [hbm4b:s5+s2], $0x80, v27, vm0, $0xb8;
	[tilespmem:$0x10480] =	vst v63  }
0x4c7: {  	v55 =	vperm.xlane v25, v8;
	s12 =	sld [smem:$0x725];
	v27 =	vadd.s32 v2, v54  }
0x4c8: {  	[tilespmem:s13], [sflag:$0x3] =	stream.indirect_vreg.gather [hbm4b:s5+s2], $0x80, v52, vm0, $0xb8;
	[tilespmem:$0x10480] =	vst v63  }
0x4c9: {  	v57 =	vperm.xlane v25, v9;
	v56 =	vadd.s32 v2, v55;
	s13 =	sld [smem:$0x726]  }
0x4ca: {  	[tilespmem:s12], [sflag:$0x3] =	stream.indirect_vreg.gather [hbm4b:s5+s2], $0x80, v26, vm0, $0xb8;
	[tilespmem:$0x10480] =	vst v63  }
0x4cb: {  	v58 =	vperm.xlane v25, v10;
	s12 =	sld [smem:$0x727];
	v26 =	vadd.s32 v2, v57  }
0x4cc: {  	[tilespmem:s13], [sflag:$0x3] =	stream.indirect_vreg.gather [hbm4b:s5+s2], $0x80, v27, vm0, $0xb8;
	[tilespmem:$0x10480] =	vst v63  }
0x4cd: {  	v59 =	vperm.xlane v25, v11;
	s13 =	sld [smem:$0x728];
	v27 =	vadd.s32 v2, v58  }
0x4ce: {  	[tilespmem:s12], [sflag:$0x3] =	stream.indirect_vreg.gather [hbm4b:s5+s2], $0x80, v56, vm0, $0xb8;
	[tilespmem:$0x10480] =	vst v63  }
0x4cf: {  	v61 =	vperm.xlane v25, v13;
	v60 =	vadd.s32 v2, v59;
	s12 =	sld [smem:$0x70B]  }
0x4d0: {  	[tilespmem:s13], [sflag:$0x3] =	stream.indirect_vreg.gather [hbm4b:s5+s2], $0x80, v26, vm0, $0xb8;
	[tilespmem:$0x10480] =	vst v63  }
0x4d1: {  	v62 =	vperm.xlane v25, v14;
	s13 =	sld [smem:$0x729];
	v26 =	vadd.s32 v2, v61  }
0x4d2: {  	[tilespmem:s12], [sflag:$0x3] =	stream.indirect_vreg.gather [hbm4b:s5+s2], $0x80, v27, vm0, $0xb8;
	[tilespmem:$0x10480] =	vst v63  }
0x4d3: {  	v63 =	vperm.xlane v25, v16;
	s12 =	sld [smem:$0x72A];
	v27 =	vadd.s32 v2, v62  }
0x4d4: {  	[tilespmem:s13], [sflag:$0x3] =	stream.indirect_vreg.gather [hbm4b:s5+s2], $0x80, v60, vm0, $0xb8;
	[tilespmem:$0x10480] =	vst v63  }
0x4d5: {  	v25 =	vperm.xlane v25, v17;
	v32 =	vadd.s32 v2, v63;
	s13 =	sld [smem:$0x72B]  }
0x4d6: {  	[tilespmem:s12], [sflag:$0x3] =	stream.indirect_vreg.gather [hbm4b:s5+s2], $0x80, v26, vm0, $0xb8;
	[tilespmem:$0x10480] =	vst v63  }
0x4d7: {  	v25 =	vadd.s32 v2, v25;
	s12 =	sld [smem:$0x72C]  }
0x4d8: {  	[tilespmem:s13], [sflag:$0x3] =	stream.indirect_vreg.gather [hbm4b:s5+s2], $0x80, v27, vm0, $0xb8;
	[tilespmem:$0x10480] =	vst v63  }
0x4d9: {  	s13 =	sld [smem:$0x72D]  }
0x4da: {  	[tilespmem:s12], [sflag:$0x3] =	stream.indirect_vreg.gather [hbm4b:s5+s2], $0x80, v32, vm0, $0xb8;
	[tilespmem:$0x10480] =	vst v63  }
0x4db: {  	_ = 	snop  }
0x4dc: {  	[tilespmem:s13], [sflag:$0x3] =	stream.indirect_vreg.gather [hbm4b:s5+s2], $0x80, v25, vm0, $0xb8;
	[tilespmem:$0x10480] =	vst v63  }
0x4dd: {  	v25 =	vld [tilespmem:$0x120];
	_ =	sdelay $0x4  }
0x4de: {  	v26 =	vshll.u32 v25, $0x7  }
0x4df: {  	v25 =	vand.u32 $0x7, v25;
	v26 =	vand.u32 $0xFFFFFC00, v26  }
0x4e0: {  	v25 =	vor.u32 v25, v26  }
0x4e1: {  	v26 =	vperm.xlane v25, v1;
	_ =	sdelay $0x1  }
0x4e2: {  	v27 =	vperm.xlane v25, v3;
	v26 =	vadd.s32 v2, v26;
	_ =	sdelay $0x1  }
0x4e3: {  	s10 =	sld [smem:$0x72E];
	v33 =	vperm.xlane v25, v15;
	v27 =	vadd.s32 v2, v27;
	_ =	sdelay $0x1  }
0x4e4: {  	s12 =	sld [smem:$0x72F];
	v34 =	vperm.xlane v25, v4;
	v28 =	vadd.s32 v2, v33  }
0x4e5: {  	[tilespmem:s10], [sflag:$0x3] =	stream.indirect_vreg.gather [hbm4b:s5+s2], $0x80, v26, vm0, $0xb8;
	[tilespmem:$0x10480] =	vst v63  }
0x4e6: {  	s13 =	sld [smem:$0x730];
	v35 =	vperm.xlane v25, v5;
	v26 =	vadd.s32 v2, v34  }
0x4e7: {  	[tilespmem:s12], [sflag:$0x3] =	stream.indirect_vreg.gather [hbm4b:s5+s2], $0x80, v27, vm0, $0xb8;
	[tilespmem:$0x10480] =	vst v63  }
0x4e8: {  	v36 =	vperm.xlane v25, v6;
	s12 =	sld [smem:$0x731];
	v27 =	vadd.s32 v2, v35  }
0x4e9: {  	[tilespmem:s13], [sflag:$0x3] =	stream.indirect_vreg.gather [hbm4b:s5+s2], $0x80, v28, vm0, $0xb8;
	[tilespmem:$0x10480] =	vst v63  }
0x4ea: {  	v38 =	vperm.xlane v25, v7;
	v37 =	vadd.s32 v2, v36;
	s13 =	sld [smem:$0x732]  }
0x4eb: {  	[tilespmem:s12], [sflag:$0x3] =	stream.indirect_vreg.gather [hbm4b:s5+s2], $0x80, v26, vm0, $0xb8;
	[tilespmem:$0x10480] =	vst v63  }
0x4ec: {  	v39 =	vperm.xlane v25, v0;
	s12 =	sld [smem:$0x733];
	v26 =	vadd.s32 v2, v38  }
0x4ed: {  	[tilespmem:s13], [sflag:$0x3] =	stream.indirect_vreg.gather [hbm4b:s5+s2], $0x80, v27, vm0, $0xb8;
	[tilespmem:$0x10480] =	vst v63  }
0x4ee: {  	v40 =	vperm.xlane v25, v8;
	s13 =	sld [smem:$0x734];
	v27 =	vadd.s32 v2, v39  }
0x4ef: {  	[tilespmem:s12], [sflag:$0x3] =	stream.indirect_vreg.gather [hbm4b:s5+s2], $0x80, v37, vm0, $0xb8;
	[tilespmem:$0x10480] =	vst v63  }
0x4f0: {  	v42 =	vperm.xlane v25, v9;
	v41 =	vadd.s32 v2, v40;
	s12 =	sld [smem:$0x735]  }
0x4f1: {  	[tilespmem:s13], [sflag:$0x3] =	stream.indirect_vreg.gather [hbm4b:s5+s2], $0x80, v26, vm0, $0xb8;
	[tilespmem:$0x10480] =	vst v63  }
0x4f2: {  	v43 =	vperm.xlane v25, v10;
	s13 =	sld [smem:$0x736];
	v26 =	vadd.s32 v2, v42  }
0x4f3: {  	[tilespmem:s12], [sflag:$0x3] =	stream.indirect_vreg.gather [hbm4b:s5+s2], $0x80, v27, vm0, $0xb8;
	[tilespmem:$0x10480] =	vst v63  }
0x4f4: {  	v44 =	vperm.xlane v25, v11;
	s12 =	sld [smem:$0x737];
	v27 =	vadd.s32 v2, v43  }
0x4f5: {  	[tilespmem:s13], [sflag:$0x3] =	stream.indirect_vreg.gather [hbm4b:s5+s2], $0x80, v41, vm0, $0xb8;
	[tilespmem:$0x10480] =	vst v63  }
0x4f6: {  	v46 =	vperm.xlane v25, v13;
	v45 =	vadd.s32 v2, v44;
	s13 =	sld [smem:$0x738]  }
0x4f7: {  	[tilespmem:s12], [sflag:$0x3] =	stream.indirect_vreg.gather [hbm4b:s5+s2], $0x80, v26, vm0, $0xb8;
	[tilespmem:$0x10480] =	vst v63  }
0x4f8: {  	v47 =	vperm.xlane v25, v14;
	s12 =	sld [smem:$0x739];
	v26 =	vadd.s32 v2, v46  }
0x4f9: {  	[tilespmem:s13], [sflag:$0x3] =	stream.indirect_vreg.gather [hbm4b:s5+s2], $0x80, v27, vm0, $0xb8;
	[tilespmem:$0x10480] =	vst v63  }
0x4fa: {  	s13 =	sld [smem:$0x73A];
	v27 =	vadd.s32 v2, v47  }
0x4fb: {  	[tilespmem:s12], [sflag:$0x3] =	stream.indirect_vreg.gather [hbm4b:s5+s2], $0x80, v45, vm0, $0xb8;
	[tilespmem:$0x10480] =	vst v63  }
0x4fc: {  	v48 =	vperm.xlane v25, v16;
	s12 =	sld [smem:$0x73B]  }
0x4fd: {  	[tilespmem:s13], [sflag:$0x3] =	stream.indirect_vreg.gather [hbm4b:s5+s2], $0x80, v26, vm0, $0xb8;
	[tilespmem:$0x10480] =	vst v63  }
0x4fe: {  	v25 =	vperm.xlane v25, v17;
	v26 =	vadd.s32 v2, v48  }
0x4ff: {  	[tilespmem:s12], [sflag:$0x3] =	stream.indirect_vreg.gather [hbm4b:s5+s2], $0x80, v27, vm0, $0xb8;
	[tilespmem:$0x10480] =	vst v63  }
0x500: {  	v25 =	vadd.s32 v2, v25;
	s1 =	sld [smem:$0x73C];
	_ =	sdelay $0x1  }
0x501: {  	s13 =	sld [smem:$0x73D]  }
0x502: {  	[tilespmem:s1], [sflag:$0x3] =	stream.indirect_vreg.gather [hbm4b:s5+s2], $0x80, v26, vm0, $0xb8;
	[tilespmem:$0x10480] =	vst v63  }
0x503: {  	_ = 	snop  }
0x504: {  	[tilespmem:s13], [sflag:$0x3] =	stream.indirect_vreg.gather [hbm4b:s5+s2], $0x80, v25, vm0, $0xb8;
	[tilespmem:$0x10480] =	vst v63  }
0x505: {  	v25 =	vld [tilespmem:$0x130];
	_ =	sdelay $0x4  }
0x506: {  	v26 =	vshll.u32 v25, $0x7  }
0x507: {  	v25 =	vand.u32 $0x7, v25;
	v26 =	vand.u32 $0xFFFFFC00, v26  }
0x508: {  	v25 =	vor.u32 v25, v26  }
0x509: {  	v26 =	vperm.xlane v25, v1;
	_ =	sdelay $0x1  }
0x50a: {  	v27 =	vperm.xlane v25, v3;
	v26 =	vadd.s32 v2, v26;
	_ =	sdelay $0x1  }
0x50b: {  	s12 =	sld [smem:$0x73E];
	v49 =	vperm.xlane v25, v15;
	v27 =	vadd.s32 v2, v27;
	_ =	sdelay $0x1  }
0x50c: {  	s13 =	sld [smem:$0x73F];
	v50 =	vperm.xlane v25, v4;
	v28 =	vadd.s32 v2, v49  }
0x50d: {  	[tilespmem:s12], [sflag:$0x3] =	stream.indirect_vreg.gather [hbm4b:s5+s2], $0x80, v26, vm0, $0xb8;
	[tilespmem:$0x10480] =	vst v63  }
0x50e: {  	v51 =	vperm.xlane v25, v5;
	s12 =	sld [smem:$0x740];
	v26 =	vadd.s32 v2, v50  }
0x50f: {  	[tilespmem:s13], [sflag:$0x3] =	stream.indirect_vreg.gather [hbm4b:s5+s2], $0x80, v27, vm0, $0xb8;
	[tilespmem:$0x10480] =	vst v63  }
0x510: {  	v52 =	vperm.xlane v25, v6;
	s13 =	sld [smem:$0x741];
	v27 =	vadd.s32 v2, v51  }
0x511: {  	[tilespmem:s12], [sflag:$0x3] =	stream.indirect_vreg.gather [hbm4b:s5+s2], $0x80, v28, vm0, $0xb8;
	[tilespmem:$0x10480] =	vst v63  }
0x512: {  	v54 =	vperm.xlane v25, v7;
	v53 =	vadd.s32 v2, v52;
	s12 =	sld [smem:$0x742]  }
0x513: {  	[tilespmem:s13], [sflag:$0x3] =	stream.indirect_vreg.gather [hbm4b:s5+s2], $0x80, v26, vm0, $0xb8;
	[tilespmem:$0x10480] =	vst v63  }
0x514: {  	v55 =	vperm.xlane v25, v0;
	s13 =	sld [smem:$0x743];
	v26 =	vadd.s32 v2, v54  }
0x515: {  	[tilespmem:s12], [sflag:$0x3] =	stream.indirect_vreg.gather [hbm4b:s5+s2], $0x80, v27, vm0, $0xb8;
	[tilespmem:$0x10480] =	vst v63  }
0x516: {  	v56 =	vperm.xlane v25, v8;
	s12 =	sld [smem:$0x744];
	v27 =	vadd.s32 v2, v55  }
0x517: {  	[tilespmem:s13], [sflag:$0x3] =	stream.indirect_vreg.gather [hbm4b:s5+s2], $0x80, v53, vm0, $0xb8;
	[tilespmem:$0x10480] =	vst v63  }
0x518: {  	v58 =	vperm.xlane v25, v9;
	v57 =	vadd.s32 v2, v56;
	s13 =	sld [smem:$0x745]  }
0x519: {  	[tilespmem:s12], [sflag:$0x3] =	stream.indirect_vreg.gather [hbm4b:s5+s2], $0x80, v26, vm0, $0xb8;
	[tilespmem:$0x10480] =	vst v63  }
0x51a: {  	v59 =	vperm.xlane v25, v10;
	s12 =	sld [smem:$0x746];
	v26 =	vadd.s32 v2, v58  }
0x51b: {  	[tilespmem:s13], [sflag:$0x3] =	stream.indirect_vreg.gather [hbm4b:s5+s2], $0x80, v27, vm0, $0xb8;
	[tilespmem:$0x10480] =	vst v63  }
0x51c: {  	v60 =	vperm.xlane v25, v11;
	s13 =	sld [smem:$0x747];
	v27 =	vadd.s32 v2, v59  }
0x51d: {  	[tilespmem:s12], [sflag:$0x3] =	stream.indirect_vreg.gather [hbm4b:s5+s2], $0x80, v57, vm0, $0xb8;
	[tilespmem:$0x10480] =	vst v63  }
0x51e: {  	v62 =	vperm.xlane v25, v13;
	v61 =	vadd.s32 v2, v60;
	s12 =	sld [smem:$0x748]  }
0x51f: {  	[tilespmem:s13], [sflag:$0x3] =	stream.indirect_vreg.gather [hbm4b:s5+s2], $0x80, v26, vm0, $0xb8;
	[tilespmem:$0x10480] =	vst v63  }
0x520: {  	v63 =	vperm.xlane v25, v14;
	s13 =	sld [smem:$0x749];
	v26 =	vadd.s32 v2, v62  }
0x521: {  	[tilespmem:s12], [sflag:$0x3] =	stream.indirect_vreg.gather [hbm4b:s5+s2], $0x80, v27, vm0, $0xb8;
	[tilespmem:$0x10480] =	vst v63  }
0x522: {  	v32 =	vperm.xlane v25, v16;
	s12 =	sld [smem:$0x74A];
	v27 =	vadd.s32 v2, v63  }
0x523: {  	[tilespmem:s13], [sflag:$0x3] =	stream.indirect_vreg.gather [hbm4b:s5+s2], $0x80, v61, vm0, $0xb8;
	[tilespmem:$0x10480] =	vst v63  }
0x524: {  	v25 =	vperm.xlane v25, v17;
	v33 =	vadd.s32 v2, v32;
	s13 =	sld [smem:$0x74B]  }
0x525: {  	[tilespmem:s12], [sflag:$0x3] =	stream.indirect_vreg.gather [hbm4b:s5+s2], $0x80, v26, vm0, $0xb8;
	[tilespmem:$0x10480] =	vst v63  }
0x526: {  	v25 =	vadd.s32 v2, v25;
	s12 =	sld [smem:$0x74C]  }
0x527: {  	[tilespmem:s13], [sflag:$0x3] =	stream.indirect_vreg.gather [hbm4b:s5+s2], $0x80, v27, vm0, $0xb8;
	[tilespmem:$0x10480] =	vst v63  }
0x528: {  	s13 =	sld [smem:$0x74D]  }
0x529: {  	[tilespmem:s12], [sflag:$0x3] =	stream.indirect_vreg.gather [hbm4b:s5+s2], $0x80, v33, vm0, $0xb8;
	[tilespmem:$0x10480] =	vst v63  }
0x52a: {  	_ = 	snop  }
0x52b: {  	[tilespmem:s13], [sflag:$0x3] =	stream.indirect_vreg.gather [hbm4b:s5+s2], $0x80, v25, vm0, $0xb8;
	[tilespmem:$0x10480] =	vst v63  }
0x52c: {  	v25 =	vld [tilespmem:$0x140];
	_ =	sdelay $0x4  }
0x52d: {  	v26 =	vshll.u32 v25, $0x7  }
0x52e: {  	v25 =	vand.u32 $0x7, v25;
	v26 =	vand.u32 $0xFFFFFC00, v26  }
0x52f: {  	v25 =	vor.u32 v25, v26  }
0x530: {  	v26 =	vperm.xlane v25, v1;
	_ =	sdelay $0x1  }
0x531: {  	v27 =	vperm.xlane v25, v3;
	v26 =	vadd.s32 v2, v26;
	_ =	sdelay $0x1  }
0x532: {  	s12 =	sld [smem:$0x74E];
	v34 =	vperm.xlane v25, v15;
	v27 =	vadd.s32 v2, v27;
	_ =	sdelay $0x1  }
0x533: {  	s13 =	sld [smem:$0x74F];
	v35 =	vperm.xlane v25, v4;
	v28 =	vadd.s32 v2, v34  }
0x534: {  	[tilespmem:s12], [sflag:$0x3] =	stream.indirect_vreg.gather [hbm4b:s5+s2], $0x80, v26, vm0, $0xb8;
	[tilespmem:$0x10480] =	vst v63  }
0x535: {  	v36 =	vperm.xlane v25, v5;
	s12 =	sld [smem:$0x750];
	v26 =	vadd.s32 v2, v35  }
0x536: {  	[tilespmem:s13], [sflag:$0x3] =	stream.indirect_vreg.gather [hbm4b:s5+s2], $0x80, v27, vm0, $0xb8;
	[tilespmem:$0x10480] =	vst v63  }
0x537: {  	v37 =	vperm.xlane v25, v6;
	s13 =	sld [smem:$0x751];
	v27 =	vadd.s32 v2, v36  }
0x538: {  	[tilespmem:s12], [sflag:$0x3] =	stream.indirect_vreg.gather [hbm4b:s5+s2], $0x80, v28, vm0, $0xb8;
	[tilespmem:$0x10480] =	vst v63  }
0x539: {  	v39 =	vperm.xlane v25, v7;
	v38 =	vadd.s32 v2, v37;
	s12 =	sld [smem:$0x752]  }
0x53a: {  	[tilespmem:s13], [sflag:$0x3] =	stream.indirect_vreg.gather [hbm4b:s5+s2], $0x80, v26, vm0, $0xb8;
	[tilespmem:$0x10480] =	vst v63  }
0x53b: {  	v40 =	vperm.xlane v25, v0;
	s13 =	sld [smem:$0x753];
	v26 =	vadd.s32 v2, v39  }
0x53c: {  	[tilespmem:s12], [sflag:$0x3] =	stream.indirect_vreg.gather [hbm4b:s5+s2], $0x80, v27, vm0, $0xb8;
	[tilespmem:$0x10480] =	vst v63  }
0x53d: {  	v41 =	vperm.xlane v25, v8;
	s12 =	sld [smem:$0x754];
	v27 =	vadd.s32 v2, v40  }
0x53e: {  	[tilespmem:s13], [sflag:$0x3] =	stream.indirect_vreg.gather [hbm4b:s5+s2], $0x80, v38, vm0, $0xb8;
	[tilespmem:$0x10480] =	vst v63  }
0x53f: {  	v43 =	vperm.xlane v25, v9;
	v42 =	vadd.s32 v2, v41;
	s13 =	sld [smem:$0x755]  }
0x540: {  	[tilespmem:s12], [sflag:$0x3] =	stream.indirect_vreg.gather [hbm4b:s5+s2], $0x80, v26, vm0, $0xb8;
	[tilespmem:$0x10480] =	vst v63  }
0x541: {  	v44 =	vperm.xlane v25, v10;
	s12 =	sld [smem:$0x756];
	v26 =	vadd.s32 v2, v43  }
0x542: {  	[tilespmem:s13], [sflag:$0x3] =	stream.indirect_vreg.gather [hbm4b:s5+s2], $0x80, v27, vm0, $0xb8;
	[tilespmem:$0x10480] =	vst v63  }
0x543: {  	v45 =	vperm.xlane v25, v11;
	s13 =	sld [smem:$0x757];
	v27 =	vadd.s32 v2, v44  }
0x544: {  	[tilespmem:s12], [sflag:$0x3] =	stream.indirect_vreg.gather [hbm4b:s5+s2], $0x80, v42, vm0, $0xb8;
	[tilespmem:$0x10480] =	vst v63  }
0x545: {  	v47 =	vperm.xlane v25, v13;
	v46 =	vadd.s32 v2, v45;
	s12 =	sld [smem:$0x758]  }
0x546: {  	[tilespmem:s13], [sflag:$0x3] =	stream.indirect_vreg.gather [hbm4b:s5+s2], $0x80, v26, vm0, $0xb8;
	[tilespmem:$0x10480] =	vst v63  }
0x547: {  	v48 =	vperm.xlane v25, v14;
	s13 =	sld [smem:$0x759];
	v26 =	vadd.s32 v2, v47  }
0x548: {  	[tilespmem:s12], [sflag:$0x3] =	stream.indirect_vreg.gather [hbm4b:s5+s2], $0x80, v27, vm0, $0xb8;
	[tilespmem:$0x10480] =	vst v63  }
0x549: {  	v49 =	vperm.xlane v25, v16;
	s12 =	sld [smem:$0x75A];
	v27 =	vadd.s32 v2, v48  }
0x54a: {  	[tilespmem:s13], [sflag:$0x3] =	stream.indirect_vreg.gather [hbm4b:s5+s2], $0x80, v46, vm0, $0xb8;
	[tilespmem:$0x10480] =	vst v63  }
0x54b: {  	v25 =	vperm.xlane v25, v17;
	v50 =	vadd.s32 v2, v49;
	s13 =	sld [smem:$0x75B]  }
0x54c: {  	[tilespmem:s12], [sflag:$0x3] =	stream.indirect_vreg.gather [hbm4b:s5+s2], $0x80, v26, vm0, $0xb8;
	[tilespmem:$0x10480] =	vst v63  }
0x54d: {  	v25 =	vadd.s32 v2, v25;
	s12 =	sld [smem:$0x75C]  }
0x54e: {  	[tilespmem:s13], [sflag:$0x3] =	stream.indirect_vreg.gather [hbm4b:s5+s2], $0x80, v27, vm0, $0xb8;
	[tilespmem:$0x10480] =	vst v63  }
0x54f: {  	s13 =	sld [smem:$0x75D]  }
0x550: {  	[tilespmem:s12], [sflag:$0x3] =	stream.indirect_vreg.gather [hbm4b:s5+s2], $0x80, v50, vm0, $0xb8;
	[tilespmem:$0x10480] =	vst v63  }
0x551: {  	_ = 	snop  }
0x552: {  	[tilespmem:s13], [sflag:$0x3] =	stream.indirect_vreg.gather [hbm4b:s5+s2], $0x80, v25, vm0, $0xb8;
	[tilespmem:$0x10480] =	vst v63  }
0x553: {  	v25 =	vld [tilespmem:$0x150];
	_ =	sdelay $0x4  }
0x554: {  	v26 =	vshll.u32 v25, $0x7  }
0x555: {  	v25 =	vand.u32 $0x7, v25;
	v26 =	vand.u32 $0xFFFFFC00, v26  }
0x556: {  	v25 =	vor.u32 v25, v26  }
0x557: {  	v26 =	vperm.xlane v25, v1;
	_ =	sdelay $0x1  }
0x558: {  	v27 =	vperm.xlane v25, v3;
	v26 =	vadd.s32 v2, v26;
	_ =	sdelay $0x1  }
0x559: {  	s12 =	sld [smem:$0x75E];
	v51 =	vperm.xlane v25, v15;
	v27 =	vadd.s32 v2, v27;
	_ =	sdelay $0x1  }
0x55a: {  	s13 =	sld [smem:$0x75F];
	v52 =	vperm.xlane v25, v4;
	v28 =	vadd.s32 v2, v51  }
0x55b: {  	[tilespmem:s12], [sflag:$0x3] =	stream.indirect_vreg.gather [hbm4b:s5+s2], $0x80, v26, vm0, $0xb8;
	[tilespmem:$0x10480] =	vst v63  }
0x55c: {  	v53 =	vperm.xlane v25, v5;
	s12 =	sld [smem:$0x760];
	v26 =	vadd.s32 v2, v52  }
0x55d: {  	[tilespmem:s13], [sflag:$0x3] =	stream.indirect_vreg.gather [hbm4b:s5+s2], $0x80, v27, vm0, $0xb8;
	[tilespmem:$0x10480] =	vst v63  }
0x55e: {  	v54 =	vperm.xlane v25, v6;
	s13 =	sld [smem:$0x761];
	v27 =	vadd.s32 v2, v53  }
0x55f: {  	[tilespmem:s12], [sflag:$0x3] =	stream.indirect_vreg.gather [hbm4b:s5+s2], $0x80, v28, vm0, $0xb8;
	[tilespmem:$0x10480] =	vst v63  }
0x560: {  	v56 =	vperm.xlane v25, v7;
	v55 =	vadd.s32 v2, v54;
	s12 =	sld [smem:$0x762]  }
0x561: {  	[tilespmem:s13], [sflag:$0x3] =	stream.indirect_vreg.gather [hbm4b:s5+s2], $0x80, v26, vm0, $0xb8;
	[tilespmem:$0x10480] =	vst v63  }
0x562: {  	v57 =	vperm.xlane v25, v0;
	s13 =	sld [smem:$0x763];
	v26 =	vadd.s32 v2, v56  }
0x563: {  	[tilespmem:s12], [sflag:$0x3] =	stream.indirect_vreg.gather [hbm4b:s5+s2], $0x80, v27, vm0, $0xb8;
	[tilespmem:$0x10480] =	vst v63  }
0x564: {  	v58 =	vperm.xlane v25, v8;
	s12 =	sld [smem:$0x764];
	v27 =	vadd.s32 v2, v57  }
0x565: {  	[tilespmem:s13], [sflag:$0x3] =	stream.indirect_vreg.gather [hbm4b:s5+s2], $0x80, v55, vm0, $0xb8;
	[tilespmem:$0x10480] =	vst v63  }
0x566: {  	v60 =	vperm.xlane v25, v9;
	v59 =	vadd.s32 v2, v58;
	s13 =	sld [smem:$0x765]  }
0x567: {  	[tilespmem:s12], [sflag:$0x3] =	stream.indirect_vreg.gather [hbm4b:s5+s2], $0x80, v26, vm0, $0xb8;
	[tilespmem:$0x10480] =	vst v63  }
0x568: {  	v61 =	vperm.xlane v25, v10;
	s12 =	sld [smem:$0x766];
	v26 =	vadd.s32 v2, v60  }
0x569: {  	[tilespmem:s13], [sflag:$0x3] =	stream.indirect_vreg.gather [hbm4b:s5+s2], $0x80, v27, vm0, $0xb8;
	[tilespmem:$0x10480] =	vst v63  }
0x56a: {  	v62 =	vperm.xlane v25, v11;
	s13 =	sld [smem:$0x767];
	v27 =	vadd.s32 v2, v61  }
0x56b: {  	[tilespmem:s12], [sflag:$0x3] =	stream.indirect_vreg.gather [hbm4b:s5+s2], $0x80, v59, vm0, $0xb8;
	[tilespmem:$0x10480] =	vst v63  }
0x56c: {  	v32 =	vperm.xlane v25, v13;
	v63 =	vadd.s32 v2, v62;
	s12 =	sld [smem:$0x768]  }
0x56d: {  	[tilespmem:s13], [sflag:$0x3] =	stream.indirect_vreg.gather [hbm4b:s5+s2], $0x80, v26, vm0, $0xb8;
	[tilespmem:$0x10480] =	vst v63  }
0x56e: {  	v33 =	vperm.xlane v25, v14;
	s13 =	sld [smem:$0x769];
	v26 =	vadd.s32 v2, v32  }
0x56f: {  	[tilespmem:s12], [sflag:$0x3] =	stream.indirect_vreg.gather [hbm4b:s5+s2], $0x80, v27, vm0, $0xb8;
	[tilespmem:$0x10480] =	vst v63  }
0x570: {  	v34 =	vperm.xlane v25, v16;
	s12 =	sld [smem:$0x76A];
	v27 =	vadd.s32 v2, v33  }
0x571: {  	[tilespmem:s13], [sflag:$0x3] =	stream.indirect_vreg.gather [hbm4b:s5+s2], $0x80, v63, vm0, $0xb8;
	[tilespmem:$0x10480] =	vst v63  }
0x572: {  	v25 =	vperm.xlane v25, v17;
	v35 =	vadd.s32 v2, v34;
	s13 =	sld [smem:$0x76B]  }
0x573: {  	[tilespmem:s12], [sflag:$0x3] =	stream.indirect_vreg.gather [hbm4b:s5+s2], $0x80, v26, vm0, $0xb8;
	[tilespmem:$0x10480] =	vst v63  }
0x574: {  	v25 =	vadd.s32 v2, v25;
	s12 =	sld [smem:$0x76C]  }
0x575: {  	[tilespmem:s13], [sflag:$0x3] =	stream.indirect_vreg.gather [hbm4b:s5+s2], $0x80, v27, vm0, $0xb8;
	[tilespmem:$0x10480] =	vst v63  }
0x576: {  	s13 =	sld [smem:$0x76D]  }
0x577: {  	[tilespmem:s12], [sflag:$0x3] =	stream.indirect_vreg.gather [hbm4b:s5+s2], $0x80, v35, vm0, $0xb8;
	[tilespmem:$0x10480] =	vst v63  }
0x578: {  	_ = 	snop  }
0x579: {  	[tilespmem:s13], [sflag:$0x3] =	stream.indirect_vreg.gather [hbm4b:s5+s2], $0x80, v25, vm0, $0xb8;
	[tilespmem:$0x10480] =	vst v63  }
0x57a: {  	v25 =	vld [tilespmem:$0x160];
	_ =	sdelay $0x4  }
0x57b: {  	v26 =	vshll.u32 v25, $0x7  }
0x57c: {  	v25 =	vand.u32 $0x7, v25;
	v26 =	vand.u32 $0xFFFFFC00, v26  }
0x57d: {  	v25 =	vor.u32 v25, v26  }
0x57e: {  	v26 =	vperm.xlane v25, v1;
	_ =	sdelay $0x1  }
0x57f: {  	v27 =	vperm.xlane v25, v3;
	v26 =	vadd.s32 v2, v26;
	_ =	sdelay $0x1  }
0x580: {  	s12 =	sld [smem:$0x76E];
	v36 =	vperm.xlane v25, v15;
	v27 =	vadd.s32 v2, v27;
	_ =	sdelay $0x1  }
0x581: {  	s13 =	sld [smem:$0x76F];
	v37 =	vperm.xlane v25, v4;
	v28 =	vadd.s32 v2, v36  }
0x582: {  	[tilespmem:s12], [sflag:$0x3] =	stream.indirect_vreg.gather [hbm4b:s5+s2], $0x80, v26, vm0, $0xb8;
	[tilespmem:$0x10480] =	vst v63  }
0x583: {  	v38 =	vperm.xlane v25, v5;
	s12 =	sld [smem:$0x770];
	v26 =	vadd.s32 v2, v37  }
0x584: {  	[tilespmem:s13], [sflag:$0x3] =	stream.indirect_vreg.gather [hbm4b:s5+s2], $0x80, v27, vm0, $0xb8;
	[tilespmem:$0x10480] =	vst v63  }
0x585: {  	v39 =	vperm.xlane v25, v6;
	s13 =	sld [smem:$0x771];
	v27 =	vadd.s32 v2, v38  }
0x586: {  	[tilespmem:s12], [sflag:$0x3] =	stream.indirect_vreg.gather [hbm4b:s5+s2], $0x80, v28, vm0, $0xb8;
	[tilespmem:$0x10480] =	vst v63  }
0x587: {  	v41 =	vperm.xlane v25, v7;
	v40 =	vadd.s32 v2, v39;
	s12 =	sld [smem:$0x772]  }
0x588: {  	[tilespmem:s13], [sflag:$0x3] =	stream.indirect_vreg.gather [hbm4b:s5+s2], $0x80, v26, vm0, $0xb8;
	[tilespmem:$0x10480] =	vst v63  }
0x589: {  	v42 =	vperm.xlane v25, v0;
	s13 =	sld [smem:$0x773];
	v26 =	vadd.s32 v2, v41  }
0x58a: {  	[tilespmem:s12], [sflag:$0x3] =	stream.indirect_vreg.gather [hbm4b:s5+s2], $0x80, v27, vm0, $0xb8;
	[tilespmem:$0x10480] =	vst v63  }
0x58b: {  	v43 =	vperm.xlane v25, v8;
	s12 =	sld [smem:$0x774];
	v27 =	vadd.s32 v2, v42  }
0x58c: {  	[tilespmem:s13], [sflag:$0x3] =	stream.indirect_vreg.gather [hbm4b:s5+s2], $0x80, v40, vm0, $0xb8;
	[tilespmem:$0x10480] =	vst v63  }
0x58d: {  	v45 =	vperm.xlane v25, v9;
	v44 =	vadd.s32 v2, v43;
	s13 =	sld [smem:$0x775]  }
0x58e: {  	[tilespmem:s12], [sflag:$0x3] =	stream.indirect_vreg.gather [hbm4b:s5+s2], $0x80, v26, vm0, $0xb8;
	[tilespmem:$0x10480] =	vst v63  }
0x58f: {  	v46 =	vperm.xlane v25, v10;
	s12 =	sld [smem:$0x776];
	v26 =	vadd.s32 v2, v45  }
0x590: {  	[tilespmem:s13], [sflag:$0x3] =	stream.indirect_vreg.gather [hbm4b:s5+s2], $0x80, v27, vm0, $0xb8;
	[tilespmem:$0x10480] =	vst v63  }
0x591: {  	v47 =	vperm.xlane v25, v11;
	s13 =	sld [smem:$0x777];
	v27 =	vadd.s32 v2, v46  }
0x592: {  	[tilespmem:s12], [sflag:$0x3] =	stream.indirect_vreg.gather [hbm4b:s5+s2], $0x80, v44, vm0, $0xb8;
	[tilespmem:$0x10480] =	vst v63  }
0x593: {  	v49 =	vperm.xlane v25, v13;
	v48 =	vadd.s32 v2, v47;
	s12 =	sld [smem:$0x778]  }
0x594: {  	[tilespmem:s13], [sflag:$0x3] =	stream.indirect_vreg.gather [hbm4b:s5+s2], $0x80, v26, vm0, $0xb8;
	[tilespmem:$0x10480] =	vst v63  }
0x595: {  	v50 =	vperm.xlane v25, v14;
	s13 =	sld [smem:$0x779];
	v26 =	vadd.s32 v2, v49  }
0x596: {  	[tilespmem:s12], [sflag:$0x3] =	stream.indirect_vreg.gather [hbm4b:s5+s2], $0x80, v27, vm0, $0xb8;
	[tilespmem:$0x10480] =	vst v63  }
0x597: {  	v51 =	vperm.xlane v25, v16;
	s12 =	sld [smem:$0x77A];
	v27 =	vadd.s32 v2, v50  }
0x598: {  	[tilespmem:s13], [sflag:$0x3] =	stream.indirect_vreg.gather [hbm4b:s5+s2], $0x80, v48, vm0, $0xb8;
	[tilespmem:$0x10480] =	vst v63  }
0x599: {  	v25 =	vperm.xlane v25, v17;
	v52 =	vadd.s32 v2, v51;
	s13 =	sld [smem:$0x77B]  }
0x59a: {  	[tilespmem:s12], [sflag:$0x3] =	stream.indirect_vreg.gather [hbm4b:s5+s2], $0x80, v26, vm0, $0xb8;
	[tilespmem:$0x10480] =	vst v63  }
0x59b: {  	v25 =	vadd.s32 v2, v25;
	s12 =	sld [smem:$0x77C]  }
0x59c: {  	[tilespmem:s13], [sflag:$0x3] =	stream.indirect_vreg.gather [hbm4b:s5+s2], $0x80, v27, vm0, $0xb8;
	[tilespmem:$0x10480] =	vst v63  }
0x59d: {  	s13 =	sld [smem:$0x77D]  }
0x59e: {  	[tilespmem:s12], [sflag:$0x3] =	stream.indirect_vreg.gather [hbm4b:s5+s2], $0x80, v52, vm0, $0xb8;
	[tilespmem:$0x10480] =	vst v63  }
0x59f: {  	_ = 	snop  }
0x5a0: {  	[tilespmem:s13], [sflag:$0x3] =	stream.indirect_vreg.gather [hbm4b:s5+s2], $0x80, v25, vm0, $0xb8;
	[tilespmem:$0x10480] =	vst v63  }
0x5a1: {  	v25 =	vld [tilespmem:$0x170];
	_ =	sdelay $0x4  }
0x5a2: {  	v26 =	vshll.u32 v25, $0x7  }
0x5a3: {  	v25 =	vand.u32 $0x7, v25;
	v26 =	vand.u32 $0xFFFFFC00, v26  }
0x5a4: {  	v25 =	vor.u32 v25, v26  }
0x5a5: {  	v26 =	vperm.xlane v25, v1;
	_ =	sdelay $0x1  }
0x5a6: {  	v27 =	vperm.xlane v25, v3;
	v26 =	vadd.s32 v2, v26;
	_ =	sdelay $0x1  }
0x5a7: {  	s12 =	sld [smem:$0x77E];
	v53 =	vperm.xlane v25, v15;
	v27 =	vadd.s32 v2, v27;
	_ =	sdelay $0x1  }
0x5a8: {  	s13 =	sld [smem:$0x77F];
	v54 =	vperm.xlane v25, v4;
	v28 =	vadd.s32 v2, v53  }
0x5a9: {  	[tilespmem:s12], [sflag:$0x3] =	stream.indirect_vreg.gather [hbm4b:s5+s2], $0x80, v26, vm0, $0xb8;
	[tilespmem:$0x10480] =	vst v63  }
0x5aa: {  	v55 =	vperm.xlane v25, v5;
	s12 =	sld [smem:$0x780];
	v26 =	vadd.s32 v2, v54  }
0x5ab: {  	[tilespmem:s13], [sflag:$0x3] =	stream.indirect_vreg.gather [hbm4b:s5+s2], $0x80, v27, vm0, $0xb8;
	[tilespmem:$0x10480] =	vst v63  }
0x5ac: {  	v56 =	vperm.xlane v25, v6;
	s13 =	sld [smem:$0x781];
	v27 =	vadd.s32 v2, v55  }
0x5ad: {  	[tilespmem:s12], [sflag:$0x3] =	stream.indirect_vreg.gather [hbm4b:s5+s2], $0x80, v28, vm0, $0xb8;
	[tilespmem:$0x10480] =	vst v63  }
0x5ae: {  	v58 =	vperm.xlane v25, v7;
	v57 =	vadd.s32 v2, v56;
	s12 =	sld [smem:$0x782]  }
0x5af: {  	[tilespmem:s13], [sflag:$0x3] =	stream.indirect_vreg.gather [hbm4b:s5+s2], $0x80, v26, vm0, $0xb8;
	[tilespmem:$0x10480] =	vst v63  }
0x5b0: {  	v59 =	vperm.xlane v25, v0;
	s13 =	sld [smem:$0x783];
	v26 =	vadd.s32 v2, v58  }
0x5b1: {  	[tilespmem:s12], [sflag:$0x3] =	stream.indirect_vreg.gather [hbm4b:s5+s2], $0x80, v27, vm0, $0xb8;
	[tilespmem:$0x10480] =	vst v63  }
0x5b2: {  	v60 =	vperm.xlane v25, v8;
	s12 =	sld [smem:$0x784];
	v27 =	vadd.s32 v2, v59  }
0x5b3: {  	[tilespmem:s13], [sflag:$0x3] =	stream.indirect_vreg.gather [hbm4b:s5+s2], $0x80, v57, vm0, $0xb8;
	[tilespmem:$0x10480] =	vst v63  }
0x5b4: {  	v62 =	vperm.xlane v25, v9;
	v61 =	vadd.s32 v2, v60;
	s13 =	sld [smem:$0x785]  }
0x5b5: {  	[tilespmem:s12], [sflag:$0x3] =	stream.indirect_vreg.gather [hbm4b:s5+s2], $0x80, v26, vm0, $0xb8;
	[tilespmem:$0x10480] =	vst v63  }
0x5b6: {  	v63 =	vperm.xlane v25, v10;
	s12 =	sld [smem:$0x786];
	v26 =	vadd.s32 v2, v62  }
0x5b7: {  	[tilespmem:s13], [sflag:$0x3] =	stream.indirect_vreg.gather [hbm4b:s5+s2], $0x80, v27, vm0, $0xb8;
	[tilespmem:$0x10480] =	vst v63  }
0x5b8: {  	v32 =	vperm.xlane v25, v11;
	s13 =	sld [smem:$0x787];
	v27 =	vadd.s32 v2, v63  }
0x5b9: {  	[tilespmem:s12], [sflag:$0x3] =	stream.indirect_vreg.gather [hbm4b:s5+s2], $0x80, v61, vm0, $0xb8;
	[tilespmem:$0x10480] =	vst v63  }
0x5ba: {  	v34 =	vperm.xlane v25, v13;
	v33 =	vadd.s32 v2, v32;
	s12 =	sld [smem:$0x788]  }
0x5bb: {  	[tilespmem:s13], [sflag:$0x3] =	stream.indirect_vreg.gather [hbm4b:s5+s2], $0x80, v26, vm0, $0xb8;
	[tilespmem:$0x10480] =	vst v63  }
0x5bc: {  	v35 =	vperm.xlane v25, v14;
	s13 =	sld [smem:$0x789];
	v26 =	vadd.s32 v2, v34  }
0x5bd: {  	[tilespmem:s12], [sflag:$0x3] =	stream.indirect_vreg.gather [hbm4b:s5+s2], $0x80, v27, vm0, $0xb8;
	[tilespmem:$0x10480] =	vst v63  }
0x5be: {  	v36 =	vperm.xlane v25, v16;
	s12 =	sld [smem:$0x78A];
	v27 =	vadd.s32 v2, v35  }
0x5bf: {  	[tilespmem:s13], [sflag:$0x3] =	stream.indirect_vreg.gather [hbm4b:s5+s2], $0x80, v33, vm0, $0xb8;
	[tilespmem:$0x10480] =	vst v63  }
0x5c0: {  	v25 =	vperm.xlane v25, v17;
	v37 =	vadd.s32 v2, v36;
	s13 =	sld [smem:$0x78B]  }
0x5c1: {  	[tilespmem:s12], [sflag:$0x3] =	stream.indirect_vreg.gather [hbm4b:s5+s2], $0x80, v26, vm0, $0xb8;
	[tilespmem:$0x10480] =	vst v63  }
0x5c2: {  	v25 =	vadd.s32 v2, v25;
	s12 =	sld [smem:$0x78C]  }
0x5c3: {  	[tilespmem:s13], [sflag:$0x3] =	stream.indirect_vreg.gather [hbm4b:s5+s2], $0x80, v27, vm0, $0xb8;
	[tilespmem:$0x10480] =	vst v63  }
0x5c4: {  	s13 =	sld [smem:$0x78D]  }
0x5c5: {  	[tilespmem:s12], [sflag:$0x3] =	stream.indirect_vreg.gather [hbm4b:s5+s2], $0x80, v37, vm0, $0xb8;
	[tilespmem:$0x10480] =	vst v63  }
0x5c6: {  	_ = 	snop  }
0x5c7: {  	[tilespmem:s13], [sflag:$0x3] =	stream.indirect_vreg.gather [hbm4b:s5+s2], $0x80, v25, vm0, $0xb8;
	[tilespmem:$0x10480] =	vst v63  }
0x5c8: {  	_ =	swait.ge [sflag:s28], $0x80  }
0x5c9: {  	[sflag:s28] =	ssyncset.done $0x0  }
0x5ca: {  	[sflag:s28] =	ssyncadd.s32 $0xFFFFFF80  }
0x5cb: {  	v25 =	vld [tilespmem:$0x180];
	_ =	sdelay $0x4  }
0x5cc: {  	v26 =	vshll.u32 v25, $0x7  }
0x5cd: {  	v25 =	vand.u32 $0x7, v25;
	v26 =	vand.u32 $0xFFFFFC00, v26  }
0x5ce: {  	v25 =	vor.u32 v25, v26  }
0x5cf: {  	v26 =	vperm.xlane v25, v1;
	_ =	sdelay $0x1  }
0x5d0: {  	v27 =	vperm.xlane v25, v3;
	v26 =	vadd.s32 v2, v26;
	_ =	sdelay $0x1  }
0x5d1: {  	v38 =	vperm.xlane v25, v15;
	v27 =	vadd.s32 v2, v27;
	_ =	sdelay $0x1  }
0x5d2: {  	s10 =	sld [smem:$0x78E];
	v39 =	vperm.xlane v25, v4;
	v28 =	vadd.s32 v2, v38  }
0x5d3: {  	[tilespmem:s29], [sflag:$0x4] =	stream.indirect_vreg.gather [hbm4b:s6+s2], $0x80, v26, vm0, $0xb8;
	[tilespmem:$0x10480] =	vst v63  }
0x5d4: {  	s12 =	sld [smem:$0x78F];
	v40 =	vperm.xlane v25, v5;
	v26 =	vadd.s32 v2, v39  }
0x5d5: {  	[tilespmem:s10], [sflag:$0x4] =	stream.indirect_vreg.gather [hbm4b:s6+s2], $0x80, v27, vm0, $0xb8;
	[tilespmem:$0x10480] =	vst v63  }
0x5d6: {  	s13 =	sld [smem:$0x790];
	v41 =	vperm.xlane v25, v6;
	v27 =	vadd.s32 v2, v40  }
0x5d7: {  	[tilespmem:s12], [sflag:$0x4] =	stream.indirect_vreg.gather [hbm4b:s6+s2], $0x80, v28, vm0, $0xb8;
	[tilespmem:$0x10480] =	vst v63  }
0x5d8: {  	v43 =	vperm.xlane v25, v7;
	v42 =	vadd.s32 v2, v41;
	s12 =	sld [smem:$0x791]  }
0x5d9: {  	[tilespmem:s13], [sflag:$0x4] =	stream.indirect_vreg.gather [hbm4b:s6+s2], $0x80, v26, vm0, $0xb8;
	[tilespmem:$0x10480] =	vst v63  }
0x5da: {  	v44 =	vperm.xlane v25, v0;
	s13 =	sld [smem:$0x792];
	v26 =	vadd.s32 v2, v43  }
0x5db: {  	[tilespmem:s12], [sflag:$0x4] =	stream.indirect_vreg.gather [hbm4b:s6+s2], $0x80, v27, vm0, $0xb8;
	[tilespmem:$0x10480] =	vst v63  }
0x5dc: {  	v45 =	vperm.xlane v25, v8;
	s12 =	sld [smem:$0x793];
	v27 =	vadd.s32 v2, v44  }
0x5dd: {  	[tilespmem:s13], [sflag:$0x4] =	stream.indirect_vreg.gather [hbm4b:s6+s2], $0x80, v42, vm0, $0xb8;
	[tilespmem:$0x10480] =	vst v63  }
0x5de: {  	v47 =	vperm.xlane v25, v9;
	v46 =	vadd.s32 v2, v45;
	s13 =	sld [smem:$0x796]  }
0x5df: {  	[tilespmem:s12], [sflag:$0x4] =	stream.indirect_vreg.gather [hbm4b:s6+s2], $0x80, v26, vm0, $0xb8;
	[tilespmem:$0x10480] =	vst v63  }
0x5e0: {  	v48 =	vperm.xlane v25, v10;
	s12 =	sld [smem:$0x797];
	v26 =	vadd.s32 v2, v47  }
0x5e1: {  	[tilespmem:s13], [sflag:$0x4] =	stream.indirect_vreg.gather [hbm4b:s6+s2], $0x80, v27, vm0, $0xb8;
	[tilespmem:$0x10480] =	vst v63  }
0x5e2: {  	v49 =	vperm.xlane v25, v11;
	s13 =	sld [smem:$0x798];
	v27 =	vadd.s32 v2, v48  }
0x5e3: {  	[tilespmem:s12], [sflag:$0x4] =	stream.indirect_vreg.gather [hbm4b:s6+s2], $0x80, v46, vm0, $0xb8;
	[tilespmem:$0x10480] =	vst v63  }
0x5e4: {  	v51 =	vperm.xlane v25, v13;
	v50 =	vadd.s32 v2, v49;
	s12 =	sld [smem:$0x799]  }
0x5e5: {  	[tilespmem:s13], [sflag:$0x4] =	stream.indirect_vreg.gather [hbm4b:s6+s2], $0x80, v26, vm0, $0xb8;
	[tilespmem:$0x10480] =	vst v63  }
0x5e6: {  	v52 =	vperm.xlane v25, v14;
	s13 =	sld [smem:$0x79A];
	v26 =	vadd.s32 v2, v51  }
0x5e7: {  	[tilespmem:s12], [sflag:$0x4] =	stream.indirect_vreg.gather [hbm4b:s6+s2], $0x80, v27, vm0, $0xb8;
	[tilespmem:$0x10480] =	vst v63  }
0x5e8: {  	v53 =	vperm.xlane v25, v16;
	s12 =	sld [smem:$0x79B];
	v27 =	vadd.s32 v2, v52  }
0x5e9: {  	[tilespmem:s13], [sflag:$0x4] =	stream.indirect_vreg.gather [hbm4b:s6+s2], $0x80, v50, vm0, $0xb8;
	[tilespmem:$0x10480] =	vst v63  }
0x5ea: {  	v25 =	vperm.xlane v25, v17;
	v54 =	vadd.s32 v2, v53;
	s13 =	sld [smem:$0x79C]  }
0x5eb: {  	[tilespmem:s12], [sflag:$0x4] =	stream.indirect_vreg.gather [hbm4b:s6+s2], $0x80, v26, vm0, $0xb8;
	[tilespmem:$0x10480] =	vst v63  }
0x5ec: {  	v25 =	vadd.s32 v2, v25;
	s12 =	sld [smem:$0x79D]  }
0x5ed: {  	[tilespmem:s13], [sflag:$0x4] =	stream.indirect_vreg.gather [hbm4b:s6+s2], $0x80, v27, vm0, $0xb8;
	[tilespmem:$0x10480] =	vst v63  }
0x5ee: {  	s13 =	sld [smem:$0x79E]  }
0x5ef: {  	[tilespmem:s12], [sflag:$0x4] =	stream.indirect_vreg.gather [hbm4b:s6+s2], $0x80, v54, vm0, $0xb8;
	[tilespmem:$0x10480] =	vst v63  }
0x5f0: {  	_ = 	snop  }
0x5f1: {  	[tilespmem:s13], [sflag:$0x4] =	stream.indirect_vreg.gather [hbm4b:s6+s2], $0x80, v25, vm0, $0xb8;
	[tilespmem:$0x10480] =	vst v63  }
0x5f2: {  	v25 =	vld [tilespmem:$0x190];
	_ =	sdelay $0x4  }
0x5f3: {  	v26 =	vshll.u32 v25, $0x7  }
0x5f4: {  	v25 =	vand.u32 $0x7, v25;
	v26 =	vand.u32 $0xFFFFFC00, v26  }
0x5f5: {  	v25 =	vor.u32 v25, v26  }
0x5f6: {  	v26 =	vperm.xlane v25, v1;
	_ =	sdelay $0x1  }
0x5f7: {  	v27 =	vperm.xlane v25, v3;
	v26 =	vadd.s32 v2, v26;
	_ =	sdelay $0x1  }
0x5f8: {  	s12 =	sld [smem:$0x79F];
	v55 =	vperm.xlane v25, v15;
	v27 =	vadd.s32 v2, v27;
	_ =	sdelay $0x1  }
0x5f9: {  	s13 =	sld [smem:$0x7A0];
	v56 =	vperm.xlane v25, v4;
	v28 =	vadd.s32 v2, v55  }
0x5fa: {  	[tilespmem:s12], [sflag:$0x4] =	stream.indirect_vreg.gather [hbm4b:s6+s2], $0x80, v26, vm0, $0xb8;
	[tilespmem:$0x10480] =	vst v63  }
0x5fb: {  	v57 =	vperm.xlane v25, v5;
	s12 =	sld [smem:$0x7A1];
	v26 =	vadd.s32 v2, v56  }
0x5fc: {  	[tilespmem:s13], [sflag:$0x4] =	stream.indirect_vreg.gather [hbm4b:s6+s2], $0x80, v27, vm0, $0xb8;
	[tilespmem:$0x10480] =	vst v63  }
0x5fd: {  	v58 =	vperm.xlane v25, v6;
	s13 =	sld [smem:$0x7A2];
	v27 =	vadd.s32 v2, v57  }
0x5fe: {  	[tilespmem:s12], [sflag:$0x4] =	stream.indirect_vreg.gather [hbm4b:s6+s2], $0x80, v28, vm0, $0xb8;
	[tilespmem:$0x10480] =	vst v63  }
0x5ff: {  	v60 =	vperm.xlane v25, v7;
	v59 =	vadd.s32 v2, v58;
	s12 =	sld [smem:$0x7A3]  }
0x600: {  	[tilespmem:s13], [sflag:$0x4] =	stream.indirect_vreg.gather [hbm4b:s6+s2], $0x80, v26, vm0, $0xb8;
	[tilespmem:$0x10480] =	vst v63  }
0x601: {  	v61 =	vperm.xlane v25, v0;
	s13 =	sld [smem:$0x7A4];
	v26 =	vadd.s32 v2, v60  }
0x602: {  	[tilespmem:s12], [sflag:$0x4] =	stream.indirect_vreg.gather [hbm4b:s6+s2], $0x80, v27, vm0, $0xb8;
	[tilespmem:$0x10480] =	vst v63  }
0x603: {  	v62 =	vperm.xlane v25, v8;
	s12 =	sld [smem:$0x7A5];
	v27 =	vadd.s32 v2, v61  }
0x604: {  	[tilespmem:s13], [sflag:$0x4] =	stream.indirect_vreg.gather [hbm4b:s6+s2], $0x80, v59, vm0, $0xb8;
	[tilespmem:$0x10480] =	vst v63  }
0x605: {  	v32 =	vperm.xlane v25, v9;
	v63 =	vadd.s32 v2, v62;
	s13 =	sld [smem:$0x7A6]  }
0x606: {  	[tilespmem:s12], [sflag:$0x4] =	stream.indirect_vreg.gather [hbm4b:s6+s2], $0x80, v26, vm0, $0xb8;
	[tilespmem:$0x10480] =	vst v63  }
0x607: {  	v33 =	vperm.xlane v25, v10;
	s12 =	sld [smem:$0x7A7];
	v26 =	vadd.s32 v2, v32  }
0x608: {  	[tilespmem:s13], [sflag:$0x4] =	stream.indirect_vreg.gather [hbm4b:s6+s2], $0x80, v27, vm0, $0xb8;
	[tilespmem:$0x10480] =	vst v63  }
0x609: {  	v34 =	vperm.xlane v25, v11;
	s13 =	sld [smem:$0x7A8];
	v27 =	vadd.s32 v2, v33  }
0x60a: {  	[tilespmem:s12], [sflag:$0x4] =	stream.indirect_vreg.gather [hbm4b:s6+s2], $0x80, v63, vm0, $0xb8;
	[tilespmem:$0x10480] =	vst v63  }
0x60b: {  	v36 =	vperm.xlane v25, v13;
	v35 =	vadd.s32 v2, v34;
	s12 =	sld [smem:$0x7A9]  }
0x60c: {  	[tilespmem:s13], [sflag:$0x4] =	stream.indirect_vreg.gather [hbm4b:s6+s2], $0x80, v26, vm0, $0xb8;
	[tilespmem:$0x10480] =	vst v63  }
0x60d: {  	v37 =	vperm.xlane v25, v14;
	s13 =	sld [smem:$0x7AA];
	v26 =	vadd.s32 v2, v36  }
0x60e: {  	[tilespmem:s12], [sflag:$0x4] =	stream.indirect_vreg.gather [hbm4b:s6+s2], $0x80, v27, vm0, $0xb8;
	[tilespmem:$0x10480] =	vst v63  }
0x60f: {  	v38 =	vperm.xlane v25, v16;
	s12 =	sld [smem:$0x7AB];
	v27 =	vadd.s32 v2, v37  }
0x610: {  	[tilespmem:s13], [sflag:$0x4] =	stream.indirect_vreg.gather [hbm4b:s6+s2], $0x80, v35, vm0, $0xb8;
	[tilespmem:$0x10480] =	vst v63  }
0x611: {  	v25 =	vperm.xlane v25, v17;
	v39 =	vadd.s32 v2, v38;
	s13 =	sld [smem:$0x7AC]  }
0x612: {  	[tilespmem:s12], [sflag:$0x4] =	stream.indirect_vreg.gather [hbm4b:s6+s2], $0x80, v26, vm0, $0xb8;
	[tilespmem:$0x10480] =	vst v63  }
0x613: {  	v25 =	vadd.s32 v2, v25;
	s12 =	sld [smem:$0x7AD]  }
0x614: {  	[tilespmem:s13], [sflag:$0x4] =	stream.indirect_vreg.gather [hbm4b:s6+s2], $0x80, v27, vm0, $0xb8;
	[tilespmem:$0x10480] =	vst v63  }
0x615: {  	s13 =	sld [smem:$0x7AE]  }
0x616: {  	[tilespmem:s12], [sflag:$0x4] =	stream.indirect_vreg.gather [hbm4b:s6+s2], $0x80, v39, vm0, $0xb8;
	[tilespmem:$0x10480] =	vst v63  }
0x617: {  	_ = 	snop  }
0x618: {  	[tilespmem:s13], [sflag:$0x4] =	stream.indirect_vreg.gather [hbm4b:s6+s2], $0x80, v25, vm0, $0xb8;
	[tilespmem:$0x10480] =	vst v63  }
0x619: {  	v25 =	vld [tilespmem:$0x1A0];
	_ =	sdelay $0x4  }
0x61a: {  	v26 =	vshll.u32 v25, $0x7  }
0x61b: {  	v25 =	vand.u32 $0x7, v25;
	v26 =	vand.u32 $0xFFFFFC00, v26  }
0x61c: {  	v25 =	vor.u32 v25, v26  }
0x61d: {  	v26 =	vperm.xlane v25, v1;
	_ =	sdelay $0x1  }
0x61e: {  	v27 =	vperm.xlane v25, v3;
	v26 =	vadd.s32 v2, v26;
	_ =	sdelay $0x1  }
0x61f: {  	s12 =	sld [smem:$0x7AF];
	v40 =	vperm.xlane v25, v15;
	v27 =	vadd.s32 v2, v27;
	_ =	sdelay $0x1  }
0x620: {  	s13 =	sld [smem:$0x7B0];
	v41 =	vperm.xlane v25, v4;
	v28 =	vadd.s32 v2, v40  }
0x621: {  	[tilespmem:s12], [sflag:$0x4] =	stream.indirect_vreg.gather [hbm4b:s6+s2], $0x80, v26, vm0, $0xb8;
	[tilespmem:$0x10480] =	vst v63  }
0x622: {  	v42 =	vperm.xlane v25, v5;
	s12 =	sld [smem:$0x7B1];
	v26 =	vadd.s32 v2, v41  }
0x623: {  	[tilespmem:s13], [sflag:$0x4] =	stream.indirect_vreg.gather [hbm4b:s6+s2], $0x80, v27, vm0, $0xb8;
	[tilespmem:$0x10480] =	vst v63  }
0x624: {  	v43 =	vperm.xlane v25, v6;
	s13 =	sld [smem:$0x7B2];
	v27 =	vadd.s32 v2, v42  }
0x625: {  	[tilespmem:s12], [sflag:$0x4] =	stream.indirect_vreg.gather [hbm4b:s6+s2], $0x80, v28, vm0, $0xb8;
	[tilespmem:$0x10480] =	vst v63  }
0x626: {  	v45 =	vperm.xlane v25, v7;
	v44 =	vadd.s32 v2, v43;
	s12 =	sld [smem:$0x7B3]  }
0x627: {  	[tilespmem:s13], [sflag:$0x4] =	stream.indirect_vreg.gather [hbm4b:s6+s2], $0x80, v26, vm0, $0xb8;
	[tilespmem:$0x10480] =	vst v63  }
0x628: {  	v46 =	vperm.xlane v25, v0;
	s13 =	sld [smem:$0x7B4];
	v26 =	vadd.s32 v2, v45  }
0x629: {  	[tilespmem:s12], [sflag:$0x4] =	stream.indirect_vreg.gather [hbm4b:s6+s2], $0x80, v27, vm0, $0xb8;
	[tilespmem:$0x10480] =	vst v63  }
0x62a: {  	v47 =	vperm.xlane v25, v8;
	s12 =	sld [smem:$0x7B5];
	v27 =	vadd.s32 v2, v46  }
0x62b: {  	[tilespmem:s13], [sflag:$0x4] =	stream.indirect_vreg.gather [hbm4b:s6+s2], $0x80, v44, vm0, $0xb8;
	[tilespmem:$0x10480] =	vst v63  }
0x62c: {  	v49 =	vperm.xlane v25, v9;
	v48 =	vadd.s32 v2, v47;
	s13 =	sld [smem:$0x7B6]  }
0x62d: {  	[tilespmem:s12], [sflag:$0x4] =	stream.indirect_vreg.gather [hbm4b:s6+s2], $0x80, v26, vm0, $0xb8;
	[tilespmem:$0x10480] =	vst v63  }
0x62e: {  	v50 =	vperm.xlane v25, v10;
	s12 =	sld [smem:$0x7B7];
	v26 =	vadd.s32 v2, v49  }
0x62f: {  	[tilespmem:s13], [sflag:$0x4] =	stream.indirect_vreg.gather [hbm4b:s6+s2], $0x80, v27, vm0, $0xb8;
	[tilespmem:$0x10480] =	vst v63  }
0x630: {  	v51 =	vperm.xlane v25, v11;
	s13 =	sld [smem:$0x7B8];
	v27 =	vadd.s32 v2, v50  }
0x631: {  	[tilespmem:s12], [sflag:$0x4] =	stream.indirect_vreg.gather [hbm4b:s6+s2], $0x80, v48, vm0, $0xb8;
	[tilespmem:$0x10480] =	vst v63  }
0x632: {  	v53 =	vperm.xlane v25, v13;
	v52 =	vadd.s32 v2, v51;
	s12 =	sld [smem:$0x7B9]  }
0x633: {  	[tilespmem:s13], [sflag:$0x4] =	stream.indirect_vreg.gather [hbm4b:s6+s2], $0x80, v26, vm0, $0xb8;
	[tilespmem:$0x10480] =	vst v63  }
0x634: {  	v54 =	vperm.xlane v25, v14;
	s13 =	sld [smem:$0x7BA];
	v26 =	vadd.s32 v2, v53  }
0x635: {  	[tilespmem:s12], [sflag:$0x4] =	stream.indirect_vreg.gather [hbm4b:s6+s2], $0x80, v27, vm0, $0xb8;
	[tilespmem:$0x10480] =	vst v63  }
0x636: {  	v55 =	vperm.xlane v25, v16;
	s12 =	sld [smem:$0x7BB];
	v27 =	vadd.s32 v2, v54  }
0x637: {  	[tilespmem:s13], [sflag:$0x4] =	stream.indirect_vreg.gather [hbm4b:s6+s2], $0x80, v52, vm0, $0xb8;
	[tilespmem:$0x10480] =	vst v63  }
0x638: {  	v25 =	vperm.xlane v25, v17;
	v56 =	vadd.s32 v2, v55;
	s13 =	sld [smem:$0x7BC]  }
0x639: {  	[tilespmem:s12], [sflag:$0x4] =	stream.indirect_vreg.gather [hbm4b:s6+s2], $0x80, v26, vm0, $0xb8;
	[tilespmem:$0x10480] =	vst v63  }
0x63a: {  	v25 =	vadd.s32 v2, v25;
	s12 =	sld [smem:$0x7BD]  }
0x63b: {  	[tilespmem:s13], [sflag:$0x4] =	stream.indirect_vreg.gather [hbm4b:s6+s2], $0x80, v27, vm0, $0xb8;
	[tilespmem:$0x10480] =	vst v63  }
0x63c: {  	s13 =	sld [smem:$0x7BE]  }
0x63d: {  	[tilespmem:s12], [sflag:$0x4] =	stream.indirect_vreg.gather [hbm4b:s6+s2], $0x80, v56, vm0, $0xb8;
	[tilespmem:$0x10480] =	vst v63  }
0x63e: {  	_ = 	snop  }
0x63f: {  	[tilespmem:s13], [sflag:$0x4] =	stream.indirect_vreg.gather [hbm4b:s6+s2], $0x80, v25, vm0, $0xb8;
	[tilespmem:$0x10480] =	vst v63  }
0x640: {  	v25 =	vld [tilespmem:$0x1B0];
	_ =	sdelay $0x4  }
0x641: {  	v26 =	vshll.u32 v25, $0x7  }
0x642: {  	v25 =	vand.u32 $0x7, v25;
	v26 =	vand.u32 $0xFFFFFC00, v26  }
0x643: {  	v25 =	vor.u32 v25, v26  }
0x644: {  	v26 =	vperm.xlane v25, v1;
	_ =	sdelay $0x1  }
0x645: {  	v27 =	vperm.xlane v25, v3;
	v26 =	vadd.s32 v2, v26;
	_ =	sdelay $0x1  }
0x646: {  	s12 =	sld [smem:$0x7BF];
	v57 =	vperm.xlane v25, v15;
	v27 =	vadd.s32 v2, v27;
	_ =	sdelay $0x1  }
0x647: {  	s13 =	sld [smem:$0x7C0];
	v58 =	vperm.xlane v25, v4;
	v28 =	vadd.s32 v2, v57  }
0x648: {  	[tilespmem:s12], [sflag:$0x4] =	stream.indirect_vreg.gather [hbm4b:s6+s2], $0x80, v26, vm0, $0xb8;
	[tilespmem:$0x10480] =	vst v63  }
0x649: {  	v59 =	vperm.xlane v25, v5;
	s12 =	sld [smem:$0x7C1];
	v26 =	vadd.s32 v2, v58  }
0x64a: {  	[tilespmem:s13], [sflag:$0x4] =	stream.indirect_vreg.gather [hbm4b:s6+s2], $0x80, v27, vm0, $0xb8;
	[tilespmem:$0x10480] =	vst v63  }
0x64b: {  	v60 =	vperm.xlane v25, v6;
	s13 =	sld [smem:$0x7C2];
	v27 =	vadd.s32 v2, v59  }
0x64c: {  	[tilespmem:s12], [sflag:$0x4] =	stream.indirect_vreg.gather [hbm4b:s6+s2], $0x80, v28, vm0, $0xb8;
	[tilespmem:$0x10480] =	vst v63  }
0x64d: {  	v62 =	vperm.xlane v25, v7;
	v61 =	vadd.s32 v2, v60;
	s12 =	sld [smem:$0x7C3]  }
0x64e: {  	[tilespmem:s13], [sflag:$0x4] =	stream.indirect_vreg.gather [hbm4b:s6+s2], $0x80, v26, vm0, $0xb8;
	[tilespmem:$0x10480] =	vst v63  }
0x64f: {  	v63 =	vperm.xlane v25, v0;
	s13 =	sld [smem:$0x7C4];
	v26 =	vadd.s32 v2, v62  }
0x650: {  	[tilespmem:s12], [sflag:$0x4] =	stream.indirect_vreg.gather [hbm4b:s6+s2], $0x80, v27, vm0, $0xb8;
	[tilespmem:$0x10480] =	vst v63  }
0x651: {  	v32 =	vperm.xlane v25, v8;
	s12 =	sld [smem:$0x7C5];
	v27 =	vadd.s32 v2, v63  }
0x652: {  	[tilespmem:s13], [sflag:$0x4] =	stream.indirect_vreg.gather [hbm4b:s6+s2], $0x80, v61, vm0, $0xb8;
	[tilespmem:$0x10480] =	vst v63  }
0x653: {  	v34 =	vperm.xlane v25, v9;
	v33 =	vadd.s32 v2, v32;
	s13 =	sld [smem:$0x7C6]  }
0x654: {  	[tilespmem:s12], [sflag:$0x4] =	stream.indirect_vreg.gather [hbm4b:s6+s2], $0x80, v26, vm0, $0xb8;
	[tilespmem:$0x10480] =	vst v63  }
0x655: {  	v35 =	vperm.xlane v25, v10;
	s12 =	sld [smem:$0x7C7];
	v26 =	vadd.s32 v2, v34  }
0x656: {  	[tilespmem:s13], [sflag:$0x4] =	stream.indirect_vreg.gather [hbm4b:s6+s2], $0x80, v27, vm0, $0xb8;
	[tilespmem:$0x10480] =	vst v63  }
0x657: {  	v36 =	vperm.xlane v25, v11;
	s13 =	sld [smem:$0x7C8];
	v27 =	vadd.s32 v2, v35  }
0x658: {  	[tilespmem:s12], [sflag:$0x4] =	stream.indirect_vreg.gather [hbm4b:s6+s2], $0x80, v33, vm0, $0xb8;
	[tilespmem:$0x10480] =	vst v63  }
0x659: {  	v38 =	vperm.xlane v25, v13;
	v37 =	vadd.s32 v2, v36;
	s12 =	sld [smem:$0x7C9]  }
0x65a: {  	[tilespmem:s13], [sflag:$0x4] =	stream.indirect_vreg.gather [hbm4b:s6+s2], $0x80, v26, vm0, $0xb8;
	[tilespmem:$0x10480] =	vst v63  }
0x65b: {  	v39 =	vperm.xlane v25, v14;
	s13 =	sld [smem:$0x7CA];
	v26 =	vadd.s32 v2, v38  }
0x65c: {  	[tilespmem:s12], [sflag:$0x4] =	stream.indirect_vreg.gather [hbm4b:s6+s2], $0x80, v27, vm0, $0xb8;
	[tilespmem:$0x10480] =	vst v63  }
0x65d: {  	v40 =	vperm.xlane v25, v16;
	s12 =	sld [smem:$0x7CB];
	v27 =	vadd.s32 v2, v39  }
0x65e: {  	[tilespmem:s13], [sflag:$0x4] =	stream.indirect_vreg.gather [hbm4b:s6+s2], $0x80, v37, vm0, $0xb8;
	[tilespmem:$0x10480] =	vst v63  }
0x65f: {  	v25 =	vperm.xlane v25, v17;
	v41 =	vadd.s32 v2, v40;
	s13 =	sld [smem:$0x7CC]  }
0x660: {  	[tilespmem:s12], [sflag:$0x4] =	stream.indirect_vreg.gather [hbm4b:s6+s2], $0x80, v26, vm0, $0xb8;
	[tilespmem:$0x10480] =	vst v63  }
0x661: {  	v25 =	vadd.s32 v2, v25;
	s12 =	sld [smem:$0x7CD]  }
0x662: {  	[tilespmem:s13], [sflag:$0x4] =	stream.indirect_vreg.gather [hbm4b:s6+s2], $0x80, v27, vm0, $0xb8;
	[tilespmem:$0x10480] =	vst v63  }
0x663: {  	s13 =	sld [smem:$0x7CE]  }
0x664: {  	[tilespmem:s12], [sflag:$0x4] =	stream.indirect_vreg.gather [hbm4b:s6+s2], $0x80, v41, vm0, $0xb8;
	[tilespmem:$0x10480] =	vst v63  }
0x665: {  	_ = 	snop  }
0x666: {  	[tilespmem:s13], [sflag:$0x4] =	stream.indirect_vreg.gather [hbm4b:s6+s2], $0x80, v25, vm0, $0xb8;
	[tilespmem:$0x10480] =	vst v63  }
0x667: {  	v25 =	vld [tilespmem:$0x1C0];
	_ =	sdelay $0x4  }
0x668: {  	v26 =	vshll.u32 v25, $0x7  }
0x669: {  	v25 =	vand.u32 $0x7, v25;
	v26 =	vand.u32 $0xFFFFFC00, v26  }
0x66a: {  	v25 =	vor.u32 v25, v26  }
0x66b: {  	v26 =	vperm.xlane v25, v1;
	_ =	sdelay $0x1  }
0x66c: {  	v27 =	vperm.xlane v25, v3;
	v26 =	vadd.s32 v2, v26;
	_ =	sdelay $0x1  }
0x66d: {  	s12 =	sld [smem:$0x7CF];
	v42 =	vperm.xlane v25, v15;
	v27 =	vadd.s32 v2, v27;
	_ =	sdelay $0x1  }
0x66e: {  	s13 =	sld [smem:$0x7D0];
	v43 =	vperm.xlane v25, v4;
	v28 =	vadd.s32 v2, v42  }
0x66f: {  	[tilespmem:s12], [sflag:$0x4] =	stream.indirect_vreg.gather [hbm4b:s6+s2], $0x80, v26, vm0, $0xb8;
	[tilespmem:$0x10480] =	vst v63  }
0x670: {  	v44 =	vperm.xlane v25, v5;
	s12 =	sld [smem:$0x7D1];
	v26 =	vadd.s32 v2, v43  }
0x671: {  	[tilespmem:s13], [sflag:$0x4] =	stream.indirect_vreg.gather [hbm4b:s6+s2], $0x80, v27, vm0, $0xb8;
	[tilespmem:$0x10480] =	vst v63  }
0x672: {  	v45 =	vperm.xlane v25, v6;
	s13 =	sld [smem:$0x7D2];
	v27 =	vadd.s32 v2, v44  }
0x673: {  	[tilespmem:s12], [sflag:$0x4] =	stream.indirect_vreg.gather [hbm4b:s6+s2], $0x80, v28, vm0, $0xb8;
	[tilespmem:$0x10480] =	vst v63  }
0x674: {  	v47 =	vperm.xlane v25, v7;
	v46 =	vadd.s32 v2, v45;
	s12 =	sld [smem:$0x7D3]  }
0x675: {  	[tilespmem:s13], [sflag:$0x4] =	stream.indirect_vreg.gather [hbm4b:s6+s2], $0x80, v26, vm0, $0xb8;
	[tilespmem:$0x10480] =	vst v63  }
0x676: {  	v48 =	vperm.xlane v25, v0;
	s13 =	sld [smem:$0x7D4];
	v26 =	vadd.s32 v2, v47  }
0x677: {  	[tilespmem:s12], [sflag:$0x4] =	stream.indirect_vreg.gather [hbm4b:s6+s2], $0x80, v27, vm0, $0xb8;
	[tilespmem:$0x10480] =	vst v63  }
0x678: {  	v49 =	vperm.xlane v25, v8;
	s12 =	sld [smem:$0x7D5];
	v27 =	vadd.s32 v2, v48  }
0x679: {  	[tilespmem:s13], [sflag:$0x4] =	stream.indirect_vreg.gather [hbm4b:s6+s2], $0x80, v46, vm0, $0xb8;
	[tilespmem:$0x10480] =	vst v63  }
0x67a: {  	v51 =	vperm.xlane v25, v9;
	v50 =	vadd.s32 v2, v49;
	s13 =	sld [smem:$0x7D6]  }
0x67b: {  	[tilespmem:s12], [sflag:$0x4] =	stream.indirect_vreg.gather [hbm4b:s6+s2], $0x80, v26, vm0, $0xb8;
	[tilespmem:$0x10480] =	vst v63  }
0x67c: {  	v52 =	vperm.xlane v25, v10;
	s12 =	sld [smem:$0x7D7];
	v26 =	vadd.s32 v2, v51  }
0x67d: {  	[tilespmem:s13], [sflag:$0x4] =	stream.indirect_vreg.gather [hbm4b:s6+s2], $0x80, v27, vm0, $0xb8;
	[tilespmem:$0x10480] =	vst v63  }
0x67e: {  	v53 =	vperm.xlane v25, v11;
	s13 =	sld [smem:$0x7D8];
	v27 =	vadd.s32 v2, v52  }
0x67f: {  	[tilespmem:s12], [sflag:$0x4] =	stream.indirect_vreg.gather [hbm4b:s6+s2], $0x80, v50, vm0, $0xb8;
	[tilespmem:$0x10480] =	vst v63  }
0x680: {  	v55 =	vperm.xlane v25, v13;
	v54 =	vadd.s32 v2, v53;
	s12 =	sld [smem:$0x7D9]  }
0x681: {  	[tilespmem:s13], [sflag:$0x4] =	stream.indirect_vreg.gather [hbm4b:s6+s2], $0x80, v26, vm0, $0xb8;
	[tilespmem:$0x10480] =	vst v63  }
0x682: {  	v56 =	vperm.xlane v25, v14;
	s13 =	sld [smem:$0x7DA];
	v26 =	vadd.s32 v2, v55  }
0x683: {  	[tilespmem:s12], [sflag:$0x4] =	stream.indirect_vreg.gather [hbm4b:s6+s2], $0x80, v27, vm0, $0xb8;
	[tilespmem:$0x10480] =	vst v63  }
0x684: {  	v57 =	vperm.xlane v25, v16;
	s12 =	sld [smem:$0x7DB];
	v27 =	vadd.s32 v2, v56  }
0x685: {  	[tilespmem:s13], [sflag:$0x4] =	stream.indirect_vreg.gather [hbm4b:s6+s2], $0x80, v54, vm0, $0xb8;
	[tilespmem:$0x10480] =	vst v63  }
0x686: {  	v25 =	vperm.xlane v25, v17;
	v58 =	vadd.s32 v2, v57;
	s13 =	sld [smem:$0x7DC]  }
0x687: {  	[tilespmem:s12], [sflag:$0x4] =	stream.indirect_vreg.gather [hbm4b:s6+s2], $0x80, v26, vm0, $0xb8;
	[tilespmem:$0x10480] =	vst v63  }
0x688: {  	v25 =	vadd.s32 v2, v25;
	s12 =	sld [smem:$0x7DD]  }
0x689: {  	[tilespmem:s13], [sflag:$0x4] =	stream.indirect_vreg.gather [hbm4b:s6+s2], $0x80, v27, vm0, $0xb8;
	[tilespmem:$0x10480] =	vst v63  }
0x68a: {  	s13 =	sld [smem:$0x7DE]  }
0x68b: {  	[tilespmem:s12], [sflag:$0x4] =	stream.indirect_vreg.gather [hbm4b:s6+s2], $0x80, v58, vm0, $0xb8;
	[tilespmem:$0x10480] =	vst v63  }
0x68c: {  	_ = 	snop  }
0x68d: {  	[tilespmem:s13], [sflag:$0x4] =	stream.indirect_vreg.gather [hbm4b:s6+s2], $0x80, v25, vm0, $0xb8;
	[tilespmem:$0x10480] =	vst v63  }
0x68e: {  	v25 =	vld [tilespmem:$0x1D0];
	_ =	sdelay $0x4  }
0x68f: {  	v26 =	vshll.u32 v25, $0x7  }
0x690: {  	v25 =	vand.u32 $0x7, v25;
	v26 =	vand.u32 $0xFFFFFC00, v26  }
0x691: {  	v25 =	vor.u32 v25, v26  }
0x692: {  	v26 =	vperm.xlane v25, v1;
	_ =	sdelay $0x1  }
0x693: {  	v27 =	vperm.xlane v25, v3;
	v26 =	vadd.s32 v2, v26;
	_ =	sdelay $0x1  }
0x694: {  	s12 =	sld [smem:$0x7DF];
	v59 =	vperm.xlane v25, v15;
	v27 =	vadd.s32 v2, v27;
	_ =	sdelay $0x1  }
0x695: {  	s13 =	sld [smem:$0x7E0];
	v60 =	vperm.xlane v25, v4;
	v28 =	vadd.s32 v2, v59  }
0x696: {  	[tilespmem:s12], [sflag:$0x4] =	stream.indirect_vreg.gather [hbm4b:s6+s2], $0x80, v26, vm0, $0xb8;
	[tilespmem:$0x10480] =	vst v63  }
0x697: {  	v61 =	vperm.xlane v25, v5;
	s12 =	sld [smem:$0x7E1];
	v26 =	vadd.s32 v2, v60  }
0x698: {  	[tilespmem:s13], [sflag:$0x4] =	stream.indirect_vreg.gather [hbm4b:s6+s2], $0x80, v27, vm0, $0xb8;
	[tilespmem:$0x10480] =	vst v63  }
0x699: {  	v62 =	vperm.xlane v25, v6;
	s13 =	sld [smem:$0x7E2];
	v27 =	vadd.s32 v2, v61  }
0x69a: {  	[tilespmem:s12], [sflag:$0x4] =	stream.indirect_vreg.gather [hbm4b:s6+s2], $0x80, v28, vm0, $0xb8;
	[tilespmem:$0x10480] =	vst v63  }
0x69b: {  	v32 =	vperm.xlane v25, v7;
	v63 =	vadd.s32 v2, v62;
	s12 =	sld [smem:$0x7E3]  }
0x69c: {  	[tilespmem:s13], [sflag:$0x4] =	stream.indirect_vreg.gather [hbm4b:s6+s2], $0x80, v26, vm0, $0xb8;
	[tilespmem:$0x10480] =	vst v63  }
0x69d: {  	v33 =	vperm.xlane v25, v0;
	s13 =	sld [smem:$0x7E4];
	v26 =	vadd.s32 v2, v32  }
0x69e: {  	[tilespmem:s12], [sflag:$0x4] =	stream.indirect_vreg.gather [hbm4b:s6+s2], $0x80, v27, vm0, $0xb8;
	[tilespmem:$0x10480] =	vst v63  }
0x69f: {  	v34 =	vperm.xlane v25, v8;
	s12 =	sld [smem:$0x7E5];
	v27 =	vadd.s32 v2, v33  }
0x6a0: {  	[tilespmem:s13], [sflag:$0x4] =	stream.indirect_vreg.gather [hbm4b:s6+s2], $0x80, v63, vm0, $0xb8;
	[tilespmem:$0x10480] =	vst v63  }
0x6a1: {  	v36 =	vperm.xlane v25, v9;
	v35 =	vadd.s32 v2, v34;
	s13 =	sld [smem:$0x7E6]  }
0x6a2: {  	[tilespmem:s12], [sflag:$0x4] =	stream.indirect_vreg.gather [hbm4b:s6+s2], $0x80, v26, vm0, $0xb8;
	[tilespmem:$0x10480] =	vst v63  }
0x6a3: {  	v37 =	vperm.xlane v25, v10;
	s12 =	sld [smem:$0x7E7];
	v26 =	vadd.s32 v2, v36  }
0x6a4: {  	[tilespmem:s13], [sflag:$0x4] =	stream.indirect_vreg.gather [hbm4b:s6+s2], $0x80, v27, vm0, $0xb8;
	[tilespmem:$0x10480] =	vst v63  }
0x6a5: {  	v38 =	vperm.xlane v25, v11;
	s13 =	sld [smem:$0x7E8];
	v27 =	vadd.s32 v2, v37  }
0x6a6: {  	[tilespmem:s12], [sflag:$0x4] =	stream.indirect_vreg.gather [hbm4b:s6+s2], $0x80, v35, vm0, $0xb8;
	[tilespmem:$0x10480] =	vst v63  }
0x6a7: {  	v40 =	vperm.xlane v25, v13;
	v39 =	vadd.s32 v2, v38;
	s12 =	sld [smem:$0x7E9]  }
0x6a8: {  	[tilespmem:s13], [sflag:$0x4] =	stream.indirect_vreg.gather [hbm4b:s6+s2], $0x80, v26, vm0, $0xb8;
	[tilespmem:$0x10480] =	vst v63  }
0x6a9: {  	v41 =	vperm.xlane v25, v14;
	s13 =	sld [smem:$0x7EA];
	v26 =	vadd.s32 v2, v40  }
0x6aa: {  	[tilespmem:s12], [sflag:$0x4] =	stream.indirect_vreg.gather [hbm4b:s6+s2], $0x80, v27, vm0, $0xb8;
	[tilespmem:$0x10480] =	vst v63  }
0x6ab: {  	v42 =	vperm.xlane v25, v16;
	s12 =	sld [smem:$0x7EB];
	v27 =	vadd.s32 v2, v41  }
0x6ac: {  	[tilespmem:s13], [sflag:$0x4] =	stream.indirect_vreg.gather [hbm4b:s6+s2], $0x80, v39, vm0, $0xb8;
	[tilespmem:$0x10480] =	vst v63  }
0x6ad: {  	v25 =	vperm.xlane v25, v17;
	v43 =	vadd.s32 v2, v42;
	s13 =	sld [smem:$0x7EC]  }
0x6ae: {  	[tilespmem:s12], [sflag:$0x4] =	stream.indirect_vreg.gather [hbm4b:s6+s2], $0x80, v26, vm0, $0xb8;
	[tilespmem:$0x10480] =	vst v63  }
0x6af: {  	v25 =	vadd.s32 v2, v25;
	s12 =	sld [smem:$0x7ED]  }
0x6b0: {  	[tilespmem:s13], [sflag:$0x4] =	stream.indirect_vreg.gather [hbm4b:s6+s2], $0x80, v27, vm0, $0xb8;
	[tilespmem:$0x10480] =	vst v63  }
0x6b1: {  	s13 =	sld [smem:$0x7EE]  }
0x6b2: {  	[tilespmem:s12], [sflag:$0x4] =	stream.indirect_vreg.gather [hbm4b:s6+s2], $0x80, v43, vm0, $0xb8;
	[tilespmem:$0x10480] =	vst v63  }
0x6b3: {  	_ = 	snop  }
0x6b4: {  	[tilespmem:s13], [sflag:$0x4] =	stream.indirect_vreg.gather [hbm4b:s6+s2], $0x80, v25, vm0, $0xb8;
	[tilespmem:$0x10480] =	vst v63  }
0x6b5: {  	v25 =	vld [tilespmem:$0x1E0];
	_ =	sdelay $0x4  }
0x6b6: {  	v26 =	vshll.u32 v25, $0x7  }
0x6b7: {  	v25 =	vand.u32 $0x7, v25;
	v26 =	vand.u32 $0xFFFFFC00, v26  }
0x6b8: {  	v25 =	vor.u32 v25, v26  }
0x6b9: {  	v26 =	vperm.xlane v25, v1;
	_ =	sdelay $0x1  }
0x6ba: {  	v27 =	vperm.xlane v25, v3;
	v26 =	vadd.s32 v2, v26;
	_ =	sdelay $0x1  }
0x6bb: {  	s12 =	sld [smem:$0x7EF];
	v44 =	vperm.xlane v25, v15;
	v27 =	vadd.s32 v2, v27;
	_ =	sdelay $0x1  }
0x6bc: {  	s13 =	sld [smem:$0x7F0];
	v45 =	vperm.xlane v25, v4;
	v28 =	vadd.s32 v2, v44  }
0x6bd: {  	[tilespmem:s12], [sflag:$0x4] =	stream.indirect_vreg.gather [hbm4b:s6+s2], $0x80, v26, vm0, $0xb8;
	[tilespmem:$0x10480] =	vst v63  }
0x6be: {  	v46 =	vperm.xlane v25, v5;
	s12 =	sld [smem:$0x7F1];
	v26 =	vadd.s32 v2, v45  }
0x6bf: {  	[tilespmem:s13], [sflag:$0x4] =	stream.indirect_vreg.gather [hbm4b:s6+s2], $0x80, v27, vm0, $0xb8;
	[tilespmem:$0x10480] =	vst v63  }
0x6c0: {  	v47 =	vperm.xlane v25, v6;
	s13 =	sld [smem:$0x7F2];
	v27 =	vadd.s32 v2, v46  }
0x6c1: {  	[tilespmem:s12], [sflag:$0x4] =	stream.indirect_vreg.gather [hbm4b:s6+s2], $0x80, v28, vm0, $0xb8;
	[tilespmem:$0x10480] =	vst v63  }
0x6c2: {  	v49 =	vperm.xlane v25, v7;
	v48 =	vadd.s32 v2, v47;
	s12 =	sld [smem:$0x7F3]  }
0x6c3: {  	[tilespmem:s13], [sflag:$0x4] =	stream.indirect_vreg.gather [hbm4b:s6+s2], $0x80, v26, vm0, $0xb8;
	[tilespmem:$0x10480] =	vst v63  }
0x6c4: {  	v50 =	vperm.xlane v25, v0;
	s13 =	sld [smem:$0x7F4];
	v26 =	vadd.s32 v2, v49  }
0x6c5: {  	[tilespmem:s12], [sflag:$0x4] =	stream.indirect_vreg.gather [hbm4b:s6+s2], $0x80, v27, vm0, $0xb8;
	[tilespmem:$0x10480] =	vst v63  }
0x6c6: {  	v51 =	vperm.xlane v25, v8;
	s12 =	sld [smem:$0x7F5];
	v27 =	vadd.s32 v2, v50  }
0x6c7: {  	[tilespmem:s13], [sflag:$0x4] =	stream.indirect_vreg.gather [hbm4b:s6+s2], $0x80, v48, vm0, $0xb8;
	[tilespmem:$0x10480] =	vst v63  }
0x6c8: {  	v53 =	vperm.xlane v25, v9;
	v52 =	vadd.s32 v2, v51;
	s13 =	sld [smem:$0x7F6]  }
0x6c9: {  	[tilespmem:s12], [sflag:$0x4] =	stream.indirect_vreg.gather [hbm4b:s6+s2], $0x80, v26, vm0, $0xb8;
	[tilespmem:$0x10480] =	vst v63  }
0x6ca: {  	v54 =	vperm.xlane v25, v10;
	s12 =	sld [smem:$0x7F7];
	v26 =	vadd.s32 v2, v53  }
0x6cb: {  	[tilespmem:s13], [sflag:$0x4] =	stream.indirect_vreg.gather [hbm4b:s6+s2], $0x80, v27, vm0, $0xb8;
	[tilespmem:$0x10480] =	vst v63  }
0x6cc: {  	v55 =	vperm.xlane v25, v11;
	s13 =	sld [smem:$0x7F8];
	v27 =	vadd.s32 v2, v54  }
0x6cd: {  	[tilespmem:s12], [sflag:$0x4] =	stream.indirect_vreg.gather [hbm4b:s6+s2], $0x80, v52, vm0, $0xb8;
	[tilespmem:$0x10480] =	vst v63  }
0x6ce: {  	v57 =	vperm.xlane v25, v13;
	v56 =	vadd.s32 v2, v55;
	s12 =	sld [smem:$0x7F9]  }
0x6cf: {  	[tilespmem:s13], [sflag:$0x4] =	stream.indirect_vreg.gather [hbm4b:s6+s2], $0x80, v26, vm0, $0xb8;
	[tilespmem:$0x10480] =	vst v63  }
0x6d0: {  	v58 =	vperm.xlane v25, v14;
	s13 =	sld [smem:$0x7FA];
	v26 =	vadd.s32 v2, v57  }
0x6d1: {  	[tilespmem:s12], [sflag:$0x4] =	stream.indirect_vreg.gather [hbm4b:s6+s2], $0x80, v27, vm0, $0xb8;
	[tilespmem:$0x10480] =	vst v63  }
0x6d2: {  	v59 =	vperm.xlane v25, v16;
	s12 =	sld [smem:$0x795];
	v27 =	vadd.s32 v2, v58  }
0x6d3: {  	[tilespmem:s13], [sflag:$0x4] =	stream.indirect_vreg.gather [hbm4b:s6+s2], $0x80, v56, vm0, $0xb8;
	[tilespmem:$0x10480] =	vst v63  }
0x6d4: {  	v25 =	vperm.xlane v25, v17;
	v60 =	vadd.s32 v2, v59;
	s13 =	sld [smem:$0x794]  }
0x6d5: {  	[tilespmem:s12], [sflag:$0x4] =	stream.indirect_vreg.gather [hbm4b:s6+s2], $0x80, v26, vm0, $0xb8;
	[tilespmem:$0x10480] =	vst v63  }
0x6d6: {  	v25 =	vadd.s32 v2, v25;
	s12 =	sld [smem:$0x71B]  }
0x6d7: {  	[tilespmem:s13], [sflag:$0x4] =	stream.indirect_vreg.gather [hbm4b:s6+s2], $0x80, v27, vm0, $0xb8;
	[tilespmem:$0x10480] =	vst v63  }
0x6d8: {  	s13 =	sld [smem:$0x70D]  }
0x6d9: {  	[tilespmem:s12], [sflag:$0x4] =	stream.indirect_vreg.gather [hbm4b:s6+s2], $0x80, v60, vm0, $0xb8;
	[tilespmem:$0x10480] =	vst v63  }
0x6da: {  	_ = 	snop  }
0x6db: {  	[tilespmem:s13], [sflag:$0x4] =	stream.indirect_vreg.gather [hbm4b:s6+s2], $0x80, v25, vm0, $0xb8;
	[tilespmem:$0x10480] =	vst v63  }
0x6dc: {  	v25 =	vld [tilespmem:$0x1F0];
	_ =	sdelay $0x4  }
0x6dd: {  	v26 =	vshll.u32 v25, $0x7  }
0x6de: {  	v25 =	vand.u32 $0x7, v25;
	v26 =	vand.u32 $0xFFFFFC00, v26  }
0x6df: {  	v25 =	vor.u32 v25, v26  }
0x6e0: {  	v26 =	vperm.xlane v25, v1;
	_ =	sdelay $0x1  }
0x6e1: {  	v27 =	vperm.xlane v25, v3;
	v26 =	vadd.s32 v2, v26;
	_ =	sdelay $0x1  }
0x6e2: {  	s12 =	sld [smem:$0x7FB];
	v61 =	vperm.xlane v25, v15;
	v27 =	vadd.s32 v2, v27;
	_ =	sdelay $0x1  }
0x6e3: {  	s13 =	sld [smem:$0x7FC];
	v62 =	vperm.xlane v25, v4;
	v28 =	vadd.s32 v2, v61  }
0x6e4: {  	[tilespmem:s12], [sflag:$0x4] =	stream.indirect_vreg.gather [hbm4b:s6+s2], $0x80, v26, vm0, $0xb8;
	[tilespmem:$0x10480] =	vst v63  }
0x6e5: {  	v63 =	vperm.xlane v25, v5;
	s12 =	sld [smem:$0x7FD];
	v26 =	vadd.s32 v2, v62  }
0x6e6: {  	[tilespmem:s13], [sflag:$0x4] =	stream.indirect_vreg.gather [hbm4b:s6+s2], $0x80, v27, vm0, $0xb8;
	[tilespmem:$0x10480] =	vst v63  }
0x6e7: {  	v32 =	vperm.xlane v25, v6;
	v27 =	vadd.s32 v2, v63  }
0x6e8: {  	[tilespmem:s12], [sflag:$0x4] =	stream.indirect_vreg.gather [hbm4b:s6+s2], $0x80, v28, vm0, $0xb8;
	[tilespmem:$0x10480] =	vst v63  }
0x6e9: {  	v34 =	vperm.xlane v25, v7;
	v33 =	vadd.s32 v2, v32  }
0x6ea: {  	[tilespmem:s24], [sflag:$0x4] =	stream.indirect_vreg.gather [hbm4b:s6+s2], $0x80, v26, vm0, $0xb8;
	[tilespmem:$0x10480] =	vst v63  }
0x6eb: {  	v35 =	vperm.xlane v25, v0;
	v26 =	vadd.s32 v2, v34  }
0x6ec: {  	[tilespmem:s22], [sflag:$0x4] =	stream.indirect_vreg.gather [hbm4b:s6+s2], $0x80, v27, vm0, $0xb8;
	[tilespmem:$0x10480] =	vst v63  }
0x6ed: {  	v36 =	vperm.xlane v25, v8;
	s13 =	simm.s32 $0xFE80;
	v27 =	vadd.s32 v2, v35  }
0x6ee: {  	[tilespmem:s13], [sflag:$0x4] =	stream.indirect_vreg.gather [hbm4b:s6+s2], $0x80, v33, vm0, $0xb8;
	[tilespmem:$0x10480] =	vst v63  }
0x6ef: {  	v38 =	vperm.xlane v25, v9;
	v37 =	vadd.s32 v2, v36  }
0x6f0: {  	[tilespmem:s21], [sflag:$0x4] =	stream.indirect_vreg.gather [hbm4b:s6+s2], $0x80, v26, vm0, $0xb8;
	[tilespmem:$0x10480] =	vst v63  }
0x6f1: {  	v39 =	vperm.xlane v25, v10;
	v26 =	vadd.s32 v2, v38  }
0x6f2: {  	[tilespmem:s20], [sflag:$0x4] =	stream.indirect_vreg.gather [hbm4b:s6+s2], $0x80, v27, vm0, $0xb8;
	[tilespmem:$0x10480] =	vst v63  }
0x6f3: {  	v40 =	vperm.xlane v25, v11;
	v27 =	vadd.s32 v2, v39  }
0x6f4: {  	[tilespmem:s19], [sflag:$0x4] =	stream.indirect_vreg.gather [hbm4b:s6+s2], $0x80, v37, vm0, $0xb8;
	[tilespmem:$0x10480] =	vst v63  }
0x6f5: {  	v42 =	vperm.xlane v25, v13;
	v41 =	vadd.s32 v2, v40  }
0x6f6: {  	[tilespmem:s18], [sflag:$0x4] =	stream.indirect_vreg.gather [hbm4b:s6+s2], $0x80, v26, vm0, $0xb8;
	[tilespmem:$0x10480] =	vst v63  }
0x6f7: {  	v43 =	vperm.xlane v25, v14;
	v26 =	vadd.s32 v2, v42  }
0x6f8: {  	[tilespmem:s16], [sflag:$0x4] =	stream.indirect_vreg.gather [hbm4b:s6+s2], $0x80, v27, vm0, $0xb8;
	[tilespmem:$0x10480] =	vst v63  }
0x6f9: {  	v44 =	vperm.xlane v25, v16;
	v27 =	vadd.s32 v2, v43  }
0x6fa: {  	[tilespmem:s17], [sflag:$0x4] =	stream.indirect_vreg.gather [hbm4b:s6+s2], $0x80, v41, vm0, $0xb8;
	[tilespmem:$0x10480] =	vst v63  }
0x6fb: {  	v25 =	vperm.xlane v25, v17;
	v45 =	vadd.s32 v2, v44  }
0x6fc: {  	[tilespmem:s15], [sflag:$0x4] =	stream.indirect_vreg.gather [hbm4b:s6+s2], $0x80, v26, vm0, $0xb8;
	[tilespmem:$0x10480] =	vst v63  }
0x6fd: {  	s10 =	simm.s32 $0x10280;
	v25 =	vadd.s32 v2, v25  }
0x6fe: {  	[tilespmem:s10], [sflag:$0x4] =	stream.indirect_vreg.gather [hbm4b:s6+s2], $0x80, v27, vm0, $0xb8;
	[tilespmem:$0x10480] =	vst v63  }
0x6ff: {  	_ = 	snop  }
0x700: {  	[tilespmem:s14], [sflag:$0x4] =	stream.indirect_vreg.gather [hbm4b:s6+s2], $0x80, v45, vm0, $0xb8;
	[tilespmem:$0x10480] =	vst v63  }
0x701: {  	s12 =	simm.s32 $0x10380  }
0x702: {  	[tilespmem:s12], [sflag:$0x4] =	stream.indirect_vreg.gather [hbm4b:s6+s2], $0x80, v25, vm0, $0xb8;
	[tilespmem:$0x10480] =	vst v63  }
0x703: {  	_ =	swait.ge [sflag:s30], $0x200  }
0x704: {  	[sflag:s30] =	ssyncset.done $0x0  }
0x705: {  	[sflag:s30] =	ssyncadd.s32 $0xFFFFFE00  }
0x706: {  	_ =	swait.ge [sflag:s26], $0x4000  }
0x707: {  	[sflag:s26] =	ssyncset.done $0x0  }
0x708: {  	[sflag:s26] =	ssyncadd.s32 $0xFFFFC000  }
0x709: {  	v25 =	vld.idx.msk [tilespmem:v12+s7+$0x0], $0xffff  }
0x70a: {  	v26 =	vld [tilespmem:$0x200]  }
0x70b: {  	v27 =	vld.idx.msk [tilespmem:v18+s7+$0x0], $0xffff  }
0x70c: {  	v46 =	vld [tilespmem:$0x210]  }
0x70d: {  	v47 =	vld.idx.msk [tilespmem:v19+s7+$0x0], $0xffff  }
0x70e: {  	v30 =	vld [tilespmem:$0x220]  }
0x70f: {  	v31 =	vld.idx.msk [tilespmem:v20+s7+$0x0], $0xffff  }
0x710: {  	v32 =	vld [tilespmem:$0x230]  }
0x711: {  	v33 =	vld.idx.msk [tilespmem:v21+s7+$0x0], $0xffff  }
0x712: {  	v34 =	vld [tilespmem:$0x240]  }
0x713: {  	v35 =	vld.idx.msk [tilespmem:v22+s7+$0x0], $0xffff  }
0x714: {  	v36 =	vld [tilespmem:$0x250]  }
0x715: {  	v37 =	vld.idx.msk [tilespmem:v23+s7+$0x0], $0xffff;
	v25 =	vmul.f32 v26, v25  }
0x716: {  	v38 =	vld [tilespmem:$0x260]  }
0x717: {  	v39 =	vld.idx.msk [tilespmem:v24+s7+$0x0], $0xffff;
	v27 =	vmul.f32 v46, v27;
	v25 =	vadd.f32 $0.0e+00, v25  }
0x718: {  	v26 =	vld [tilespmem:$0x270];
	_ =	swait.ge [sflag:s8], $0x4000  }
0x719: {  	[sflag:s8] =	ssyncset.done $0x0;
	v25 =	vadd.f32 v27, v25;
	v27 =	vmul.f32 v30, v47  }
0x71a: {  	[sflag:s8] =	ssyncadd.s32 $0xFFFFC000  }
0x71b: {  	v48 =	vld.idx.msk [tilespmem:v12+s9+$0x0], $0xffff;
	v25 =	vadd.f32 v27, v25;
	v27 =	vmul.f32 v32, v31  }
0x71c: {  	v49 =	vld [tilespmem:$0x280]  }
0x71d: {  	v50 =	vld.idx.msk [tilespmem:v18+s9+$0x0], $0xffff;
	v25 =	vadd.f32 v27, v25;
	v27 =	vmul.f32 v34, v33  }
0x71e: {  	v51 =	vld [tilespmem:$0x290]  }
0x71f: {  	v52 =	vld.idx.msk [tilespmem:v19+s9+$0x0], $0xffff;
	v25 =	vadd.f32 v27, v25;
	v27 =	vmul.f32 v36, v35  }
0x720: {  	v53 =	vld [tilespmem:$0x2A0]  }
0x721: {  	v54 =	vld.idx.msk [tilespmem:v20+s9+$0x0], $0xffff;
	v25 =	vadd.f32 v27, v25;
	v27 =	vmul.f32 v38, v37  }
0x722: {  	v55 =	vld [tilespmem:$0x2B0]  }
0x723: {  	v56 =	vld.idx.msk [tilespmem:v21+s9+$0x0], $0xffff;
	v26 =	vmul.f32 v26, v39;
	v25 =	vadd.f32 v27, v25  }
0x724: {  	v57 =	vld [tilespmem:$0x2C0]  }
0x725: {  	v58 =	vld [tilespmem:$0x2D0];
	v25 =	vadd.f32 v26, v25;
	v26 =	vmul.f32 v49, v48  }
0x726: {  	v59 =	vld.idx.msk [tilespmem:v23+s9+$0x0], $0xffff  }
0x727: {  	v60 =	vld [tilespmem:$0x2E0];
	v25 =	vadd.f32 v26, v25;
	v26 =	vmul.f32 v51, v50  }
0x728: {  	v61 =	vld.idx.msk [tilespmem:v24+s9+$0x0], $0xffff  }
0x729: {  	v62 =	vld [tilespmem:$0x2F0];
	v25 =	vadd.f32 v26, v25;
	v26 =	vmul.f32 v53, v52  }
0x72a: {  	v27 =	vld.idx.msk [tilespmem:v22+s9+$0x0], $0xffff;
	_ =	swait.ge [sflag:s11], $0x4000  }
0x72b: {  	[sflag:s11] =	ssyncset.done $0x0;
	v25 =	vadd.f32 v26, v25;
	v26 =	vmul.f32 v55, v54  }
0x72c: {  	[sflag:s11] =	ssyncadd.s32 $0xFFFFC000  }
0x72d: {  	v63 =	vld.idx.msk [tilespmem:v12+s23+$0x0], $0xffff;
	v25 =	vadd.f32 v26, v25;
	v26 =	vmul.f32 v57, v56  }
0x72e: {  	v37 =	vld [tilespmem:$0x300]  }
0x72f: {  	v39 =	vld.idx.msk [tilespmem:v18+s23+$0x0], $0xffff;
	v25 =	vadd.f32 v26, v25;
	v26 =	vmul.f32 v58, v27  }
0x730: {  	v40 =	vld.idx.msk [tilespmem:v19+s23+$0x0], $0xffff  }
0x731: {  	v41 =	vld [tilespmem:$0x320];
	v25 =	vadd.f32 v26, v25;
	v26 =	vmul.f32 v60, v59  }
0x732: {  	v27 =	vld [tilespmem:$0x310]  }
0x733: {  	v42 =	vld.idx.msk [tilespmem:v20+s23+$0x0], $0xffff;
	v25 =	vadd.f32 v26, v25;
	v26 =	vmul.f32 v62, v61  }
0x734: {  	v43 =	vld [tilespmem:$0x330]  }
0x735: {  	v44 =	vld.idx.msk [tilespmem:v21+s23+$0x0], $0xffff;
	v25 =	vadd.f32 v26, v25;
	v26 =	vmul.f32 v37, v63  }
0x736: {  	v45 =	vld [tilespmem:$0x340]  }
0x737: {  	v46 =	vld.idx.msk [tilespmem:v22+s23+$0x0], $0xffff;
	v25 =	vadd.f32 v26, v25;
	v26 =	vmul.f32 v27, v39  }
0x738: {  	v47 =	vld.idx.msk [tilespmem:v23+s23+$0x0], $0xffff  }
0x739: {  	v48 =	vld [tilespmem:$0x360];
	v25 =	vadd.f32 v26, v25;
	v26 =	vmul.f32 v41, v40  }
0x73a: {  	v27 =	vld [tilespmem:$0x350]  }
0x73b: {  	v49 =	vld.idx.msk [tilespmem:v24+s23+$0x0], $0xffff;
	v25 =	vadd.f32 v26, v25;
	v26 =	vmul.f32 v43, v42  }
0x73c: {  	v50 =	vld [tilespmem:$0x370];
	_ =	swait.ge [sflag:s28], $0x4000  }
0x73d: {  	[sflag:s28] =	ssyncset.done $0x0;
	v25 =	vadd.f32 v26, v25;
	v26 =	vmul.f32 v45, v44  }
0x73e: {  	[sflag:s28] =	ssyncadd.s32 $0xFFFFC000  }
0x73f: {  	v51 =	vld [tilespmem:$0x380];
	v25 =	vadd.f32 v26, v25;
	v26 =	vmul.f32 v27, v46  }
0x740: {  	v27 =	vld.idx.msk [tilespmem:v12+s29+$0x0], $0xffff  }
0x741: {  	v52 =	vld.idx.msk [tilespmem:v18+s29+$0x0], $0xffff;
	v25 =	vadd.f32 v26, v25;
	v26 =	vmul.f32 v48, v47  }
0x742: {  	v53 =	vld [tilespmem:$0x390]  }
0x743: {  	v54 =	vld.idx.msk [tilespmem:v19+s29+$0x0], $0xffff;
	v25 =	vadd.f32 v26, v25;
	v26 =	vmul.f32 v50, v49  }
0x744: {  	v55 =	vld [tilespmem:$0x3A0]  }
0x745: {  	v56 =	vld [tilespmem:$0x3B0];
	v25 =	vadd.f32 v26, v25;
	v26 =	vmul.f32 v51, v27  }
0x746: {  	v27 =	vld.idx.msk [tilespmem:v20+s29+$0x0], $0xffff  }
0x747: {  	v57 =	vld.idx.msk [tilespmem:v21+s29+$0x0], $0xffff;
	v25 =	vadd.f32 v26, v25;
	v26 =	vmul.f32 v53, v52  }
0x748: {  	v58 =	vld [tilespmem:$0x3C0]  }
0x749: {  	v59 =	vld.idx.msk [tilespmem:v22+s29+$0x0], $0xffff;
	v25 =	vadd.f32 v26, v25;
	v26 =	vmul.f32 v55, v54  }
0x74a: {  	v60 =	vld [tilespmem:$0x3D0]  }
0x74b: {  	v61 =	vld [tilespmem:$0x3E0];
	v25 =	vadd.f32 v26, v25;
	v26 =	vmul.f32 v56, v27  }
0x74c: {  	v27 =	vld.idx.msk [tilespmem:v23+s29+$0x0], $0xffff  }
0x74d: {  	v62 =	vld.idx.msk [tilespmem:v24+s29+$0x0], $0xffff;
	v25 =	vadd.f32 v26, v25;
	v26 =	vmul.f32 v58, v57  }
0x74e: {  	v63 =	vld [tilespmem:$0x3F0]  }
0x74f: {  	v25 =	vadd.f32 v26, v25;
	v26 =	vmul.f32 v60, v59;
	_ =	sdelay $0x1  }
0x750: {  	v25 =	vadd.f32 v26, v25;
	v26 =	vmul.f32 v61, v27;
	_ =	sdelay $0x1  }
0x751: {  	v25 =	vadd.f32 v26, v25;
	v26 =	vmul.f32 v63, v62;
	_ =	sdelay $0x1  }
0x752: {  	v25 =	vadd.f32 v26, v25;
	_ =	sdelay $0x1  }
0x753: {  	v25 =	vsub.f32 $0.0e+00, v25  }
0x754: {  	p0 =	sne.s32 s25, $0x1  }
.Ltmp0:
0x755: {  	s13 =	rddreg [dreg:$0xa];
	[tilespmem:$0x10400] =	vst v25;
	(pc) =	sbr.rel @p0 .LBB2_1-.Ltmp0, $4  }
0x756: {  	[hbm4b:s13+s2] =	stream.linear.scatter [tilespmem:s31], [sflag:$0x6], $0x80, $0x38;
	[tilespmem:$0x10480] =	vst v63  }
0x757: {  	_ =	swait.ge [sflag:s0], $0x80  }
0x758: {  	[sflag:s0] =	ssyncset.done $0x0  }
0x759: {  	s25 =	sadd.s32 $0xFFFFFFFF, s25;
	[sflag:s0] =	ssyncadd.s32 $0xFFFFFF80  }
0x75a: {  	_ =	sfence.sel $0x180000  }
0x75b: {  	[bflag:$0x0] =	sbarrier.arrive $0xFFFF  }
0x75c: {  	_ =	strace $0x90000047  }
0x75d: {  	s0 =	stileid.u32;
	[bflag:$0x2] =	sbarrier.arrive $0xFFFF  }
0x75e: {  	p0 =	sne.s32 s0, $0x0;
	s0 =	rddreg [dreg:$0x4]  }
0x75f: {  	s0 =	sadd.s32 @!p0 $0x100000, s0  }
0x760: {  	[sflag:s0] =	ssyncadd.tile.s32 @!p0 $0x1;
	_ =	shalt  }
.Lfunc_end2:
_tile_overlayer_lowered:
.L_overlay_start_2:
0x761: {  	(tag) =	ssettag $0x2  }
0x762: {  	s0 =	rddreg [dreg:$0x0];
	s2 =	stileid.u32  }
0x763: {  	s1 =	rddreg [dreg:$0x1];
	p0 =	sne.s32 s2, $0x0  }
0x764: {  	s3 =	rddreg [dreg:$0x2];
	[bflag:$0x3] =	sbarrier.arrive $0xFFFF;
	s2 =	simm.s32 @!p0 $0x1C06  }
0x765: {  	[timem:s3], [sflag:s2] =	dma.local @!p0 [hbm:s0], s1  }
0x766: {  	s0 =	simm.s32 @!p0 $0x6  }
0x767: {  	_ =	swait.ge @!p0 [sflag:s0], s1  }
0x768: {  	s1 =	ssub.s32 @!p0 $0x0, s1;
	[sflag:s0] =	ssyncset.done @!p0 $0x0  }
0x769: {  	[sflag:s0] =	ssyncadd.s32 @!p0 s1  }
0x76a: {  	[bflag:$0x3] =	sbarrier.arrive $0xFFFF  }
0x76b: {  	_ =	shalt  }

</sc_bundles>
